<compile_context>
chip_gen: v7x
topology: tpu7x:2x2x1
jax: 0.10.2.dev20260603
libtpu: 0.0.44.dev20260713+nightly
codegen_flags: <defaults>
</compile_context>

<pallas_src>
import functools

import jax
import jax.numpy as jnp
from jax import lax
from jax.experimental import pallas as pl
from jax.experimental.pallas import tpu as pltpu
from jax.experimental.pallas import tpu_sc as plsc

_B = 16384
_F = 26
_V = 2068
_D = 128
_TW = 128
_NC = 2
_NS = 16
_NW = _NC * _NS
_RPW = _B // _NW
_CH = 4
_NCH = _RPW // _CH
_IW = _CH * _F


_VP = 2080


def _prep_body(emb1_ref, emb2_ref, taug_ref, c_ref):
    e2 = emb2_ref[...]
    rowsq = jnp.sum(e2 * e2, axis=1, keepdims=True)
    comb = emb1_ref[...] - 0.5 * rowsq
    taug_ref[...] = jnp.concatenate(
        [e2, jnp.zeros((_VP - _V, _TW), jnp.float32)], axis=0)
    c_ref[...] = jnp.concatenate(
        [comb, jnp.zeros((_VP - _V, 1), jnp.float32)], axis=0)


def _sc_body(taug, cvec, idxp, d0, d1, d2, wb, out,
             idx_v, tspm, c_v, buf0, buf1, buf2, buf3, d0_v, d1_v, d2_v,
             wb_v, out_v, sem0, sem1, sem2, sem3):
    wid = lax.axis_index("s") * _NC + lax.axis_index("c")

    sid = lax.axis_index("s")
    rows_per_sub = 130
    rbase = sid * rows_per_sub
    pltpu.sync_copy(taug.at[pl.ds(rbase, rows_per_sub)],
                    tspm.at[pl.ds(rbase, rows_per_sub)])

    plsc.subcore_barrier()

    pltpu.sync_copy(cvec, c_v)
    pltpu.sync_copy(idxp.at[pl.ds(wid * _NCH, _NCH)], idx_v)
    pltpu.sync_copy(d0.at[pl.ds(wid * _RPW, _RPW)], d0_v)
    pltpu.sync_copy(d1.at[pl.ds(wid * _RPW, _RPW)], d1_v)
    pltpu.sync_copy(d2.at[pl.ds(wid * _RPW, _RPW)], d2_v)
    pltpu.sync_copy(wb, wb_v)

    def start(j, buf, sem, src):
        pltpu.make_async_copy(src.at[idx_v.at[j]], buf, sem).start()

    def wait(j, buf, sem, src):
        pltpu.make_async_copy(src.at[idx_v.at[j]], buf, sem).wait()

    lanes = lax.iota(jnp.int32, 16)

    def compute(j, buf, yv, lane_base):
        nv = _TW // 16
        for rr in range(_CH):
            base = rr * _F

            def fbody(f, accs):
                return tuple(a + buf[base + f, pl.ds(v * 16, 16)]
                             for v, a in enumerate(accs))

            accs = lax.fori_loop(
                1, _F, fbody,
                tuple(buf[base, pl.ds(v * 16, 16)] for v in range(nv)))
            sq = accs[0] * accs[0]
            for v in range(1, nv):
                sq = sq + accs[v] * accs[v]
            iv1 = idx_v[j, pl.ds(base, 16)]
            iv2 = idx_v[j, pl.ds(base + 10, 16)]
            g1 = plsc.load_gather(c_v, [iv1])
            g2 = plsc.load_gather(c_v, [iv2])
            gc = g1 + jnp.where(lanes >= 6, g2, 0.0)
            s = jnp.sum(0.5 * sq + gc)
            yv = jnp.where(lanes == lane_base + rr, s, yv)
        return yv

    bufs = [buf0, buf1, buf2, buf3]
    sems = [sem0, sem1, sem2, sem3]
    srcs = [tspm, taug, tspm, tspm]
    for p in range(4):
        start(p, bufs[p], sems[p], srcs[p])

    w0 = wb_v[0, pl.ds(0, 16)]
    w1 = wb_v[1, pl.ds(0, 16)]
    w2 = wb_v[2, pl.ds(0, 16)]
    bb = wb_v[3, pl.ds(0, 16)]

    def loop_body(i, carry):
        j0 = 4 * i
        yv = jnp.zeros((16,), jnp.float32)
        for p in range(4):
            wait(j0 + p, bufs[p], sems[p], srcs[p])
            yv = compute(j0 + p, bufs[p], yv, 4 * p)
            start(jnp.minimum(j0 + p + 4, _NCH - 1), bufs[p], sems[p],
                  srcs[p])

        sl = pl.ds(i * 16, 16)
        t = w0 * d0_v[sl] + w1 * d1_v[sl] + w2 * d2_v[sl] + bb
        sfull = yv + t
        out_v[sl] = 1.0 / (1.0 + jnp.exp(-sfull))
        return carry

    lax.fori_loop(0, _NCH // 4, loop_body, 0)
    for p in range(4):
        wait(_NCH - 1, bufs[p], sems[p], srcs[p])
    pltpu.sync_copy(out_v, out.at[pl.ds(wid * _RPW, _RPW)])


@jax.jit
def kernel(dense_input, sparse_input, emb1, emb2, W1, b1):
    taug, cvec = pl.pallas_call(
        _prep_body,
        out_shape=[jax.ShapeDtypeStruct((_VP, _TW), jnp.float32),
                   jax.ShapeDtypeStruct((_VP, 1), jnp.float32)],
    )(emb1, emb2)
    cvec = cvec.reshape(_VP)

    idxp = sparse_input.astype(jnp.int32).reshape(_B // _CH, _IW)
    d0 = dense_input[:, 0]
    d1 = dense_input[:, 1]
    d2 = dense_input[:, 2]
    wb = jnp.broadcast_to(
        jnp.concatenate([W1.reshape(3), b1.reshape(1)]).astype(jnp.float32)[:, None],
        (4, 16),
    )

    mesh = plsc.VectorSubcoreMesh(core_axis_name="c", subcore_axis_name="s")
    sc = functools.partial(
        pl.kernel,
        out_type=jax.ShapeDtypeStruct((_B,), jnp.float32),
        mesh=mesh,
        compiler_params=pltpu.CompilerParams(
            needs_layout_passes=False, use_tc_tiling_on_sc=False
        ),
        scratch_types=[
            pltpu.VMEM((_NCH, _IW), jnp.int32),
            pltpu.VMEM_SHARED((2080, _TW), jnp.float32),
            pltpu.VMEM((2080,), jnp.float32),
            pltpu.VMEM((_IW, _TW), jnp.float32),
            pltpu.VMEM((_IW, _TW), jnp.float32),
            pltpu.VMEM((_IW, _TW), jnp.float32),
            pltpu.VMEM((_IW, _TW), jnp.float32),
            pltpu.VMEM((_RPW,), jnp.float32),
            pltpu.VMEM((_RPW,), jnp.float32),
            pltpu.VMEM((_RPW,), jnp.float32),
            pltpu.VMEM((4, 16), jnp.float32),
            pltpu.VMEM((_RPW,), jnp.float32),
            pltpu.SemaphoreType.DMA,
            pltpu.SemaphoreType.DMA,
            pltpu.SemaphoreType.DMA,
            pltpu.SemaphoreType.DMA,
        ],
    )(_sc_body)
    y = sc(taug, cvec, idxp, d0, d1, d2, wb)
    return y.reshape(_B, 1)

# --- scband reference (transcript-rebuilt; emitter-appended) ---
"""Pipeline reference for scband-deeplight-criteo-70935679861561 (READ-ONLY COPY).

The authoritative reference and input builder live on the scoring server;
editing this copy changes nothing except your own understanding.
"""

import jax, jax.numpy as jnp
import numpy as np

FEATURE_DIM = 2068  # round(feature_size_criteosearch[512])
EMBED_DIM = 128
BATCH = 16384
N_FIELDS = 26


def setup_inputs(seed: int = 0) -> dict:
    key = jax.random.key(seed)
    k1, k2, k3, k4, k5, k6 = jax.random.split(key, 6)
    dense_input = jax.random.normal(k1, (BATCH, 3), dtype=jnp.float32)
    sparse_input = jax.random.randint(k2, (BATCH, N_FIELDS), 0, FEATURE_DIM, dtype=jnp.int64 if jax.config.read('jax_enable_x64') else jnp.int32)
    emb1 = jax.random.normal(k3, (FEATURE_DIM, 1), dtype=jnp.float32)
    emb2 = jax.random.normal(k4, (FEATURE_DIM, EMBED_DIM), dtype=jnp.float32)
    W1 = jax.random.normal(k5, (1, 3), dtype=jnp.float32) * (1.0 / np.sqrt(3.0))
    b1 = jax.random.normal(k6, (1,), dtype=jnp.float32) * (1.0 / np.sqrt(3.0))
    return {"dense_input": dense_input, "sparse_input": sparse_input, "emb1": emb1, "emb2": emb2, "W1": W1, "b1": b1}


def reference(dense_input, sparse_input, emb1, emb2, W1, b1):
    # embedding1 lookup: [B, F, 1]
    sparse_1dim = jnp.take(emb1, sparse_input, axis=0)
    # fm linear part on dense features: [B, 1]
    fm_dense_part = dense_input @ W1.T + b1
    # first-order sparse part: [B, 1]
    fm_sparse_part = jnp.sum(sparse_1dim, axis=1)
    y1 = fm_dense_part + fm_sparse_part
    # embedding2 lookup: [B, F, D]
    sparse_2dim = jnp.take(emb2, sparse_input, axis=0)
    sparse_2dim_sum = jnp.sum(sparse_2dim, axis=1)
    sparse_2dim_sum_square = jnp.square(sparse_2dim_sum)
    sparse_2dim_square = jnp.square(sparse_2dim)
    sparse_2dim_square_sum = jnp.sum(sparse_2dim_square, axis=1)
    sparse_2dim_out = sparse_2dim_sum_square + (-1.0) * sparse_2dim_square_sum
    sparse_2dim_half = sparse_2dim_out * 0.5
    y2 = jnp.sum(sparse_2dim_half, axis=1, keepdims=True)
    y = y1 + y2
    y = jax.nn.sigmoid(y)
    return y

if __name__ == "__main__":
    import jax
    _d = setup_inputs()
    print(jax.jit(kernel)(*tuple(_d.values())))

</pallas_src>

<mosaic_0001>
#map = affine_map<(d0, d1) -> (0, 0)>
#map1 = affine_map<(d0, d1) -> (0)>
module attributes {stable_mosaic.version = 14 : i64} {
  func.func @_sc_body(%arg0: i32, %arg1: i32, %arg2: memref<2080x128xf32, #tpu.memory_space<hbm>>, %arg3: memref<2080xf32, #tpu.memory_space<hbm>>, %arg4: memref<4096x104xi32, #tpu.memory_space<hbm>>, %arg5: memref<16384xf32, #tpu.memory_space<hbm>>, %arg6: memref<16384xf32, #tpu.memory_space<hbm>>, %arg7: memref<16384xf32, #tpu.memory_space<hbm>>, %arg8: memref<4x16xf32, #tpu.memory_space<hbm>>, %arg9: memref<16384xf32, #tpu.memory_space<hbm>>, %arg10: memref<128x104xi32, #tpu.memory_space<vmem>>, %arg11: memref<2080x128xf32, #tpu.memory_space<vmem_shared>>, %arg12: memref<2080xf32, #tpu.memory_space<vmem>>, %arg13: memref<104x128xf32, #tpu.memory_space<vmem>>, %arg14: memref<104x128xf32, #tpu.memory_space<vmem>>, %arg15: memref<104x128xf32, #tpu.memory_space<vmem>>, %arg16: memref<104x128xf32, #tpu.memory_space<vmem>>, %arg17: memref<512xf32, #tpu.memory_space<vmem>>, %arg18: memref<512xf32, #tpu.memory_space<vmem>>, %arg19: memref<512xf32, #tpu.memory_space<vmem>>, %arg20: memref<4x16xf32, #tpu.memory_space<vmem>>, %arg21: memref<512xf32, #tpu.memory_space<vmem>>, %arg22: memref<!tpu.dma_semaphore, #tpu.memory_space<semaphore_mem>>, %arg23: memref<!tpu.dma_semaphore, #tpu.memory_space<semaphore_mem>>, %arg24: memref<!tpu.dma_semaphore, #tpu.memory_space<semaphore_mem>>, %arg25: memref<!tpu.dma_semaphore, #tpu.memory_space<semaphore_mem>>) attributes {dimension_semantics = [#tpu.dimension_semantics<core_parallel>, #tpu.dimension_semantics<subcore_parallel>], iteration_bounds = array<i64: 2, 16>, scalar_prefetch = 0 : i64, scratch_operands = 16 : i64, tpu.core_type = #tpu.core_type<sc_vector_subcore>, window_params = [{transform_indices = #map}, {transform_indices = #map1}, {transform_indices = #map}, {transform_indices = #map1}, {transform_indices = #map1}, {transform_indices = #map1}, {transform_indices = #map}, {transform_indices = #map1}]} {
    %mul3A = arith.constant 2 : i32
    %mul3A_0 = arith.muli %arg1, %mul3A : i32
    %add3A = arith.addi %mul3A_0, %arg0 : i32
    %mul3A_1 = arith.constant 130 : i32
    %mul3A_2 = arith.muli %arg1, %mul3A_1 : i32
    "tpu.region"() ({
      %run_scoped3A = tpu.sem_alloc : memref<!tpu.dma_semaphore, #tpu.memory_space<semaphore_mem>>
      %dma_start3A_87 = arith.constant 0 : i32
      %dma_start3A_88 = tpu.memref_slice %arg11[%mul3A_2, %dma_start3A_87] : memref<2080x128xf32, #tpu.memory_space<vmem_shared>> -> memref<130x128xf32, #tpu.memory_space<vmem_shared>>
      %dma_start3A_89 = arith.constant 0 : i32
      %dma_start3A_90 = tpu.memref_slice %arg2[%mul3A_2, %dma_start3A_89] : memref<2080x128xf32, #tpu.memory_space<hbm>> -> memref<130x128xf32, #tpu.memory_space<hbm>>
      tpu.enqueue_dma source(%dma_start3A_90 : memref<130x128xf32, #tpu.memory_space<hbm>>) target(%dma_start3A_88 : memref<130x128xf32, #tpu.memory_space<vmem_shared>>) target_semaphore(%run_scoped3A : memref<!tpu.dma_semaphore, #tpu.memory_space<semaphore_mem>>)
      %dma_wait3A_91 = arith.constant 0 : i32
      %dma_wait3A_92 = tpu.memref_slice %arg11[%mul3A_2, %dma_wait3A_91] : memref<2080x128xf32, #tpu.memory_space<vmem_shared>> -> memref<130x128xf32, #tpu.memory_space<vmem_shared>>
      %dma_wait3A_93 = arith.constant 0 : i32
      %dma_wait3A_94 = tpu.memref_slice %arg2[%mul3A_2, %dma_wait3A_93] : memref<2080x128xf32, #tpu.memory_space<hbm>> -> memref<130x128xf32, #tpu.memory_space<hbm>>
      tpu.wait_dma2 semaphore(%run_scoped3A : memref<!tpu.dma_semaphore, #tpu.memory_space<semaphore_mem>>) src(%dma_wait3A_94 : memref<130x128xf32, #tpu.memory_space<hbm>>) dst(%dma_wait3A_92 : memref<130x128xf32, #tpu.memory_space<vmem_shared>>)
      tpu.yield
    }) : () -> ()
    %barrier3A = arith.constant 0 : index
    tpu.barrier barrier_id(%barrier3A)
    "tpu.region"() ({
      %run_scoped3A = tpu.sem_alloc : memref<!tpu.dma_semaphore, #tpu.memory_space<semaphore_mem>>
      tpu.enqueue_dma source(%arg3 : memref<2080xf32, #tpu.memory_space<hbm>>) target(%arg12 : memref<2080xf32, #tpu.memory_space<vmem>>) target_semaphore(%run_scoped3A : memref<!tpu.dma_semaphore, #tpu.memory_space<semaphore_mem>>)
      tpu.wait_dma2 semaphore(%run_scoped3A : memref<!tpu.dma_semaphore, #tpu.memory_space<semaphore_mem>>) src(%arg3 : memref<2080xf32, #tpu.memory_space<hbm>>) dst(%arg12 : memref<2080xf32, #tpu.memory_space<vmem>>)
      tpu.yield
    }) : () -> ()
    %mul3A_3 = arith.constant 128 : i32
    %mul3A_4 = arith.muli %add3A, %mul3A_3 : i32
    "tpu.region"() ({
      %run_scoped3A = tpu.sem_alloc : memref<!tpu.dma_semaphore, #tpu.memory_space<semaphore_mem>>
      %dma_start3A_87 = arith.constant 0 : i32
      %dma_start3A_88 = tpu.memref_slice %arg4[%mul3A_4, %dma_start3A_87] : memref<4096x104xi32, #tpu.memory_space<hbm>> -> memref<128x104xi32, #tpu.memory_space<hbm>>
      %dma_start3A_89 = arith.constant 0 : i32
      %dma_start3A_90 = tpu.memref_slice %arg4[%mul3A_4, %dma_start3A_89] : memref<4096x104xi32, #tpu.memory_space<hbm>> -> memref<128x104xi32, #tpu.memory_space<hbm>>
      tpu.enqueue_dma source(%dma_start3A_90 : memref<128x104xi32, #tpu.memory_space<hbm>>) target(%arg10 : memref<128x104xi32, #tpu.memory_space<vmem>>) target_semaphore(%run_scoped3A : memref<!tpu.dma_semaphore, #tpu.memory_space<semaphore_mem>>)
      %dma_wait3A_91 = arith.constant 0 : i32
      %dma_wait3A_92 = tpu.memref_slice %arg4[%mul3A_4, %dma_wait3A_91] : memref<4096x104xi32, #tpu.memory_space<hbm>> -> memref<128x104xi32, #tpu.memory_space<hbm>>
      %dma_wait3A_93 = arith.constant 0 : i32
      %dma_wait3A_94 = tpu.memref_slice %arg4[%mul3A_4, %dma_wait3A_93] : memref<4096x104xi32, #tpu.memory_space<hbm>> -> memref<128x104xi32, #tpu.memory_space<hbm>>
      tpu.wait_dma2 semaphore(%run_scoped3A : memref<!tpu.dma_semaphore, #tpu.memory_space<semaphore_mem>>) src(%dma_wait3A_94 : memref<128x104xi32, #tpu.memory_space<hbm>>) dst(%arg10 : memref<128x104xi32, #tpu.memory_space<vmem>>)
      tpu.yield
    }) : () -> ()
    %mul3A_5 = arith.constant 512 : i32
    %mul3A_6 = arith.muli %add3A, %mul3A_5 : i32
    "tpu.region"() ({
      %run_scoped3A = tpu.sem_alloc : memref<!tpu.dma_semaphore, #tpu.memory_space<semaphore_mem>>
      %dma_start3A_87 = tpu.memref_slice %arg5[%mul3A_6] : memref<16384xf32, #tpu.memory_space<hbm>> -> memref<512xf32, #tpu.memory_space<hbm>>
      %dma_start3A_88 = tpu.memref_slice %arg5[%mul3A_6] : memref<16384xf32, #tpu.memory_space<hbm>> -> memref<512xf32, #tpu.memory_space<hbm>>
      tpu.enqueue_dma source(%dma_start3A_88 : memref<512xf32, #tpu.memory_space<hbm>>) target(%arg17 : memref<512xf32, #tpu.memory_space<vmem>>) target_semaphore(%run_scoped3A : memref<!tpu.dma_semaphore, #tpu.memory_space<semaphore_mem>>)
      %dma_wait3A_89 = tpu.memref_slice %arg5[%mul3A_6] : memref<16384xf32, #tpu.memory_space<hbm>> -> memref<512xf32, #tpu.memory_space<hbm>>
      %dma_wait3A_90 = tpu.memref_slice %arg5[%mul3A_6] : memref<16384xf32, #tpu.memory_space<hbm>> -> memref<512xf32, #tpu.memory_space<hbm>>
      tpu.wait_dma2 semaphore(%run_scoped3A : memref<!tpu.dma_semaphore, #tpu.memory_space<semaphore_mem>>) src(%dma_wait3A_90 : memref<512xf32, #tpu.memory_space<hbm>>) dst(%arg17 : memref<512xf32, #tpu.memory_space<vmem>>)
      tpu.yield
    }) : () -> ()
    %mul3A_7 = arith.constant 512 : i32
    %mul3A_8 = arith.muli %add3A, %mul3A_7 : i32
    "tpu.region"() ({
      %run_scoped3A = tpu.sem_alloc : memref<!tpu.dma_semaphore, #tpu.memory_space<semaphore_mem>>
      %dma_start3A_87 = tpu.memref_slice %arg6[%mul3A_8] : memref<16384xf32, #tpu.memory_space<hbm>> -> memref<512xf32, #tpu.memory_space<hbm>>
      %dma_start3A_88 = tpu.memref_slice %arg6[%mul3A_8] : memref<16384xf32, #tpu.memory_space<hbm>> -> memref<512xf32, #tpu.memory_space<hbm>>
      tpu.enqueue_dma source(%dma_start3A_88 : memref<512xf32, #tpu.memory_space<hbm>>) target(%arg18 : memref<512xf32, #tpu.memory_space<vmem>>) target_semaphore(%run_scoped3A : memref<!tpu.dma_semaphore, #tpu.memory_space<semaphore_mem>>)
      %dma_wait3A_89 = tpu.memref_slice %arg6[%mul3A_8] : memref<16384xf32, #tpu.memory_space<hbm>> -> memref<512xf32, #tpu.memory_space<hbm>>
      %dma_wait3A_90 = tpu.memref_slice %arg6[%mul3A_8] : memref<16384xf32, #tpu.memory_space<hbm>> -> memref<512xf32, #tpu.memory_space<hbm>>
      tpu.wait_dma2 semaphore(%run_scoped3A : memref<!tpu.dma_semaphore, #tpu.memory_space<semaphore_mem>>) src(%dma_wait3A_90 : memref<512xf32, #tpu.memory_space<hbm>>) dst(%arg18 : memref<512xf32, #tpu.memory_space<vmem>>)
      tpu.yield
    }) : () -> ()
    %mul3A_9 = arith.constant 512 : i32
    %mul3A_10 = arith.muli %add3A, %mul3A_9 : i32
    "tpu.region"() ({
      %run_scoped3A = tpu.sem_alloc : memref<!tpu.dma_semaphore, #tpu.memory_space<semaphore_mem>>
      %dma_start3A_87 = tpu.memref_slice %arg7[%mul3A_10] : memref<16384xf32, #tpu.memory_space<hbm>> -> memref<512xf32, #tpu.memory_space<hbm>>
      %dma_start3A_88 = tpu.memref_slice %arg7[%mul3A_10] : memref<16384xf32, #tpu.memory_space<hbm>> -> memref<512xf32, #tpu.memory_space<hbm>>
      tpu.enqueue_dma source(%dma_start3A_88 : memref<512xf32, #tpu.memory_space<hbm>>) target(%arg19 : memref<512xf32, #tpu.memory_space<vmem>>) target_semaphore(%run_scoped3A : memref<!tpu.dma_semaphore, #tpu.memory_space<semaphore_mem>>)
      %dma_wait3A_89 = tpu.memref_slice %arg7[%mul3A_10] : memref<16384xf32, #tpu.memory_space<hbm>> -> memref<512xf32, #tpu.memory_space<hbm>>
      %dma_wait3A_90 = tpu.memref_slice %arg7[%mul3A_10] : memref<16384xf32, #tpu.memory_space<hbm>> -> memref<512xf32, #tpu.memory_space<hbm>>
      tpu.wait_dma2 semaphore(%run_scoped3A : memref<!tpu.dma_semaphore, #tpu.memory_space<semaphore_mem>>) src(%dma_wait3A_90 : memref<512xf32, #tpu.memory_space<hbm>>) dst(%arg19 : memref<512xf32, #tpu.memory_space<vmem>>)
      tpu.yield
    }) : () -> ()
    "tpu.region"() ({
      %run_scoped3A = tpu.sem_alloc : memref<!tpu.dma_semaphore, #tpu.memory_space<semaphore_mem>>
      tpu.enqueue_dma source(%arg8 : memref<4x16xf32, #tpu.memory_space<hbm>>) target(%arg20 : memref<4x16xf32, #tpu.memory_space<vmem>>) target_semaphore(%run_scoped3A : memref<!tpu.dma_semaphore, #tpu.memory_space<semaphore_mem>>)
      tpu.wait_dma2 semaphore(%run_scoped3A : memref<!tpu.dma_semaphore, #tpu.memory_space<semaphore_mem>>) src(%arg8 : memref<4x16xf32, #tpu.memory_space<hbm>>) dst(%arg20 : memref<4x16xf32, #tpu.memory_space<vmem>>)
      tpu.yield
    }) : () -> ()
    %iota3A = tpu.iota {dimensions = array<i32: 0>} : vector<16xi32>
    %dma_start3A = arith.constant 0 : i32
    %dma_start3A_11 = arith.constant 0 : i32
    %dma_start3A_12 = tpu.memref_slice %arg10[%dma_start3A, %dma_start3A_11] : memref<128x104xi32, #tpu.memory_space<vmem>> -> memref<1x104xi32, #tpu.memory_space<vmem>>
    %dma_start3A_13 = tpu.memref_squeeze %dma_start3A_12 : memref<1x104xi32, #tpu.memory_space<vmem>> -> memref<104xi32, #tpu.memory_space<vmem>>
    %dma_start3A_14 = arith.constant 0 : i32
    %dma_start3A_15 = arith.constant 0 : i32
    %dma_start3A_16 = tpu.memref_slice %arg11[%dma_start3A_14, %dma_start3A_15] : memref<2080x128xf32, #tpu.memory_space<vmem_shared>> -> memref<2080x128xf32, #tpu.memory_space<vmem_shared>>
    tpu.enqueue_indirect_dma source(%dma_start3A_16 : memref<2080x128xf32, #tpu.memory_space<vmem_shared>>) target(%arg13 : memref<104x128xf32, #tpu.memory_space<vmem>>) offsets(%dma_start3A_13 : memref<104xi32, #tpu.memory_space<vmem>>) semaphore(%arg22 : memref<!tpu.dma_semaphore, #tpu.memory_space<semaphore_mem>>)
    %dma_start3A_17 = arith.constant 1 : i32
    %dma_start3A_18 = arith.constant 0 : i32
    %dma_start3A_19 = tpu.memref_slice %arg10[%dma_start3A_17, %dma_start3A_18] : memref<128x104xi32, #tpu.memory_space<vmem>> -> memref<1x104xi32, #tpu.memory_space<vmem>>
    %dma_start3A_20 = tpu.memref_squeeze %dma_start3A_19 : memref<1x104xi32, #tpu.memory_space<vmem>> -> memref<104xi32, #tpu.memory_space<vmem>>
    %dma_start3A_21 = arith.constant 0 : i32
    %dma_start3A_22 = arith.constant 0 : i32
    %dma_start3A_23 = tpu.memref_slice %arg2[%dma_start3A_21, %dma_start3A_22] : memref<2080x128xf32, #tpu.memory_space<hbm>> -> memref<2080x128xf32, #tpu.memory_space<hbm>>
    tpu.enqueue_indirect_dma source(%dma_start3A_23 : memref<2080x128xf32, #tpu.memory_space<hbm>>) target(%arg14 : memref<104x128xf32, #tpu.memory_space<vmem>>) offsets(%dma_start3A_20 : memref<104xi32, #tpu.memory_space<vmem>>) semaphore(%arg23 : memref<!tpu.dma_semaphore, #tpu.memory_space<semaphore_mem>>)
    %dma_start3A_24 = arith.constant 2 : i32
    %dma_start3A_25 = arith.constant 0 : i32
    %dma_start3A_26 = tpu.memref_slice %arg10[%dma_start3A_24, %dma_start3A_25] : memref<128x104xi32, #tpu.memory_space<vmem>> -> memref<1x104xi32, #tpu.memory_space<vmem>>
    %dma_start3A_27 = tpu.memref_squeeze %dma_start3A_26 : memref<1x104xi32, #tpu.memory_space<vmem>> -> memref<104xi32, #tpu.memory_space<vmem>>
    %dma_start3A_28 = arith.constant 0 : i32
    %dma_start3A_29 = arith.constant 0 : i32
    %dma_start3A_30 = tpu.memref_slice %arg11[%dma_start3A_28, %dma_start3A_29] : memref<2080x128xf32, #tpu.memory_space<vmem_shared>> -> memref<2080x128xf32, #tpu.memory_space<vmem_shared>>
    tpu.enqueue_indirect_dma source(%dma_start3A_30 : memref<2080x128xf32, #tpu.memory_space<vmem_shared>>) target(%arg15 : memref<104x128xf32, #tpu.memory_space<vmem>>) offsets(%dma_start3A_27 : memref<104xi32, #tpu.memory_space<vmem>>) semaphore(%arg24 : memref<!tpu.dma_semaphore, #tpu.memory_space<semaphore_mem>>)
    %dma_start3A_31 = arith.constant 3 : i32
    %dma_start3A_32 = arith.constant 0 : i32
    %dma_start3A_33 = tpu.memref_slice %arg10[%dma_start3A_31, %dma_start3A_32] : memref<128x104xi32, #tpu.memory_space<vmem>> -> memref<1x104xi32, #tpu.memory_space<vmem>>
    %dma_start3A_34 = tpu.memref_squeeze %dma_start3A_33 : memref<1x104xi32, #tpu.memory_space<vmem>> -> memref<104xi32, #tpu.memory_space<vmem>>
    %dma_start3A_35 = arith.constant 0 : i32
    %dma_start3A_36 = arith.constant 0 : i32
    %dma_start3A_37 = tpu.memref_slice %arg11[%dma_start3A_35, %dma_start3A_36] : memref<2080x128xf32, #tpu.memory_space<vmem_shared>> -> memref<2080x128xf32, #tpu.memory_space<vmem_shared>>
    tpu.enqueue_indirect_dma source(%dma_start3A_37 : memref<2080x128xf32, #tpu.memory_space<vmem_shared>>) target(%arg16 : memref<104x128xf32, #tpu.memory_space<vmem>>) offsets(%dma_start3A_34 : memref<104xi32, #tpu.memory_space<vmem>>) semaphore(%arg25 : memref<!tpu.dma_semaphore, #tpu.memory_space<semaphore_mem>>)
    %get3A = arith.constant 0 : i32
    %get3A_38 = arith.index_cast %get3A : i32 to index
    %get3A_39 = arith.constant 0 : index
    %get3A_40 = tpu.vector_load %arg20[%get3A_38, %get3A_39] {strides = array<i32>} : memref<4x16xf32, #tpu.memory_space<vmem>>, vector<16xf32>,
    %get3A_41 = arith.constant 1 : i32
    %get3A_42 = arith.index_cast %get3A_41 : i32 to index
    %get3A_43 = arith.constant 0 : index
    %get3A_44 = tpu.vector_load %arg20[%get3A_42, %get3A_43] {strides = array<i32>} : memref<4x16xf32, #tpu.memory_space<vmem>>, vector<16xf32>,
    %get3A_45 = arith.constant 2 : i32
    %get3A_46 = arith.index_cast %get3A_45 : i32 to index
    %get3A_47 = arith.constant 0 : index
    %get3A_48 = tpu.vector_load %arg20[%get3A_46, %get3A_47] {strides = array<i32>} : memref<4x16xf32, #tpu.memory_space<vmem>>, vector<16xf32>,
    %get3A_49 = arith.constant 3 : i32
    %get3A_50 = arith.index_cast %get3A_49 : i32 to index
    %get3A_51 = arith.constant 0 : index
    %get3A_52 = tpu.vector_load %arg20[%get3A_50, %get3A_51] {strides = array<i32>} : memref<4x16xf32, #tpu.memory_space<vmem>>, vector<16xf32>,
    %scan3A = arith.constant 0 : i32
    %scan3A_53 = arith.constant 0 : i32
    %scan3A_54 = arith.constant 32 : i32
    %scan3A_55 = arith.addi %scan3A_53, %scan3A_54 : i32
    %scan3A_56 = arith.constant 1 : i32
    scf.for %scan3A_87 = %scan3A_53 to %scan3A_55 step %scan3A_56  : i32 {
      %mul3A_88 = arith.constant 4 : i32
      %mul3A_89 = arith.muli %mul3A_88, %scan3A_87 : i32
      %broadcast_in_dim3A = arith.constant 0.000000e+00 : f32
      %broadcast_in_dim3A_90 = vector.broadcast %broadcast_in_dim3A : f32 to vector<16xf32>
      %add3A_91 = arith.constant 0 : i32
      %add3A_92 = arith.addi %mul3A_89, %add3A_91 : i32
      %dma_wait3A_93 = arith.constant 0 : i32
      %dma_wait3A_94 = tpu.memref_slice %arg10[%add3A_92, %dma_wait3A_93] : memref<128x104xi32, #tpu.memory_space<vmem>> -> memref<1x104xi32, #tpu.memory_space<vmem>>
      %dma_wait3A_95 = tpu.memref_squeeze %dma_wait3A_94 : memref<1x104xi32, #tpu.memory_space<vmem>> -> memref<104xi32, #tpu.memory_space<vmem>>
      %dma_wait3A_96 = arith.constant 0 : i32
      %dma_wait3A_97 = arith.constant 0 : i32
      %dma_wait3A_98 = tpu.memref_slice %arg11[%dma_wait3A_96, %dma_wait3A_97] : memref<2080x128xf32, #tpu.memory_space<vmem_shared>> -> memref<2080x128xf32, #tpu.memory_space<vmem_shared>>
      tpu.wait_indirect_dma semaphore(%arg22 : memref<!tpu.dma_semaphore, #tpu.memory_space<semaphore_mem>>) src(%dma_wait3A_98 : memref<2080x128xf32, #tpu.memory_space<vmem_shared>>) dst(%arg13 : memref<104x128xf32, #tpu.memory_space<vmem>>)
      %add3A_99 = arith.constant 0 : i32
      %add3A_100 = arith.addi %mul3A_89, %add3A_99 : i32
      %get3A_101 = arith.constant 0 : i32
      %get3A_102 = arith.index_cast %get3A_101 : i32 to index
      %get3A_103 = arith.constant 0 : index
      %get3A_104 = tpu.vector_load %arg13[%get3A_102, %get3A_103] {strides = array<i32>} : memref<104x128xf32, #tpu.memory_space<vmem>>, vector<16xf32>,
      %get3A_105 = arith.constant 0 : i32
      %get3A_106 = arith.index_cast %get3A_105 : i32 to index
      %get3A_107 = arith.constant 16 : index
      %get3A_108 = tpu.vector_load %arg13[%get3A_106, %get3A_107] {strides = array<i32>} : memref<104x128xf32, #tpu.memory_space<vmem>>, vector<16xf32>,
      %get3A_109 = arith.constant 0 : i32
      %get3A_110 = arith.index_cast %get3A_109 : i32 to index
      %get3A_111 = arith.constant 32 : index
      %get3A_112 = tpu.vector_load %arg13[%get3A_110, %get3A_111] {strides = array<i32>} : memref<104x128xf32, #tpu.memory_space<vmem>>, vector<16xf32>,
      %get3A_113 = arith.constant 0 : i32
      %get3A_114 = arith.index_cast %get3A_113 : i32 to index
      %get3A_115 = arith.constant 48 : index
      %get3A_116 = tpu.vector_load %arg13[%get3A_114, %get3A_115] {strides = array<i32>} : memref<104x128xf32, #tpu.memory_space<vmem>>, vector<16xf32>,
      %get3A_117 = arith.constant 0 : i32
      %get3A_118 = arith.index_cast %get3A_117 : i32 to index
      %get3A_119 = arith.constant 64 : index
      %get3A_120 = tpu.vector_load %arg13[%get3A_118, %get3A_119] {strides = array<i32>} : memref<104x128xf32, #tpu.memory_space<vmem>>, vector<16xf32>,
      %get3A_121 = arith.constant 0 : i32
      %get3A_122 = arith.index_cast %get3A_121 : i32 to index
      %get3A_123 = arith.constant 80 : index
      %get3A_124 = tpu.vector_load %arg13[%get3A_122, %get3A_123] {strides = array<i32>} : memref<104x128xf32, #tpu.memory_space<vmem>>, vector<16xf32>,
      %get3A_125 = arith.constant 0 : i32
      %get3A_126 = arith.index_cast %get3A_125 : i32 to index
      %get3A_127 = arith.constant 96 : index
      %get3A_128 = tpu.vector_load %arg13[%get3A_126, %get3A_127] {strides = array<i32>} : memref<104x128xf32, #tpu.memory_space<vmem>>, vector<16xf32>,
      %get3A_129 = arith.constant 0 : i32
      %get3A_130 = arith.index_cast %get3A_129 : i32 to index
      %get3A_131 = arith.constant 112 : index
      %get3A_132 = tpu.vector_load %arg13[%get3A_130, %get3A_131] {strides = array<i32>} : memref<104x128xf32, #tpu.memory_space<vmem>>, vector<16xf32>,
      %scan3A_133 = arith.constant 1 : i32
      %scan3A_134 = arith.constant 25 : i32
      %scan3A_135 = arith.addi %scan3A_133, %scan3A_134 : i32
      %scan3A_136 = arith.constant 1 : i32
      %scan3A_137:8 = scf.for %scan3A_1491 = %scan3A_133 to %scan3A_135 step %scan3A_136 iter_args(%scan3A_1492 = %get3A_104, %scan3A_1493 = %get3A_108, %scan3A_1494 = %get3A_112, %scan3A_1495 = %get3A_116, %scan3A_1496 = %get3A_120, %scan3A_1497 = %get3A_124, %scan3A_1498 = %get3A_128, %scan3A_1499 = %get3A_132) -> (vector<16xf32>, vector<16xf32>, vector<16xf32>, vector<16xf32>, vector<16xf32>, vector<16xf32>, vector<16xf32>, vector<16xf32>)  : i32 {
        %add3A_1500 = arith.constant 0 : i32
        %add3A_1501 = arith.addi %add3A_1500, %scan3A_1491 : i32
        %get3A_1502 = arith.index_cast %add3A_1501 : i32 to index
        %get3A_1503 = arith.constant 0 : index
        %get3A_1504 = tpu.vector_load %arg13[%get3A_1502, %get3A_1503] {strides = array<i32>} : memref<104x128xf32, #tpu.memory_space<vmem>>, vector<16xf32>,
        %add3A_1505 = arith.addf %scan3A_1492, %get3A_1504 : vector<16xf32>
        %add3A_1506 = arith.constant 0 : i32
        %add3A_1507 = arith.addi %add3A_1506, %scan3A_1491 : i32
        %get3A_1508 = arith.index_cast %add3A_1507 : i32 to index
        %get3A_1509 = arith.constant 16 : index
        %get3A_1510 = tpu.vector_load %arg13[%get3A_1508, %get3A_1509] {strides = array<i32>} : memref<104x128xf32, #tpu.memory_space<vmem>>, vector<16xf32>,
        %add3A_1511 = arith.addf %scan3A_1493, %get3A_1510 : vector<16xf32>
        %add3A_1512 = arith.constant 0 : i32
        %add3A_1513 = arith.addi %add3A_1512, %scan3A_1491 : i32
        %get3A_1514 = arith.index_cast %add3A_1513 : i32 to index
        %get3A_1515 = arith.constant 32 : index
        %get3A_1516 = tpu.vector_load %arg13[%get3A_1514, %get3A_1515] {strides = array<i32>} : memref<104x128xf32, #tpu.memory_space<vmem>>, vector<16xf32>,
        %add3A_1517 = arith.addf %scan3A_1494, %get3A_1516 : vector<16xf32>
        %add3A_1518 = arith.constant 0 : i32
        %add3A_1519 = arith.addi %add3A_1518, %scan3A_1491 : i32
        %get3A_1520 = arith.index_cast %add3A_1519 : i32 to index
        %get3A_1521 = arith.constant 48 : index
        %get3A_1522 = tpu.vector_load %arg13[%get3A_1520, %get3A_1521] {strides = array<i32>} : memref<104x128xf32, #tpu.memory_space<vmem>>, vector<16xf32>,
        %add3A_1523 = arith.addf %scan3A_1495, %get3A_1522 : vector<16xf32>
        %add3A_1524 = arith.constant 0 : i32
        %add3A_1525 = arith.addi %add3A_1524, %scan3A_1491 : i32
        %get3A_1526 = arith.index_cast %add3A_1525 : i32 to index
        %get3A_1527 = arith.constant 64 : index
        %get3A_1528 = tpu.vector_load %arg13[%get3A_1526, %get3A_1527] {strides = array<i32>} : memref<104x128xf32, #tpu.memory_space<vmem>>, vector<16xf32>,
        %add3A_1529 = arith.addf %scan3A_1496, %get3A_1528 : vector<16xf32>
        %add3A_1530 = arith.constant 0 : i32
        %add3A_1531 = arith.addi %add3A_1530, %scan3A_1491 : i32
        %get3A_1532 = arith.index_cast %add3A_1531 : i32 to index
        %get3A_1533 = arith.constant 80 : index
        %get3A_1534 = tpu.vector_load %arg13[%get3A_1532, %get3A_1533] {strides = array<i32>} : memref<104x128xf32, #tpu.memory_space<vmem>>, vector<16xf32>,
        %add3A_1535 = arith.addf %scan3A_1497, %get3A_1534 : vector<16xf32>
        %add3A_1536 = arith.constant 0 : i32
        %add3A_1537 = arith.addi %add3A_1536, %scan3A_1491 : i32
        %get3A_1538 = arith.index_cast %add3A_1537 : i32 to index
        %get3A_1539 = arith.constant 96 : index
        %get3A_1540 = tpu.vector_load %arg13[%get3A_1538, %get3A_1539] {strides = array<i32>} : memref<104x128xf32, #tpu.memory_space<vmem>>, vector<16xf32>,
        %add3A_1541 = arith.addf %scan3A_1498, %get3A_1540 : vector<16xf32>
        %add3A_1542 = arith.constant 0 : i32
        %add3A_1543 = arith.addi %add3A_1542, %scan3A_1491 : i32
        %get3A_1544 = arith.index_cast %add3A_1543 : i32 to index
        %get3A_1545 = arith.constant 112 : index
        %get3A_1546 = tpu.vector_load %arg13[%get3A_1544, %get3A_1545] {strides = array<i32>} : memref<104x128xf32, #tpu.memory_space<vmem>>, vector<16xf32>,
        %add3A_1547 = arith.addf %scan3A_1499, %get3A_1546 : vector<16xf32>
        scf.yield %add3A_1505, %add3A_1511, %add3A_1517, %add3A_1523, %add3A_1529, %add3A_1535, %add3A_1541, %add3A_1547 : vector<16xf32>, vector<16xf32>, vector<16xf32>, vector<16xf32>, vector<16xf32>, vector<16xf32>, vector<16xf32>, vector<16xf32>
      }
      %scan3A_138 = arith.constant 25 : i32
      %mul3A_139 = arith.mulf %scan3A_137#0, %scan3A_137#0 : vector<16xf32>
      %mul3A_140 = arith.mulf %scan3A_137#1, %scan3A_137#1 : vector<16xf32>
      %add3A_141 = arith.addf %mul3A_139, %mul3A_140 : vector<16xf32>
      %mul3A_142 = arith.mulf %scan3A_137#2, %scan3A_137#2 : vector<16xf32>
      %add3A_143 = arith.addf %add3A_141, %mul3A_142 : vector<16xf32>
      %mul3A_144 = arith.mulf %scan3A_137#3, %scan3A_137#3 : vector<16xf32>
      %add3A_145 = arith.addf %add3A_143, %mul3A_144 : vector<16xf32>
      %mul3A_146 = arith.mulf %scan3A_137#4, %scan3A_137#4 : vector<16xf32>
      %add3A_147 = arith.addf %add3A_145, %mul3A_146 : vector<16xf32>
      %mul3A_148 = arith.mulf %scan3A_137#5, %scan3A_137#5 : vector<16xf32>
      %add3A_149 = arith.addf %add3A_147, %mul3A_148 : vector<16xf32>
      %mul3A_150 = arith.mulf %scan3A_137#6, %scan3A_137#6 : vector<16xf32>
      %add3A_151 = arith.addf %add3A_149, %mul3A_150 : vector<16xf32>
      %mul3A_152 = arith.mulf %scan3A_137#7, %scan3A_137#7 : vector<16xf32>
      %add3A_153 = arith.addf %add3A_151, %mul3A_152 : vector<16xf32>
      %get3A_154 = arith.index_cast %add3A_100 : i32 to index
      %get3A_155 = arith.constant 0 : index
      %get3A_156 = tpu.vector_load %arg10[%get3A_154, %get3A_155] {strides = array<i32>} : memref<128x104xi32, #tpu.memory_space<vmem>>, vector<16xi32>,
      %get3A_157 = arith.index_cast %add3A_100 : i32 to index
      %get3A_158 = arith.constant 10 : index
      %get3A_159 = tpu.vector_load %arg10[%get3A_157, %get3A_158] {strides = array<i32>} : memref<128x104xi32, #tpu.memory_space<vmem>>, vector<16xi32>,
      %gather3A = tpu.vector_load_idx %arg12[%get3A_156] : memref<2080xf32, #tpu.memory_space<vmem>>[vector<16xi32>], vector<16xf32>,
      %gather3A_160 = tpu.vector_load_idx %arg12[%get3A_159] : memref<2080xf32, #tpu.memory_space<vmem>>[vector<16xi32>], vector<16xf32>,
      %ge3A = arith.constant 6 : i32
      %ge3A_161 = vector.broadcast %ge3A : i32 to vector<16xi32>
      %ge3A_162 = arith.cmpi sge, %iota3A, %ge3A_161 : vector<16xi32>
      %jit3A = arith.constant 0.000000e+00 : f32
      %broadcast_in_dim3A_163 = vector.broadcast %jit3A : f32 to vector<16xf32>
      %select_n3A = arith.select %ge3A_162, %gather3A_160, %broadcast_in_dim3A_163 : vector<16xi1>, vector<16xf32>
      %add3A_164 = arith.addf %gather3A, %select_n3A : vector<16xf32>
      %mul3A_165 = arith.constant 5.000000e-01 : f32
      %mul3A_166 = vector.broadcast %mul3A_165 : f32 to vector<16xf32>
      %mul3A_167 = arith.mulf %mul3A_166, %add3A_153 : vector<16xf32>
      %add3A_168 = arith.addf %mul3A_167, %add3A_164 : vector<16xf32>
      %reduce_sum3A = arith.constant true
      %reduce_sum3A_169 = vector.broadcast %reduce_sum3A : i1 to vector<16xi1>
      %reduce_sum3A_170 = tpu.scan <sum>, %add3A_168 masked %reduce_sum3A_169 : vector<16xf32>, vector<16xi1> -> vector<16xf32>
      %reduce_sum3A_171 = vector.extract %reduce_sum3A_170[15] : f32 from vector<16xf32>
      %eq3A = arith.constant 0 : i32
      %eq3A_172 = vector.broadcast %eq3A : i32 to vector<16xi32>
      %eq3A_173 = arith.cmpi eq, %iota3A, %eq3A_172 : vector<16xi32>
      %broadcast_in_dim3A_174 = vector.broadcast %reduce_sum3A_171 : f32 to vector<16xf32>
      %select_n3A_175 = arith.select %eq3A_173, %broadcast_in_dim3A_174, %broadcast_in_dim3A_90 : vector<16xi1>, vector<16xf32>
      %get3A_176 = arith.constant 26 : i32
      %get3A_177 = arith.index_cast %get3A_176 : i32 to index
      %get3A_178 = arith.constant 0 : index
      %get3A_179 = tpu.vector_load %arg13[%get3A_177, %get3A_178] {strides = array<i32>} : memref<104x128xf32, #tpu.memory_space<vmem>>, vector<16xf32>,
      %get3A_180 = arith.constant 26 : i32
      %get3A_181 = arith.index_cast %get3A_180 : i32 to index
      %get3A_182 = arith.constant 16 : index
      %get3A_183 = tpu.vector_load %arg13[%get3A_181, %get3A_182] {strides = array<i32>} : memref<104x128xf32, #tpu.memory_space<vmem>>, vector<16xf32>,
      %get3A_184 = arith.constant 26 : i32
      %get3A_185 = arith.index_cast %get3A_184 : i32 to index
      %get3A_186 = arith.constant 32 : index
      %get3A_187 = tpu.vector_load %arg13[%get3A_185, %get3A_186] {strides = array<i32>} : memref<104x128xf32, #tpu.memory_space<vmem>>, vector<16xf32>,
      %get3A_188 = arith.constant 26 : i32
      %get3A_189 = arith.index_cast %get3A_188 : i32 to index
      %get3A_190 = arith.constant 48 : index
      %get3A_191 = tpu.vector_load %arg13[%get3A_189, %get3A_190] {strides = array<i32>} : memref<104x128xf32, #tpu.memory_space<vmem>>, vector<16xf32>,
      %get3A_192 = arith.constant 26 : i32
      %get3A_193 = arith.index_cast %get3A_192 : i32 to index
      %get3A_194 = arith.constant 64 : index
      %get3A_195 = tpu.vector_load %arg13[%get3A_193, %get3A_194] {strides = array<i32>} : memref<104x128xf32, #tpu.memory_space<vmem>>, vector<16xf32>,
      %get3A_196 = arith.constant 26 : i32
      %get3A_197 = arith.index_cast %get3A_196 : i32 to index
      %get3A_198 = arith.constant 80 : index
      %get3A_199 = tpu.vector_load %arg13[%get3A_197, %get3A_198] {strides = array<i32>} : memref<104x128xf32, #tpu.memory_space<vmem>>, vector<16xf32>,
      %get3A_200 = arith.constant 26 : i32
      %get3A_201 = arith.index_cast %get3A_200 : i32 to index
      %get3A_202 = arith.constant 96 : index
      %get3A_203 = tpu.vector_load %arg13[%get3A_201, %get3A_202] {strides = array<i32>} : memref<104x128xf32, #tpu.memory_space<vmem>>, vector<16xf32>,
      %get3A_204 = arith.constant 26 : i32
      %get3A_205 = arith.index_cast %get3A_204 : i32 to index
      %get3A_206 = arith.constant 112 : index
      %get3A_207 = tpu.vector_load %arg13[%get3A_205, %get3A_206] {strides = array<i32>} : memref<104x128xf32, #tpu.memory_space<vmem>>, vector<16xf32>,
      %scan3A_208 = arith.constant 1 : i32
      %scan3A_209 = arith.constant 25 : i32
      %scan3A_210 = arith.addi %scan3A_208, %scan3A_209 : i32
      %scan3A_211 = arith.constant 1 : i32
      %scan3A_212:8 = scf.for %scan3A_1491 = %scan3A_208 to %scan3A_210 step %scan3A_211 iter_args(%scan3A_1492 = %get3A_179, %scan3A_1493 = %get3A_183, %scan3A_1494 = %get3A_187, %scan3A_1495 = %get3A_191, %scan3A_1496 = %get3A_195, %scan3A_1497 = %get3A_199, %scan3A_1498 = %get3A_203, %scan3A_1499 = %get3A_207) -> (vector<16xf32>, vector<16xf32>, vector<16xf32>, vector<16xf32>, vector<16xf32>, vector<16xf32>, vector<16xf32>, vector<16xf32>)  : i32 {
        %add3A_1500 = arith.constant 26 : i32
        %add3A_1501 = arith.addi %add3A_1500, %scan3A_1491 : i32
        %get3A_1502 = arith.index_cast %add3A_1501 : i32 to index
        %get3A_1503 = arith.constant 0 : index
        %get3A_1504 = tpu.vector_load %arg13[%get3A_1502, %get3A_1503] {strides = array<i32>} : memref<104x128xf32, #tpu.memory_space<vmem>>, vector<16xf32>,
        %add3A_1505 = arith.addf %scan3A_1492, %get3A_1504 : vector<16xf32>
        %add3A_1506 = arith.constant 26 : i32
        %add3A_1507 = arith.addi %add3A_1506, %scan3A_1491 : i32
        %get3A_1508 = arith.index_cast %add3A_1507 : i32 to index
        %get3A_1509 = arith.constant 16 : index
        %get3A_1510 = tpu.vector_load %arg13[%get3A_1508, %get3A_1509] {strides = array<i32>} : memref<104x128xf32, #tpu.memory_space<vmem>>, vector<16xf32>,
        %add3A_1511 = arith.addf %scan3A_1493, %get3A_1510 : vector<16xf32>
        %add3A_1512 = arith.constant 26 : i32
        %add3A_1513 = arith.addi %add3A_1512, %scan3A_1491 : i32
        %get3A_1514 = arith.index_cast %add3A_1513 : i32 to index
        %get3A_1515 = arith.constant 32 : index
        %get3A_1516 = tpu.vector_load %arg13[%get3A_1514, %get3A_1515] {strides = array<i32>} : memref<104x128xf32, #tpu.memory_space<vmem>>, vector<16xf32>,
        %add3A_1517 = arith.addf %scan3A_1494, %get3A_1516 : vector<16xf32>
        %add3A_1518 = arith.constant 26 : i32
        %add3A_1519 = arith.addi %add3A_1518, %scan3A_1491 : i32
        %get3A_1520 = arith.index_cast %add3A_1519 : i32 to index
        %get3A_1521 = arith.constant 48 : index
        %get3A_1522 = tpu.vector_load %arg13[%get3A_1520, %get3A_1521] {strides = array<i32>} : memref<104x128xf32, #tpu.memory_space<vmem>>, vector<16xf32>,
        %add3A_1523 = arith.addf %scan3A_1495, %get3A_1522 : vector<16xf32>
        %add3A_1524 = arith.constant 26 : i32
        %add3A_1525 = arith.addi %add3A_1524, %scan3A_1491 : i32
        %get3A_1526 = arith.index_cast %add3A_1525 : i32 to index
        %get3A_1527 = arith.constant 64 : index
        %get3A_1528 = tpu.vector_load %arg13[%get3A_1526, %get3A_1527] {strides = array<i32>} : memref<104x128xf32, #tpu.memory_space<vmem>>, vector<16xf32>,
        %add3A_1529 = arith.addf %scan3A_1496, %get3A_1528 : vector<16xf32>
        %add3A_1530 = arith.constant 26 : i32
        %add3A_1531 = arith.addi %add3A_1530, %scan3A_1491 : i32
        %get3A_1532 = arith.index_cast %add3A_1531 : i32 to index
        %get3A_1533 = arith.constant 80 : index
        %get3A_1534 = tpu.vector_load %arg13[%get3A_1532, %get3A_1533] {strides = array<i32>} : memref<104x128xf32, #tpu.memory_space<vmem>>, vector<16xf32>,
        %add3A_1535 = arith.addf %scan3A_1497, %get3A_1534 : vector<16xf32>
        %add3A_1536 = arith.constant 26 : i32
        %add3A_1537 = arith.addi %add3A_1536, %scan3A_1491 : i32
        %get3A_1538 = arith.index_cast %add3A_1537 : i32 to index
        %get3A_1539 = arith.constant 96 : index
        %get3A_1540 = tpu.vector_load %arg13[%get3A_1538, %get3A_1539] {strides = array<i32>} : memref<104x128xf32, #tpu.memory_space<vmem>>, vector<16xf32>,
        %add3A_1541 = arith.addf %scan3A_1498, %get3A_1540 : vector<16xf32>
        %add3A_1542 = arith.constant 26 : i32
        %add3A_1543 = arith.addi %add3A_1542, %scan3A_1491 : i32
        %get3A_1544 = arith.index_cast %add3A_1543 : i32 to index
        %get3A_1545 = arith.constant 112 : index
        %get3A_1546 = tpu.vector_load %arg13[%get3A_1544, %get3A_1545] {strides = array<i32>} : memref<104x128xf32, #tpu.memory_space<vmem>>, vector<16xf32>,
        %add3A_1547 = arith.addf %scan3A_1499, %get3A_1546 : vector<16xf32>
        scf.yield %add3A_1505, %add3A_1511, %add3A_1517, %add3A_1523, %add3A_1529, %add3A_1535, %add3A_1541, %add3A_1547 : vector<16xf32>, vector<16xf32>, vector<16xf32>, vector<16xf32>, vector<16xf32>, vector<16xf32>, vector<16xf32>, vector<16xf32>
      }
      %scan3A_213 = arith.constant 25 : i32
      %mul3A_214 = arith.mulf %scan3A_212#0, %scan3A_212#0 : vector<16xf32>
      %mul3A_215 = arith.mulf %scan3A_212#1, %scan3A_212#1 : vector<16xf32>
      %add3A_216 = arith.addf %mul3A_214, %mul3A_215 : vector<16xf32>
      %mul3A_217 = arith.mulf %scan3A_212#2, %scan3A_212#2 : vector<16xf32>
      %add3A_218 = arith.addf %add3A_216, %mul3A_217 : vector<16xf32>
      %mul3A_219 = arith.mulf %scan3A_212#3, %scan3A_212#3 : vector<16xf32>
      %add3A_220 = arith.addf %add3A_218, %mul3A_219 : vector<16xf32>
      %mul3A_221 = arith.mulf %scan3A_212#4, %scan3A_212#4 : vector<16xf32>
      %add3A_222 = arith.addf %add3A_220, %mul3A_221 : vector<16xf32>
      %mul3A_223 = arith.mulf %scan3A_212#5, %scan3A_212#5 : vector<16xf32>
      %add3A_224 = arith.addf %add3A_222, %mul3A_223 : vector<16xf32>
      %mul3A_225 = arith.mulf %scan3A_212#6, %scan3A_212#6 : vector<16xf32>
      %add3A_226 = arith.addf %add3A_224, %mul3A_225 : vector<16xf32>
      %mul3A_227 = arith.mulf %scan3A_212#7, %scan3A_212#7 : vector<16xf32>
      %add3A_228 = arith.addf %add3A_226, %mul3A_227 : vector<16xf32>
      %get3A_229 = arith.index_cast %add3A_100 : i32 to index
      %get3A_230 = arith.constant 26 : index
      %get3A_231 = tpu.vector_load %arg10[%get3A_229, %get3A_230] {strides = array<i32>} : memref<128x104xi32, #tpu.memory_space<vmem>>, vector<16xi32>,
      %get3A_232 = arith.index_cast %add3A_100 : i32 to index
      %get3A_233 = arith.constant 36 : index
      %get3A_234 = tpu.vector_load %arg10[%get3A_232, %get3A_233] {strides = array<i32>} : memref<128x104xi32, #tpu.memory_space<vmem>>, vector<16xi32>,
      %gather3A_235 = tpu.vector_load_idx %arg12[%get3A_231] : memref<2080xf32, #tpu.memory_space<vmem>>[vector<16xi32>], vector<16xf32>,
      %gather3A_236 = tpu.vector_load_idx %arg12[%get3A_234] : memref<2080xf32, #tpu.memory_space<vmem>>[vector<16xi32>], vector<16xf32>,
      %ge3A_237 = arith.constant 6 : i32
      %ge3A_238 = vector.broadcast %ge3A_237 : i32 to vector<16xi32>
      %ge3A_239 = arith.cmpi sge, %iota3A, %ge3A_238 : vector<16xi32>
      %jit3A_240 = arith.constant 0.000000e+00 : f32
      %broadcast_in_dim3A_241 = vector.broadcast %jit3A_240 : f32 to vector<16xf32>
      %select_n3A_242 = arith.select %ge3A_239, %gather3A_236, %broadcast_in_dim3A_241 : vector<16xi1>, vector<16xf32>
      %add3A_243 = arith.addf %gather3A_235, %select_n3A_242 : vector<16xf32>
      %mul3A_244 = arith.constant 5.000000e-01 : f32
      %mul3A_245 = vector.broadcast %mul3A_244 : f32 to vector<16xf32>
      %mul3A_246 = arith.mulf %mul3A_245, %add3A_228 : vector<16xf32>
      %add3A_247 = arith.addf %mul3A_246, %add3A_243 : vector<16xf32>
      %reduce_sum3A_248 = arith.constant true
      %reduce_sum3A_249 = vector.broadcast %reduce_sum3A_248 : i1 to vector<16xi1>
      %reduce_sum3A_250 = tpu.scan <sum>, %add3A_247 masked %reduce_sum3A_249 : vector<16xf32>, vector<16xi1> -> vector<16xf32>
      %reduce_sum3A_251 = vector.extract %reduce_sum3A_250[15] : f32 from vector<16xf32>
      %eq3A_252 = arith.constant 1 : i32
      %eq3A_253 = vector.broadcast %eq3A_252 : i32 to vector<16xi32>
      %eq3A_254 = arith.cmpi eq, %iota3A, %eq3A_253 : vector<16xi32>
      %broadcast_in_dim3A_255 = vector.broadcast %reduce_sum3A_251 : f32 to vector<16xf32>
      %select_n3A_256 = arith.select %eq3A_254, %broadcast_in_dim3A_255, %select_n3A_175 : vector<16xi1>, vector<16xf32>
      %get3A_257 = arith.constant 52 : i32
      %get3A_258 = arith.index_cast %get3A_257 : i32 to index
      %get3A_259 = arith.constant 0 : index
      %get3A_260 = tpu.vector_load %arg13[%get3A_258, %get3A_259] {strides = array<i32>} : memref<104x128xf32, #tpu.memory_space<vmem>>, vector<16xf32>,
      %get3A_261 = arith.constant 52 : i32
      %get3A_262 = arith.index_cast %get3A_261 : i32 to index
      %get3A_263 = arith.constant 16 : index
      %get3A_264 = tpu.vector_load %arg13[%get3A_262, %get3A_263] {strides = array<i32>} : memref<104x128xf32, #tpu.memory_space<vmem>>, vector<16xf32>,
      %get3A_265 = arith.constant 52 : i32
      %get3A_266 = arith.index_cast %get3A_265 : i32 to index
      %get3A_267 = arith.constant 32 : index
      %get3A_268 = tpu.vector_load %arg13[%get3A_266, %get3A_267] {strides = array<i32>} : memref<104x128xf32, #tpu.memory_space<vmem>>, vector<16xf32>,
      %get3A_269 = arith.constant 52 : i32
      %get3A_270 = arith.index_cast %get3A_269 : i32 to index
      %get3A_271 = arith.constant 48 : index
      %get3A_272 = tpu.vector_load %arg13[%get3A_270, %get3A_271] {strides = array<i32>} : memref<104x128xf32, #tpu.memory_space<vmem>>, vector<16xf32>,
      %get3A_273 = arith.constant 52 : i32
      %get3A_274 = arith.index_cast %get3A_273 : i32 to index
      %get3A_275 = arith.constant 64 : index
      %get3A_276 = tpu.vector_load %arg13[%get3A_274, %get3A_275] {strides = array<i32>} : memref<104x128xf32, #tpu.memory_space<vmem>>, vector<16xf32>,
      %get3A_277 = arith.constant 52 : i32
      %get3A_278 = arith.index_cast %get3A_277 : i32 to index
      %get3A_279 = arith.constant 80 : index
      %get3A_280 = tpu.vector_load %arg13[%get3A_278, %get3A_279] {strides = array<i32>} : memref<104x128xf32, #tpu.memory_space<vmem>>, vector<16xf32>,
      %get3A_281 = arith.constant 52 : i32
      %get3A_282 = arith.index_cast %get3A_281 : i32 to index
      %get3A_283 = arith.constant 96 : index
      %get3A_284 = tpu.vector_load %arg13[%get3A_282, %get3A_283] {strides = array<i32>} : memref<104x128xf32, #tpu.memory_space<vmem>>, vector<16xf32>,
      %get3A_285 = arith.constant 52 : i32
      %get3A_286 = arith.index_cast %get3A_285 : i32 to index
      %get3A_287 = arith.constant 112 : index
      %get3A_288 = tpu.vector_load %arg13[%get3A_286, %get3A_287] {strides = array<i32>} : memref<104x128xf32, #tpu.memory_space<vmem>>, vector<16xf32>,
      %scan3A_289 = arith.constant 1 : i32
      %scan3A_290 = arith.constant 25 : i32
      %scan3A_291 = arith.addi %scan3A_289, %scan3A_290 : i32
      %scan3A_292 = arith.constant 1 : i32
      %scan3A_293:8 = scf.for %scan3A_1491 = %scan3A_289 to %scan3A_291 step %scan3A_292 iter_args(%scan3A_1492 = %get3A_260, %scan3A_1493 = %get3A_264, %scan3A_1494 = %get3A_268, %scan3A_1495 = %get3A_272, %scan3A_1496 = %get3A_276, %scan3A_1497 = %get3A_280, %scan3A_1498 = %get3A_284, %scan3A_1499 = %get3A_288) -> (vector<16xf32>, vector<16xf32>, vector<16xf32>, vector<16xf32>, vector<16xf32>, vector<16xf32>, vector<16xf32>, vector<16xf32>)  : i32 {
        %add3A_1500 = arith.constant 52 : i32
        %add3A_1501 = arith.addi %add3A_1500, %scan3A_1491 : i32
        %get3A_1502 = arith.index_cast %add3A_1501 : i32 to index
        %get3A_1503 = arith.constant 0 : index
        %get3A_1504 = tpu.vector_load %arg13[%get3A_1502, %get3A_1503] {strides = array<i32>} : memref<104x128xf32, #tpu.memory_space<vmem>>, vector<16xf32>,
        %add3A_1505 = arith.addf %scan3A_1492, %get3A_1504 : vector<16xf32>
        %add3A_1506 = arith.constant 52 : i32
        %add3A_1507 = arith.addi %add3A_1506, %scan3A_1491 : i32
        %get3A_1508 = arith.index_cast %add3A_1507 : i32 to index
        %get3A_1509 = arith.constant 16 : index
        %get3A_1510 = tpu.vector_load %arg13[%get3A_1508, %get3A_1509] {strides = array<i32>} : memref<104x128xf32, #tpu.memory_space<vmem>>, vector<16xf32>,
        %add3A_1511 = arith.addf %scan3A_1493, %get3A_1510 : vector<16xf32>
        %add3A_1512 = arith.constant 52 : i32
        %add3A_1513 = arith.addi %add3A_1512, %scan3A_1491 : i32
        %get3A_1514 = arith.index_cast %add3A_1513 : i32 to index
        %get3A_1515 = arith.constant 32 : index
        %get3A_1516 = tpu.vector_load %arg13[%get3A_1514, %get3A_1515] {strides = array<i32>} : memref<104x128xf32, #tpu.memory_space<vmem>>, vector<16xf32>,
        %add3A_1517 = arith.addf %scan3A_1494, %get3A_1516 : vector<16xf32>
        %add3A_1518 = arith.constant 52 : i32
        %add3A_1519 = arith.addi %add3A_1518, %scan3A_1491 : i32
        %get3A_1520 = arith.index_cast %add3A_1519 : i32 to index
        %get3A_1521 = arith.constant 48 : index
        %get3A_1522 = tpu.vector_load %arg13[%get3A_1520, %get3A_1521] {strides = array<i32>} : memref<104x128xf32, #tpu.memory_space<vmem>>, vector<16xf32>,
        %add3A_1523 = arith.addf %scan3A_1495, %get3A_1522 : vector<16xf32>
        %add3A_1524 = arith.constant 52 : i32
        %add3A_1525 = arith.addi %add3A_1524, %scan3A_1491 : i32
        %get3A_1526 = arith.index_cast %add3A_1525 : i32 to index
        %get3A_1527 = arith.constant 64 : index
        %get3A_1528 = tpu.vector_load %arg13[%get3A_1526, %get3A_1527] {strides = array<i32>} : memref<104x128xf32, #tpu.memory_space<vmem>>, vector<16xf32>,
        %add3A_1529 = arith.addf %scan3A_1496, %get3A_1528 : vector<16xf32>
        %add3A_1530 = arith.constant 52 : i32
        %add3A_1531 = arith.addi %add3A_1530, %scan3A_1491 : i32
        %get3A_1532 = arith.index_cast %add3A_1531 : i32 to index
        %get3A_1533 = arith.constant 80 : index
        %get3A_1534 = tpu.vector_load %arg13[%get3A_1532, %get3A_1533] {strides = array<i32>} : memref<104x128xf32, #tpu.memory_space<vmem>>, vector<16xf32>,
        %add3A_1535 = arith.addf %scan3A_1497, %get3A_1534 : vector<16xf32>
        %add3A_1536 = arith.constant 52 : i32
        %add3A_1537 = arith.addi %add3A_1536, %scan3A_1491 : i32
        %get3A_1538 = arith.index_cast %add3A_1537 : i32 to index
        %get3A_1539 = arith.constant 96 : index
        %get3A_1540 = tpu.vector_load %arg13[%get3A_1538, %get3A_1539] {strides = array<i32>} : memref<104x128xf32, #tpu.memory_space<vmem>>, vector<16xf32>,
        %add3A_1541 = arith.addf %scan3A_1498, %get3A_1540 : vector<16xf32>
        %add3A_1542 = arith.constant 52 : i32
        %add3A_1543 = arith.addi %add3A_1542, %scan3A_1491 : i32
        %get3A_1544 = arith.index_cast %add3A_1543 : i32 to index
        %get3A_1545 = arith.constant 112 : index
        %get3A_1546 = tpu.vector_load %arg13[%get3A_1544, %get3A_1545] {strides = array<i32>} : memref<104x128xf32, #tpu.memory_space<vmem>>, vector<16xf32>,
        %add3A_1547 = arith.addf %scan3A_1499, %get3A_1546 : vector<16xf32>
        scf.yield %add3A_1505, %add3A_1511, %add3A_1517, %add3A_1523, %add3A_1529, %add3A_1535, %add3A_1541, %add3A_1547 : vector<16xf32>, vector<16xf32>, vector<16xf32>, vector<16xf32>, vector<16xf32>, vector<16xf32>, vector<16xf32>, vector<16xf32>
      }
      %scan3A_294 = arith.constant 25 : i32
      %mul3A_295 = arith.mulf %scan3A_293#0, %scan3A_293#0 : vector<16xf32>
      %mul3A_296 = arith.mulf %scan3A_293#1, %scan3A_293#1 : vector<16xf32>
      %add3A_297 = arith.addf %mul3A_295, %mul3A_296 : vector<16xf32>
      %mul3A_298 = arith.mulf %scan3A_293#2, %scan3A_293#2 : vector<16xf32>
      %add3A_299 = arith.addf %add3A_297, %mul3A_298 : vector<16xf32>
      %mul3A_300 = arith.mulf %scan3A_293#3, %scan3A_293#3 : vector<16xf32>
      %add3A_301 = arith.addf %add3A_299, %mul3A_300 : vector<16xf32>
      %mul3A_302 = arith.mulf %scan3A_293#4, %scan3A_293#4 : vector<16xf32>
      %add3A_303 = arith.addf %add3A_301, %mul3A_302 : vector<16xf32>
      %mul3A_304 = arith.mulf %scan3A_293#5, %scan3A_293#5 : vector<16xf32>
      %add3A_305 = arith.addf %add3A_303, %mul3A_304 : vector<16xf32>
      %mul3A_306 = arith.mulf %scan3A_293#6, %scan3A_293#6 : vector<16xf32>
      %add3A_307 = arith.addf %add3A_305, %mul3A_306 : vector<16xf32>
      %mul3A_308 = arith.mulf %scan3A_293#7, %scan3A_293#7 : vector<16xf32>
      %add3A_309 = arith.addf %add3A_307, %mul3A_308 : vector<16xf32>
      %get3A_310 = arith.index_cast %add3A_100 : i32 to index
      %get3A_311 = arith.constant 52 : index
      %get3A_312 = tpu.vector_load %arg10[%get3A_310, %get3A_311] {strides = array<i32>} : memref<128x104xi32, #tpu.memory_space<vmem>>, vector<16xi32>,
      %get3A_313 = arith.index_cast %add3A_100 : i32 to index
      %get3A_314 = arith.constant 62 : index
      %get3A_315 = tpu.vector_load %arg10[%get3A_313, %get3A_314] {strides = array<i32>} : memref<128x104xi32, #tpu.memory_space<vmem>>, vector<16xi32>,
      %gather3A_316 = tpu.vector_load_idx %arg12[%get3A_312] : memref<2080xf32, #tpu.memory_space<vmem>>[vector<16xi32>], vector<16xf32>,
      %gather3A_317 = tpu.vector_load_idx %arg12[%get3A_315] : memref<2080xf32, #tpu.memory_space<vmem>>[vector<16xi32>], vector<16xf32>,
      %ge3A_318 = arith.constant 6 : i32
      %ge3A_319 = vector.broadcast %ge3A_318 : i32 to vector<16xi32>
      %ge3A_320 = arith.cmpi sge, %iota3A, %ge3A_319 : vector<16xi32>
      %jit3A_321 = arith.constant 0.000000e+00 : f32
      %broadcast_in_dim3A_322 = vector.broadcast %jit3A_321 : f32 to vector<16xf32>
      %select_n3A_323 = arith.select %ge3A_320, %gather3A_317, %broadcast_in_dim3A_322 : vector<16xi1>, vector<16xf32>
      %add3A_324 = arith.addf %gather3A_316, %select_n3A_323 : vector<16xf32>
      %mul3A_325 = arith.constant 5.000000e-01 : f32
      %mul3A_326 = vector.broadcast %mul3A_325 : f32 to vector<16xf32>
      %mul3A_327 = arith.mulf %mul3A_326, %add3A_309 : vector<16xf32>
      %add3A_328 = arith.addf %mul3A_327, %add3A_324 : vector<16xf32>
      %reduce_sum3A_329 = arith.constant true
      %reduce_sum3A_330 = vector.broadcast %reduce_sum3A_329 : i1 to vector<16xi1>
      %reduce_sum3A_331 = tpu.scan <sum>, %add3A_328 masked %reduce_sum3A_330 : vector<16xf32>, vector<16xi1> -> vector<16xf32>
      %reduce_sum3A_332 = vector.extract %reduce_sum3A_331[15] : f32 from vector<16xf32>
      %eq3A_333 = arith.constant 2 : i32
      %eq3A_334 = vector.broadcast %eq3A_333 : i32 to vector<16xi32>
      %eq3A_335 = arith.cmpi eq, %iota3A, %eq3A_334 : vector<16xi32>
      %broadcast_in_dim3A_336 = vector.broadcast %reduce_sum3A_332 : f32 to vector<16xf32>
      %select_n3A_337 = arith.select %eq3A_335, %broadcast_in_dim3A_336, %select_n3A_256 : vector<16xi1>, vector<16xf32>
      %get3A_338 = arith.constant 78 : i32
      %get3A_339 = arith.index_cast %get3A_338 : i32 to index
      %get3A_340 = arith.constant 0 : index
      %get3A_341 = tpu.vector_load %arg13[%get3A_339, %get3A_340] {strides = array<i32>} : memref<104x128xf32, #tpu.memory_space<vmem>>, vector<16xf32>,
      %get3A_342 = arith.constant 78 : i32
      %get3A_343 = arith.index_cast %get3A_342 : i32 to index
      %get3A_344 = arith.constant 16 : index
      %get3A_345 = tpu.vector_load %arg13[%get3A_343, %get3A_344] {strides = array<i32>} : memref<104x128xf32, #tpu.memory_space<vmem>>, vector<16xf32>,
      %get3A_346 = arith.constant 78 : i32
      %get3A_347 = arith.index_cast %get3A_346 : i32 to index
      %get3A_348 = arith.constant 32 : index
      %get3A_349 = tpu.vector_load %arg13[%get3A_347, %get3A_348] {strides = array<i32>} : memref<104x128xf32, #tpu.memory_space<vmem>>, vector<16xf32>,
      %get3A_350 = arith.constant 78 : i32
      %get3A_351 = arith.index_cast %get3A_350 : i32 to index
      %get3A_352 = arith.constant 48 : index
      %get3A_353 = tpu.vector_load %arg13[%get3A_351, %get3A_352] {strides = array<i32>} : memref<104x128xf32, #tpu.memory_space<vmem>>, vector<16xf32>,
      %get3A_354 = arith.constant 78 : i32
      %get3A_355 = arith.index_cast %get3A_354 : i32 to index
      %get3A_356 = arith.constant 64 : index
      %get3A_357 = tpu.vector_load %arg13[%get3A_355, %get3A_356] {strides = array<i32>} : memref<104x128xf32, #tpu.memory_space<vmem>>, vector<16xf32>,
      %get3A_358 = arith.constant 78 : i32
      %get3A_359 = arith.index_cast %get3A_358 : i32 to index
      %get3A_360 = arith.constant 80 : index
      %get3A_361 = tpu.vector_load %arg13[%get3A_359, %get3A_360] {strides = array<i32>} : memref<104x128xf32, #tpu.memory_space<vmem>>, vector<16xf32>,
      %get3A_362 = arith.constant 78 : i32
      %get3A_363 = arith.index_cast %get3A_362 : i32 to index
      %get3A_364 = arith.constant 96 : index
      %get3A_365 = tpu.vector_load %arg13[%get3A_363, %get3A_364] {strides = array<i32>} : memref<104x128xf32, #tpu.memory_space<vmem>>, vector<16xf32>,
      %get3A_366 = arith.constant 78 : i32
      %get3A_367 = arith.index_cast %get3A_366 : i32 to index
      %get3A_368 = arith.constant 112 : index
      %get3A_369 = tpu.vector_load %arg13[%get3A_367, %get3A_368] {strides = array<i32>} : memref<104x128xf32, #tpu.memory_space<vmem>>, vector<16xf32>,
      %scan3A_370 = arith.constant 1 : i32
      %scan3A_371 = arith.constant 25 : i32
      %scan3A_372 = arith.addi %scan3A_370, %scan3A_371 : i32
      %scan3A_373 = arith.constant 1 : i32
      %scan3A_374:8 = scf.for %scan3A_1491 = %scan3A_370 to %scan3A_372 step %scan3A_373 iter_args(%scan3A_1492 = %get3A_341, %scan3A_1493 = %get3A_345, %scan3A_1494 = %get3A_349, %scan3A_1495 = %get3A_353, %scan3A_1496 = %get3A_357, %scan3A_1497 = %get3A_361, %scan3A_1498 = %get3A_365, %scan3A_1499 = %get3A_369) -> (vector<16xf32>, vector<16xf32>, vector<16xf32>, vector<16xf32>, vector<16xf32>, vector<16xf32>, vector<16xf32>, vector<16xf32>)  : i32 {
        %add3A_1500 = arith.constant 78 : i32
        %add3A_1501 = arith.addi %add3A_1500, %scan3A_1491 : i32
        %get3A_1502 = arith.index_cast %add3A_1501 : i32 to index
        %get3A_1503 = arith.constant 0 : index
        %get3A_1504 = tpu.vector_load %arg13[%get3A_1502, %get3A_1503] {strides = array<i32>} : memref<104x128xf32, #tpu.memory_space<vmem>>, vector<16xf32>,
        %add3A_1505 = arith.addf %scan3A_1492, %get3A_1504 : vector<16xf32>
        %add3A_1506 = arith.constant 78 : i32
        %add3A_1507 = arith.addi %add3A_1506, %scan3A_1491 : i32
        %get3A_1508 = arith.index_cast %add3A_1507 : i32 to index
        %get3A_1509 = arith.constant 16 : index
        %get3A_1510 = tpu.vector_load %arg13[%get3A_1508, %get3A_1509] {strides = array<i32>} : memref<104x128xf32, #tpu.memory_space<vmem>>, vector<16xf32>,
        %add3A_1511 = arith.addf %scan3A_1493, %get3A_1510 : vector<16xf32>
        %add3A_1512 = arith.constant 78 : i32
        %add3A_1513 = arith.addi %add3A_1512, %scan3A_1491 : i32
        %get3A_1514 = arith.index_cast %add3A_1513 : i32 to index
        %get3A_1515 = arith.constant 32 : index
        %get3A_1516 = tpu.vector_load %arg13[%get3A_1514, %get3A_1515] {strides = array<i32>} : memref<104x128xf32, #tpu.memory_space<vmem>>, vector<16xf32>,
        %add3A_1517 = arith.addf %scan3A_1494, %get3A_1516 : vector<16xf32>
        %add3A_1518 = arith.constant 78 : i32
        %add3A_1519 = arith.addi %add3A_1518, %scan3A_1491 : i32
        %get3A_1520 = arith.index_cast %add3A_1519 : i32 to index
        %get3A_1521 = arith.constant 48 : index
        %get3A_1522 = tpu.vector_load %arg13[%get3A_1520, %get3A_1521] {strides = array<i32>} : memref<104x128xf32, #tpu.memory_space<vmem>>, vector<16xf32>,
        %add3A_1523 = arith.addf %scan3A_1495, %get3A_1522 : vector<16xf32>
        %add3A_1524 = arith.constant 78 : i32
        %add3A_1525 = arith.addi %add3A_1524, %scan3A_1491 : i32
        %get3A_1526 = arith.index_cast %add3A_1525 : i32 to index
        %get3A_1527 = arith.constant 64 : index
        %get3A_1528 = tpu.vector_load %arg13[%get3A_1526, %get3A_1527] {strides = array<i32>} : memref<104x128xf32, #tpu.memory_space<vmem>>, vector<16xf32>,
        %add3A_1529 = arith.addf %scan3A_1496, %get3A_1528 : vector<16xf32>
        %add3A_1530 = arith.constant 78 : i32
        %add3A_1531 = arith.addi %add3A_1530, %scan3A_1491 : i32
        %get3A_1532 = arith.index_cast %add3A_1531 : i32 to index
        %get3A_1533 = arith.constant 80 : index
        %get3A_1534 = tpu.vector_load %arg13[%get3A_1532, %get3A_1533] {strides = array<i32>} : memref<104x128xf32, #tpu.memory_space<vmem>>, vector<16xf32>,
        %add3A_1535 = arith.addf %scan3A_1497, %get3A_1534 : vector<16xf32>
        %add3A_1536 = arith.constant 78 : i32
        %add3A_1537 = arith.addi %add3A_1536, %scan3A_1491 : i32
        %get3A_1538 = arith.index_cast %add3A_1537 : i32 to index
        %get3A_1539 = arith.constant 96 : index
        %get3A_1540 = tpu.vector_load %arg13[%get3A_1538, %get3A_1539] {strides = array<i32>} : memref<104x128xf32, #tpu.memory_space<vmem>>, vector<16xf32>,
        %add3A_1541 = arith.addf %scan3A_1498, %get3A_1540 : vector<16xf32>
        %add3A_1542 = arith.constant 78 : i32
        %add3A_1543 = arith.addi %add3A_1542, %scan3A_1491 : i32
        %get3A_1544 = arith.index_cast %add3A_1543 : i32 to index
        %get3A_1545 = arith.constant 112 : index
        %get3A_1546 = tpu.vector_load %arg13[%get3A_1544, %get3A_1545] {strides = array<i32>} : memref<104x128xf32, #tpu.memory_space<vmem>>, vector<16xf32>,
        %add3A_1547 = arith.addf %scan3A_1499, %get3A_1546 : vector<16xf32>
        scf.yield %add3A_1505, %add3A_1511, %add3A_1517, %add3A_1523, %add3A_1529, %add3A_1535, %add3A_1541, %add3A_1547 : vector<16xf32>, vector<16xf32>, vector<16xf32>, vector<16xf32>, vector<16xf32>, vector<16xf32>, vector<16xf32>, vector<16xf32>
      }
      %scan3A_375 = arith.constant 25 : i32
      %mul3A_376 = arith.mulf %scan3A_374#0, %scan3A_374#0 : vector<16xf32>
      %mul3A_377 = arith.mulf %scan3A_374#1, %scan3A_374#1 : vector<16xf32>
      %add3A_378 = arith.addf %mul3A_376, %mul3A_377 : vector<16xf32>
      %mul3A_379 = arith.mulf %scan3A_374#2, %scan3A_374#2 : vector<16xf32>
      %add3A_380 = arith.addf %add3A_378, %mul3A_379 : vector<16xf32>
      %mul3A_381 = arith.mulf %scan3A_374#3, %scan3A_374#3 : vector<16xf32>
      %add3A_382 = arith.addf %add3A_380, %mul3A_381 : vector<16xf32>
      %mul3A_383 = arith.mulf %scan3A_374#4, %scan3A_374#4 : vector<16xf32>
      %add3A_384 = arith.addf %add3A_382, %mul3A_383 : vector<16xf32>
      %mul3A_385 = arith.mulf %scan3A_374#5, %scan3A_374#5 : vector<16xf32>
      %add3A_386 = arith.addf %add3A_384, %mul3A_385 : vector<16xf32>
      %mul3A_387 = arith.mulf %scan3A_374#6, %scan3A_374#6 : vector<16xf32>
      %add3A_388 = arith.addf %add3A_386, %mul3A_387 : vector<16xf32>
      %mul3A_389 = arith.mulf %scan3A_374#7, %scan3A_374#7 : vector<16xf32>
      %add3A_390 = arith.addf %add3A_388, %mul3A_389 : vector<16xf32>
      %get3A_391 = arith.index_cast %add3A_100 : i32 to index
      %get3A_392 = arith.constant 78 : index
      %get3A_393 = tpu.vector_load %arg10[%get3A_391, %get3A_392] {strides = array<i32>} : memref<128x104xi32, #tpu.memory_space<vmem>>, vector<16xi32>,
      %get3A_394 = arith.index_cast %add3A_100 : i32 to index
      %get3A_395 = arith.constant 88 : index
      %get3A_396 = tpu.vector_load %arg10[%get3A_394, %get3A_395] {strides = array<i32>} : memref<128x104xi32, #tpu.memory_space<vmem>>, vector<16xi32>,
      %gather3A_397 = tpu.vector_load_idx %arg12[%get3A_393] : memref<2080xf32, #tpu.memory_space<vmem>>[vector<16xi32>], vector<16xf32>,
      %gather3A_398 = tpu.vector_load_idx %arg12[%get3A_396] : memref<2080xf32, #tpu.memory_space<vmem>>[vector<16xi32>], vector<16xf32>,
      %ge3A_399 = arith.constant 6 : i32
      %ge3A_400 = vector.broadcast %ge3A_399 : i32 to vector<16xi32>
      %ge3A_401 = arith.cmpi sge, %iota3A, %ge3A_400 : vector<16xi32>
      %jit3A_402 = arith.constant 0.000000e+00 : f32
      %broadcast_in_dim3A_403 = vector.broadcast %jit3A_402 : f32 to vector<16xf32>
      %select_n3A_404 = arith.select %ge3A_401, %gather3A_398, %broadcast_in_dim3A_403 : vector<16xi1>, vector<16xf32>
      %add3A_405 = arith.addf %gather3A_397, %select_n3A_404 : vector<16xf32>
      %mul3A_406 = arith.constant 5.000000e-01 : f32
      %mul3A_407 = vector.broadcast %mul3A_406 : f32 to vector<16xf32>
      %mul3A_408 = arith.mulf %mul3A_407, %add3A_390 : vector<16xf32>
      %add3A_409 = arith.addf %mul3A_408, %add3A_405 : vector<16xf32>
      %reduce_sum3A_410 = arith.constant true
      %reduce_sum3A_411 = vector.broadcast %reduce_sum3A_410 : i1 to vector<16xi1>
      %reduce_sum3A_412 = tpu.scan <sum>, %add3A_409 masked %reduce_sum3A_411 : vector<16xf32>, vector<16xi1> -> vector<16xf32>
      %reduce_sum3A_413 = vector.extract %reduce_sum3A_412[15] : f32 from vector<16xf32>
      %eq3A_414 = arith.constant 3 : i32
      %eq3A_415 = vector.broadcast %eq3A_414 : i32 to vector<16xi32>
      %eq3A_416 = arith.cmpi eq, %iota3A, %eq3A_415 : vector<16xi32>
      %broadcast_in_dim3A_417 = vector.broadcast %reduce_sum3A_413 : f32 to vector<16xf32>
      %select_n3A_418 = arith.select %eq3A_416, %broadcast_in_dim3A_417, %select_n3A_337 : vector<16xi1>, vector<16xf32>
      %add3A_419 = arith.constant 0 : i32
      %add3A_420 = arith.addi %mul3A_89, %add3A_419 : i32
      %add3A_421 = arith.constant 4 : i32
      %add3A_422 = arith.addi %add3A_420, %add3A_421 : i32
      %min3A = arith.constant 127 : i32
      %min3A_423 = arith.minsi %add3A_422, %min3A : i32
      %dma_start3A_424 = arith.constant 0 : i32
      %dma_start3A_425 = tpu.memref_slice %arg10[%min3A_423, %dma_start3A_424] : memref<128x104xi32, #tpu.memory_space<vmem>> -> memref<1x104xi32, #tpu.memory_space<vmem>>
      %dma_start3A_426 = tpu.memref_squeeze %dma_start3A_425 : memref<1x104xi32, #tpu.memory_space<vmem>> -> memref<104xi32, #tpu.memory_space<vmem>>
      %dma_start3A_427 = arith.constant 0 : i32
      %dma_start3A_428 = arith.constant 0 : i32
      %dma_start3A_429 = tpu.memref_slice %arg11[%dma_start3A_427, %dma_start3A_428] : memref<2080x128xf32, #tpu.memory_space<vmem_shared>> -> memref<2080x128xf32, #tpu.memory_space<vmem_shared>>
      tpu.enqueue_indirect_dma source(%dma_start3A_429 : memref<2080x128xf32, #tpu.memory_space<vmem_shared>>) target(%arg13 : memref<104x128xf32, #tpu.memory_space<vmem>>) offsets(%dma_start3A_426 : memref<104xi32, #tpu.memory_space<vmem>>) semaphore(%arg22 : memref<!tpu.dma_semaphore, #tpu.memory_space<semaphore_mem>>)
      %add3A_430 = arith.constant 1 : i32
      %add3A_431 = arith.addi %mul3A_89, %add3A_430 : i32
      %dma_wait3A_432 = arith.constant 0 : i32
      %dma_wait3A_433 = tpu.memref_slice %arg10[%add3A_431, %dma_wait3A_432] : memref<128x104xi32, #tpu.memory_space<vmem>> -> memref<1x104xi32, #tpu.memory_space<vmem>>
      %dma_wait3A_434 = tpu.memref_squeeze %dma_wait3A_433 : memref<1x104xi32, #tpu.memory_space<vmem>> -> memref<104xi32, #tpu.memory_space<vmem>>
      %dma_wait3A_435 = arith.constant 0 : i32
      %dma_wait3A_436 = arith.constant 0 : i32
      %dma_wait3A_437 = tpu.memref_slice %arg2[%dma_wait3A_435, %dma_wait3A_436] : memref<2080x128xf32, #tpu.memory_space<hbm>> -> memref<2080x128xf32, #tpu.memory_space<hbm>>
      tpu.wait_indirect_dma semaphore(%arg23 : memref<!tpu.dma_semaphore, #tpu.memory_space<semaphore_mem>>) src(%dma_wait3A_437 : memref<2080x128xf32, #tpu.memory_space<hbm>>) dst(%arg14 : memref<104x128xf32, #tpu.memory_space<vmem>>)
      %add3A_438 = arith.constant 1 : i32
      %add3A_439 = arith.addi %mul3A_89, %add3A_438 : i32
      %get3A_440 = arith.constant 0 : i32
      %get3A_441 = arith.index_cast %get3A_440 : i32 to index
      %get3A_442 = arith.constant 0 : index
      %get3A_443 = tpu.vector_load %arg14[%get3A_441, %get3A_442] {strides = array<i32>} : memref<104x128xf32, #tpu.memory_space<vmem>>, vector<16xf32>,
      %get3A_444 = arith.constant 0 : i32
      %get3A_445 = arith.index_cast %get3A_444 : i32 to index
      %get3A_446 = arith.constant 16 : index
      %get3A_447 = tpu.vector_load %arg14[%get3A_445, %get3A_446] {strides = array<i32>} : memref<104x128xf32, #tpu.memory_space<vmem>>, vector<16xf32>,
      %get3A_448 = arith.constant 0 : i32
      %get3A_449 = arith.index_cast %get3A_448 : i32 to index
      %get3A_450 = arith.constant 32 : index
      %get3A_451 = tpu.vector_load %arg14[%get3A_449, %get3A_450] {strides = array<i32>} : memref<104x128xf32, #tpu.memory_space<vmem>>, vector<16xf32>,
      %get3A_452 = arith.constant 0 : i32
      %get3A_453 = arith.index_cast %get3A_452 : i32 to index
      %get3A_454 = arith.constant 48 : index
      %get3A_455 = tpu.vector_load %arg14[%get3A_453, %get3A_454] {strides = array<i32>} : memref<104x128xf32, #tpu.memory_space<vmem>>, vector<16xf32>,
      %get3A_456 = arith.constant 0 : i32
      %get3A_457 = arith.index_cast %get3A_456 : i32 to index
      %get3A_458 = arith.constant 64 : index
      %get3A_459 = tpu.vector_load %arg14[%get3A_457, %get3A_458] {strides = array<i32>} : memref<104x128xf32, #tpu.memory_space<vmem>>, vector<16xf32>,
      %get3A_460 = arith.constant 0 : i32
      %get3A_461 = arith.index_cast %get3A_460 : i32 to index
      %get3A_462 = arith.constant 80 : index
      %get3A_463 = tpu.vector_load %arg14[%get3A_461, %get3A_462] {strides = array<i32>} : memref<104x128xf32, #tpu.memory_space<vmem>>, vector<16xf32>,
      %get3A_464 = arith.constant 0 : i32
      %get3A_465 = arith.index_cast %get3A_464 : i32 to index
      %get3A_466 = arith.constant 96 : index
      %get3A_467 = tpu.vector_load %arg14[%get3A_465, %get3A_466] {strides = array<i32>} : memref<104x128xf32, #tpu.memory_space<vmem>>, vector<16xf32>,
      %get3A_468 = arith.constant 0 : i32
      %get3A_469 = arith.index_cast %get3A_468 : i32 to index
      %get3A_470 = arith.constant 112 : index
      %get3A_471 = tpu.vector_load %arg14[%get3A_469, %get3A_470] {strides = array<i32>} : memref<104x128xf32, #tpu.memory_space<vmem>>, vector<16xf32>,
      %scan3A_472 = arith.constant 1 : i32
      %scan3A_473 = arith.constant 25 : i32
      %scan3A_474 = arith.addi %scan3A_472, %scan3A_473 : i32
      %scan3A_475 = arith.constant 1 : i32
      %scan3A_476:8 = scf.for %scan3A_1491 = %scan3A_472 to %scan3A_474 step %scan3A_475 iter_args(%scan3A_1492 = %get3A_443, %scan3A_1493 = %get3A_447, %scan3A_1494 = %get3A_451, %scan3A_1495 = %get3A_455, %scan3A_1496 = %get3A_459, %scan3A_1497 = %get3A_463, %scan3A_1498 = %get3A_467, %scan3A_1499 = %get3A_471) -> (vector<16xf32>, vector<16xf32>, vector<16xf32>, vector<16xf32>, vector<16xf32>, vector<16xf32>, vector<16xf32>, vector<16xf32>)  : i32 {
        %add3A_1500 = arith.constant 0 : i32
        %add3A_1501 = arith.addi %add3A_1500, %scan3A_1491 : i32
        %get3A_1502 = arith.index_cast %add3A_1501 : i32 to index
        %get3A_1503 = arith.constant 0 : index
        %get3A_1504 = tpu.vector_load %arg14[%get3A_1502, %get3A_1503] {strides = array<i32>} : memref<104x128xf32, #tpu.memory_space<vmem>>, vector<16xf32>,
        %add3A_1505 = arith.addf %scan3A_1492, %get3A_1504 : vector<16xf32>
        %add3A_1506 = arith.constant 0 : i32
        %add3A_1507 = arith.addi %add3A_1506, %scan3A_1491 : i32
        %get3A_1508 = arith.index_cast %add3A_1507 : i32 to index
        %get3A_1509 = arith.constant 16 : index
        %get3A_1510 = tpu.vector_load %arg14[%get3A_1508, %get3A_1509] {strides = array<i32>} : memref<104x128xf32, #tpu.memory_space<vmem>>, vector<16xf32>,
        %add3A_1511 = arith.addf %scan3A_1493, %get3A_1510 : vector<16xf32>
        %add3A_1512 = arith.constant 0 : i32
        %add3A_1513 = arith.addi %add3A_1512, %scan3A_1491 : i32
        %get3A_1514 = arith.index_cast %add3A_1513 : i32 to index
        %get3A_1515 = arith.constant 32 : index
        %get3A_1516 = tpu.vector_load %arg14[%get3A_1514, %get3A_1515] {strides = array<i32>} : memref<104x128xf32, #tpu.memory_space<vmem>>, vector<16xf32>,
        %add3A_1517 = arith.addf %scan3A_1494, %get3A_1516 : vector<16xf32>
        %add3A_1518 = arith.constant 0 : i32
        %add3A_1519 = arith.addi %add3A_1518, %scan3A_1491 : i32
        %get3A_1520 = arith.index_cast %add3A_1519 : i32 to index
        %get3A_1521 = arith.constant 48 : index
        %get3A_1522 = tpu.vector_load %arg14[%get3A_1520, %get3A_1521] {strides = array<i32>} : memref<104x128xf32, #tpu.memory_space<vmem>>, vector<16xf32>,
        %add3A_1523 = arith.addf %scan3A_1495, %get3A_1522 : vector<16xf32>
        %add3A_1524 = arith.constant 0 : i32
        %add3A_1525 = arith.addi %add3A_1524, %scan3A_1491 : i32
        %get3A_1526 = arith.index_cast %add3A_1525 : i32 to index
        %get3A_1527 = arith.constant 64 : index
        %get3A_1528 = tpu.vector_load %arg14[%get3A_1526, %get3A_1527] {strides = array<i32>} : memref<104x128xf32, #tpu.memory_space<vmem>>, vector<16xf32>,
        %add3A_1529 = arith.addf %scan3A_1496, %get3A_1528 : vector<16xf32>
        %add3A_1530 = arith.constant 0 : i32
        %add3A_1531 = arith.addi %add3A_1530, %scan3A_1491 : i32
        %get3A_1532 = arith.index_cast %add3A_1531 : i32 to index
        %get3A_1533 = arith.constant 80 : index
        %get3A_1534 = tpu.vector_load %arg14[%get3A_1532, %get3A_1533] {strides = array<i32>} : memref<104x128xf32, #tpu.memory_space<vmem>>, vector<16xf32>,
        %add3A_1535 = arith.addf %scan3A_1497, %get3A_1534 : vector<16xf32>
        %add3A_1536 = arith.constant 0 : i32
        %add3A_1537 = arith.addi %add3A_1536, %scan3A_1491 : i32
        %get3A_1538 = arith.index_cast %add3A_1537 : i32 to index
        %get3A_1539 = arith.constant 96 : index
        %get3A_1540 = tpu.vector_load %arg14[%get3A_1538, %get3A_1539] {strides = array<i32>} : memref<104x128xf32, #tpu.memory_space<vmem>>, vector<16xf32>,
        %add3A_1541 = arith.addf %scan3A_1498, %get3A_1540 : vector<16xf32>
        %add3A_1542 = arith.constant 0 : i32
        %add3A_1543 = arith.addi %add3A_1542, %scan3A_1491 : i32
        %get3A_1544 = arith.index_cast %add3A_1543 : i32 to index
        %get3A_1545 = arith.constant 112 : index
        %get3A_1546 = tpu.vector_load %arg14[%get3A_1544, %get3A_1545] {strides = array<i32>} : memref<104x128xf32, #tpu.memory_space<vmem>>, vector<16xf32>,
        %add3A_1547 = arith.addf %scan3A_1499, %get3A_1546 : vector<16xf32>
        scf.yield %add3A_1505, %add3A_1511, %add3A_1517, %add3A_1523, %add3A_1529, %add3A_1535, %add3A_1541, %add3A_1547 : vector<16xf32>, vector<16xf32>, vector<16xf32>, vector<16xf32>, vector<16xf32>, vector<16xf32>, vector<16xf32>, vector<16xf32>
      }
      %scan3A_477 = arith.constant 25 : i32
      %mul3A_478 = arith.mulf %scan3A_476#0, %scan3A_476#0 : vector<16xf32>
      %mul3A_479 = arith.mulf %scan3A_476#1, %scan3A_476#1 : vector<16xf32>
      %add3A_480 = arith.addf %mul3A_478, %mul3A_479 : vector<16xf32>
      %mul3A_481 = arith.mulf %scan3A_476#2, %scan3A_476#2 : vector<16xf32>
      %add3A_482 = arith.addf %add3A_480, %mul3A_481 : vector<16xf32>
      %mul3A_483 = arith.mulf %scan3A_476#3, %scan3A_476#3 : vector<16xf32>
      %add3A_484 = arith.addf %add3A_482, %mul3A_483 : vector<16xf32>
      %mul3A_485 = arith.mulf %scan3A_476#4, %scan3A_476#4 : vector<16xf32>
      %add3A_486 = arith.addf %add3A_484, %mul3A_485 : vector<16xf32>
      %mul3A_487 = arith.mulf %scan3A_476#5, %scan3A_476#5 : vector<16xf32>
      %add3A_488 = arith.addf %add3A_486, %mul3A_487 : vector<16xf32>
      %mul3A_489 = arith.mulf %scan3A_476#6, %scan3A_476#6 : vector<16xf32>
      %add3A_490 = arith.addf %add3A_488, %mul3A_489 : vector<16xf32>
      %mul3A_491 = arith.mulf %scan3A_476#7, %scan3A_476#7 : vector<16xf32>
      %add3A_492 = arith.addf %add3A_490, %mul3A_491 : vector<16xf32>
      %get3A_493 = arith.index_cast %add3A_439 : i32 to index
      %get3A_494 = arith.constant 0 : index
      %get3A_495 = tpu.vector_load %arg10[%get3A_493, %get3A_494] {strides = array<i32>} : memref<128x104xi32, #tpu.memory_space<vmem>>, vector<16xi32>,
      %get3A_496 = arith.index_cast %add3A_439 : i32 to index
      %get3A_497 = arith.constant 10 : index
      %get3A_498 = tpu.vector_load %arg10[%get3A_496, %get3A_497] {strides = array<i32>} : memref<128x104xi32, #tpu.memory_space<vmem>>, vector<16xi32>,
      %gather3A_499 = tpu.vector_load_idx %arg12[%get3A_495] : memref<2080xf32, #tpu.memory_space<vmem>>[vector<16xi32>], vector<16xf32>,
      %gather3A_500 = tpu.vector_load_idx %arg12[%get3A_498] : memref<2080xf32, #tpu.memory_space<vmem>>[vector<16xi32>], vector<16xf32>,
      %ge3A_501 = arith.constant 6 : i32
      %ge3A_502 = vector.broadcast %ge3A_501 : i32 to vector<16xi32>
      %ge3A_503 = arith.cmpi sge, %iota3A, %ge3A_502 : vector<16xi32>
      %jit3A_504 = arith.constant 0.000000e+00 : f32
      %broadcast_in_dim3A_505 = vector.broadcast %jit3A_504 : f32 to vector<16xf32>
      %select_n3A_506 = arith.select %ge3A_503, %gather3A_500, %broadcast_in_dim3A_505 : vector<16xi1>, vector<16xf32>
      %add3A_507 = arith.addf %gather3A_499, %select_n3A_506 : vector<16xf32>
      %mul3A_508 = arith.constant 5.000000e-01 : f32
      %mul3A_509 = vector.broadcast %mul3A_508 : f32 to vector<16xf32>
      %mul3A_510 = arith.mulf %mul3A_509, %add3A_492 : vector<16xf32>
      %add3A_511 = arith.addf %mul3A_510, %add3A_507 : vector<16xf32>
      %reduce_sum3A_512 = arith.constant true
      %reduce_sum3A_513 = vector.broadcast %reduce_sum3A_512 : i1 to vector<16xi1>
      %reduce_sum3A_514 = tpu.scan <sum>, %add3A_511 masked %reduce_sum3A_513 : vector<16xf32>, vector<16xi1> -> vector<16xf32>
      %reduce_sum3A_515 = vector.extract %reduce_sum3A_514[15] : f32 from vector<16xf32>
      %eq3A_516 = arith.constant 4 : i32
      %eq3A_517 = vector.broadcast %eq3A_516 : i32 to vector<16xi32>
      %eq3A_518 = arith.cmpi eq, %iota3A, %eq3A_517 : vector<16xi32>
      %broadcast_in_dim3A_519 = vector.broadcast %reduce_sum3A_515 : f32 to vector<16xf32>
      %select_n3A_520 = arith.select %eq3A_518, %broadcast_in_dim3A_519, %select_n3A_418 : vector<16xi1>, vector<16xf32>
      %get3A_521 = arith.constant 26 : i32
      %get3A_522 = arith.index_cast %get3A_521 : i32 to index
      %get3A_523 = arith.constant 0 : index
      %get3A_524 = tpu.vector_load %arg14[%get3A_522, %get3A_523] {strides = array<i32>} : memref<104x128xf32, #tpu.memory_space<vmem>>, vector<16xf32>,
      %get3A_525 = arith.constant 26 : i32
      %get3A_526 = arith.index_cast %get3A_525 : i32 to index
      %get3A_527 = arith.constant 16 : index
      %get3A_528 = tpu.vector_load %arg14[%get3A_526, %get3A_527] {strides = array<i32>} : memref<104x128xf32, #tpu.memory_space<vmem>>, vector<16xf32>,
      %get3A_529 = arith.constant 26 : i32
      %get3A_530 = arith.index_cast %get3A_529 : i32 to index
      %get3A_531 = arith.constant 32 : index
      %get3A_532 = tpu.vector_load %arg14[%get3A_530, %get3A_531] {strides = array<i32>} : memref<104x128xf32, #tpu.memory_space<vmem>>, vector<16xf32>,
      %get3A_533 = arith.constant 26 : i32
      %get3A_534 = arith.index_cast %get3A_533 : i32 to index
      %get3A_535 = arith.constant 48 : index
      %get3A_536 = tpu.vector_load %arg14[%get3A_534, %get3A_535] {strides = array<i32>} : memref<104x128xf32, #tpu.memory_space<vmem>>, vector<16xf32>,
      %get3A_537 = arith.constant 26 : i32
      %get3A_538 = arith.index_cast %get3A_537 : i32 to index
      %get3A_539 = arith.constant 64 : index
      %get3A_540 = tpu.vector_load %arg14[%get3A_538, %get3A_539] {strides = array<i32>} : memref<104x128xf32, #tpu.memory_space<vmem>>, vector<16xf32>,
      %get3A_541 = arith.constant 26 : i32
      %get3A_542 = arith.index_cast %get3A_541 : i32 to index
      %get3A_543 = arith.constant 80 : index
      %get3A_544 = tpu.vector_load %arg14[%get3A_542, %get3A_543] {strides = array<i32>} : memref<104x128xf32, #tpu.memory_space<vmem>>, vector<16xf32>,
      %get3A_545 = arith.constant 26 : i32
      %get3A_546 = arith.index_cast %get3A_545 : i32 to index
      %get3A_547 = arith.constant 96 : index
      %get3A_548 = tpu.vector_load %arg14[%get3A_546, %get3A_547] {strides = array<i32>} : memref<104x128xf32, #tpu.memory_space<vmem>>, vector<16xf32>,
      %get3A_549 = arith.constant 26 : i32
      %get3A_550 = arith.index_cast %get3A_549 : i32 to index
      %get3A_551 = arith.constant 112 : index
      %get3A_552 = tpu.vector_load %arg14[%get3A_550, %get3A_551] {strides = array<i32>} : memref<104x128xf32, #tpu.memory_space<vmem>>, vector<16xf32>,
      %scan3A_553 = arith.constant 1 : i32
      %scan3A_554 = arith.constant 25 : i32
      %scan3A_555 = arith.addi %scan3A_553, %scan3A_554 : i32
      %scan3A_556 = arith.constant 1 : i32
      %scan3A_557:8 = scf.for %scan3A_1491 = %scan3A_553 to %scan3A_555 step %scan3A_556 iter_args(%scan3A_1492 = %get3A_524, %scan3A_1493 = %get3A_528, %scan3A_1494 = %get3A_532, %scan3A_1495 = %get3A_536, %scan3A_1496 = %get3A_540, %scan3A_1497 = %get3A_544, %scan3A_1498 = %get3A_548, %scan3A_1499 = %get3A_552) -> (vector<16xf32>, vector<16xf32>, vector<16xf32>, vector<16xf32>, vector<16xf32>, vector<16xf32>, vector<16xf32>, vector<16xf32>)  : i32 {
        %add3A_1500 = arith.constant 26 : i32
        %add3A_1501 = arith.addi %add3A_1500, %scan3A_1491 : i32
        %get3A_1502 = arith.index_cast %add3A_1501 : i32 to index
        %get3A_1503 = arith.constant 0 : index
        %get3A_1504 = tpu.vector_load %arg14[%get3A_1502, %get3A_1503] {strides = array<i32>} : memref<104x128xf32, #tpu.memory_space<vmem>>, vector<16xf32>,
        %add3A_1505 = arith.addf %scan3A_1492, %get3A_1504 : vector<16xf32>
        %add3A_1506 = arith.constant 26 : i32
        %add3A_1507 = arith.addi %add3A_1506, %scan3A_1491 : i32
        %get3A_1508 = arith.index_cast %add3A_1507 : i32 to index
        %get3A_1509 = arith.constant 16 : index
        %get3A_1510 = tpu.vector_load %arg14[%get3A_1508, %get3A_1509] {strides = array<i32>} : memref<104x128xf32, #tpu.memory_space<vmem>>, vector<16xf32>,
        %add3A_1511 = arith.addf %scan3A_1493, %get3A_1510 : vector<16xf32>
        %add3A_1512 = arith.constant 26 : i32
        %add3A_1513 = arith.addi %add3A_1512, %scan3A_1491 : i32
        %get3A_1514 = arith.index_cast %add3A_1513 : i32 to index
        %get3A_1515 = arith.constant 32 : index
        %get3A_1516 = tpu.vector_load %arg14[%get3A_1514, %get3A_1515] {strides = array<i32>} : memref<104x128xf32, #tpu.memory_space<vmem>>, vector<16xf32>,
        %add3A_1517 = arith.addf %scan3A_1494, %get3A_1516 : vector<16xf32>
        %add3A_1518 = arith.constant 26 : i32
        %add3A_1519 = arith.addi %add3A_1518, %scan3A_1491 : i32
        %get3A_1520 = arith.index_cast %add3A_1519 : i32 to index
        %get3A_1521 = arith.constant 48 : index
        %get3A_1522 = tpu.vector_load %arg14[%get3A_1520, %get3A_1521] {strides = array<i32>} : memref<104x128xf32, #tpu.memory_space<vmem>>, vector<16xf32>,
        %add3A_1523 = arith.addf %scan3A_1495, %get3A_1522 : vector<16xf32>
        %add3A_1524 = arith.constant 26 : i32
        %add3A_1525 = arith.addi %add3A_1524, %scan3A_1491 : i32
        %get3A_1526 = arith.index_cast %add3A_1525 : i32 to index
        %get3A_1527 = arith.constant 64 : index
        %get3A_1528 = tpu.vector_load %arg14[%get3A_1526, %get3A_1527] {strides = array<i32>} : memref<104x128xf32, #tpu.memory_space<vmem>>, vector<16xf32>,
        %add3A_1529 = arith.addf %scan3A_1496, %get3A_1528 : vector<16xf32>
        %add3A_1530 = arith.constant 26 : i32
        %add3A_1531 = arith.addi %add3A_1530, %scan3A_1491 : i32
        %get3A_1532 = arith.index_cast %add3A_1531 : i32 to index
        %get3A_1533 = arith.constant 80 : index
        %get3A_1534 = tpu.vector_load %arg14[%get3A_1532, %get3A_1533] {strides = array<i32>} : memref<104x128xf32, #tpu.memory_space<vmem>>, vector<16xf32>,
        %add3A_1535 = arith.addf %scan3A_1497, %get3A_1534 : vector<16xf32>
        %add3A_1536 = arith.constant 26 : i32
        %add3A_1537 = arith.addi %add3A_1536, %scan3A_1491 : i32
        %get3A_1538 = arith.index_cast %add3A_1537 : i32 to index
        %get3A_1539 = arith.constant 96 : index
        %get3A_1540 = tpu.vector_load %arg14[%get3A_1538, %get3A_1539] {strides = array<i32>} : memref<104x128xf32, #tpu.memory_space<vmem>>, vector<16xf32>,
        %add3A_1541 = arith.addf %scan3A_1498, %get3A_1540 : vector<16xf32>
        %add3A_1542 = arith.constant 26 : i32
        %add3A_1543 = arith.addi %add3A_1542, %scan3A_1491 : i32
        %get3A_1544 = arith.index_cast %add3A_1543 : i32 to index
        %get3A_1545 = arith.constant 112 : index
        %get3A_1546 = tpu.vector_load %arg14[%get3A_1544, %get3A_1545] {strides = array<i32>} : memref<104x128xf32, #tpu.memory_space<vmem>>, vector<16xf32>,
        %add3A_1547 = arith.addf %scan3A_1499, %get3A_1546 : vector<16xf32>
        scf.yield %add3A_1505, %add3A_1511, %add3A_1517, %add3A_1523, %add3A_1529, %add3A_1535, %add3A_1541, %add3A_1547 : vector<16xf32>, vector<16xf32>, vector<16xf32>, vector<16xf32>, vector<16xf32>, vector<16xf32>, vector<16xf32>, vector<16xf32>
      }
      %scan3A_558 = arith.constant 25 : i32
      %mul3A_559 = arith.mulf %scan3A_557#0, %scan3A_557#0 : vector<16xf32>
      %mul3A_560 = arith.mulf %scan3A_557#1, %scan3A_557#1 : vector<16xf32>
      %add3A_561 = arith.addf %mul3A_559, %mul3A_560 : vector<16xf32>
      %mul3A_562 = arith.mulf %scan3A_557#2, %scan3A_557#2 : vector<16xf32>
      %add3A_563 = arith.addf %add3A_561, %mul3A_562 : vector<16xf32>
      %mul3A_564 = arith.mulf %scan3A_557#3, %scan3A_557#3 : vector<16xf32>
      %add3A_565 = arith.addf %add3A_563, %mul3A_564 : vector<16xf32>
      %mul3A_566 = arith.mulf %scan3A_557#4, %scan3A_557#4 : vector<16xf32>
      %add3A_567 = arith.addf %add3A_565, %mul3A_566 : vector<16xf32>
      %mul3A_568 = arith.mulf %scan3A_557#5, %scan3A_557#5 : vector<16xf32>
      %add3A_569 = arith.addf %add3A_567, %mul3A_568 : vector<16xf32>
      %mul3A_570 = arith.mulf %scan3A_557#6, %scan3A_557#6 : vector<16xf32>
      %add3A_571 = arith.addf %add3A_569, %mul3A_570 : vector<16xf32>
      %mul3A_572 = arith.mulf %scan3A_557#7, %scan3A_557#7 : vector<16xf32>
      %add3A_573 = arith.addf %add3A_571, %mul3A_572 : vector<16xf32>
      %get3A_574 = arith.index_cast %add3A_439 : i32 to index
      %get3A_575 = arith.constant 26 : index
      %get3A_576 = tpu.vector_load %arg10[%get3A_574, %get3A_575] {strides = array<i32>} : memref<128x104xi32, #tpu.memory_space<vmem>>, vector<16xi32>,
      %get3A_577 = arith.index_cast %add3A_439 : i32 to index
      %get3A_578 = arith.constant 36 : index
      %get3A_579 = tpu.vector_load %arg10[%get3A_577, %get3A_578] {strides = array<i32>} : memref<128x104xi32, #tpu.memory_space<vmem>>, vector<16xi32>,
      %gather3A_580 = tpu.vector_load_idx %arg12[%get3A_576] : memref<2080xf32, #tpu.memory_space<vmem>>[vector<16xi32>], vector<16xf32>,
      %gather3A_581 = tpu.vector_load_idx %arg12[%get3A_579] : memref<2080xf32, #tpu.memory_space<vmem>>[vector<16xi32>], vector<16xf32>,
      %ge3A_582 = arith.constant 6 : i32
      %ge3A_583 = vector.broadcast %ge3A_582 : i32 to vector<16xi32>
      %ge3A_584 = arith.cmpi sge, %iota3A, %ge3A_583 : vector<16xi32>
      %jit3A_585 = arith.constant 0.000000e+00 : f32
      %broadcast_in_dim3A_586 = vector.broadcast %jit3A_585 : f32 to vector<16xf32>
      %select_n3A_587 = arith.select %ge3A_584, %gather3A_581, %broadcast_in_dim3A_586 : vector<16xi1>, vector<16xf32>
      %add3A_588 = arith.addf %gather3A_580, %select_n3A_587 : vector<16xf32>
      %mul3A_589 = arith.constant 5.000000e-01 : f32
      %mul3A_590 = vector.broadcast %mul3A_589 : f32 to vector<16xf32>
      %mul3A_591 = arith.mulf %mul3A_590, %add3A_573 : vector<16xf32>
      %add3A_592 = arith.addf %mul3A_591, %add3A_588 : vector<16xf32>
      %reduce_sum3A_593 = arith.constant true
      %reduce_sum3A_594 = vector.broadcast %reduce_sum3A_593 : i1 to vector<16xi1>
      %reduce_sum3A_595 = tpu.scan <sum>, %add3A_592 masked %reduce_sum3A_594 : vector<16xf32>, vector<16xi1> -> vector<16xf32>
      %reduce_sum3A_596 = vector.extract %reduce_sum3A_595[15] : f32 from vector<16xf32>
      %eq3A_597 = arith.constant 5 : i32
      %eq3A_598 = vector.broadcast %eq3A_597 : i32 to vector<16xi32>
      %eq3A_599 = arith.cmpi eq, %iota3A, %eq3A_598 : vector<16xi32>
      %broadcast_in_dim3A_600 = vector.broadcast %reduce_sum3A_596 : f32 to vector<16xf32>
      %select_n3A_601 = arith.select %eq3A_599, %broadcast_in_dim3A_600, %select_n3A_520 : vector<16xi1>, vector<16xf32>
      %get3A_602 = arith.constant 52 : i32
      %get3A_603 = arith.index_cast %get3A_602 : i32 to index
      %get3A_604 = arith.constant 0 : index
      %get3A_605 = tpu.vector_load %arg14[%get3A_603, %get3A_604] {strides = array<i32>} : memref<104x128xf32, #tpu.memory_space<vmem>>, vector<16xf32>,
      %get3A_606 = arith.constant 52 : i32
      %get3A_607 = arith.index_cast %get3A_606 : i32 to index
      %get3A_608 = arith.constant 16 : index
      %get3A_609 = tpu.vector_load %arg14[%get3A_607, %get3A_608] {strides = array<i32>} : memref<104x128xf32, #tpu.memory_space<vmem>>, vector<16xf32>,
      %get3A_610 = arith.constant 52 : i32
      %get3A_611 = arith.index_cast %get3A_610 : i32 to index
      %get3A_612 = arith.constant 32 : index
      %get3A_613 = tpu.vector_load %arg14[%get3A_611, %get3A_612] {strides = array<i32>} : memref<104x128xf32, #tpu.memory_space<vmem>>, vector<16xf32>,
      %get3A_614 = arith.constant 52 : i32
      %get3A_615 = arith.index_cast %get3A_614 : i32 to index
      %get3A_616 = arith.constant 48 : index
      %get3A_617 = tpu.vector_load %arg14[%get3A_615, %get3A_616] {strides = array<i32>} : memref<104x128xf32, #tpu.memory_space<vmem>>, vector<16xf32>,
      %get3A_618 = arith.constant 52 : i32
      %get3A_619 = arith.index_cast %get3A_618 : i32 to index
      %get3A_620 = arith.constant 64 : index
      %get3A_621 = tpu.vector_load %arg14[%get3A_619, %get3A_620] {strides = array<i32>} : memref<104x128xf32, #tpu.memory_space<vmem>>, vector<16xf32>,
      %get3A_622 = arith.constant 52 : i32
      %get3A_623 = arith.index_cast %get3A_622 : i32 to index
      %get3A_624 = arith.constant 80 : index
      %get3A_625 = tpu.vector_load %arg14[%get3A_623, %get3A_624] {strides = array<i32>} : memref<104x128xf32, #tpu.memory_space<vmem>>, vector<16xf32>,
      %get3A_626 = arith.constant 52 : i32
      %get3A_627 = arith.index_cast %get3A_626 : i32 to index
      %get3A_628 = arith.constant 96 : index
      %get3A_629 = tpu.vector_load %arg14[%get3A_627, %get3A_628] {strides = array<i32>} : memref<104x128xf32, #tpu.memory_space<vmem>>, vector<16xf32>,
      %get3A_630 = arith.constant 52 : i32
      %get3A_631 = arith.index_cast %get3A_630 : i32 to index
      %get3A_632 = arith.constant 112 : index
      %get3A_633 = tpu.vector_load %arg14[%get3A_631, %get3A_632] {strides = array<i32>} : memref<104x128xf32, #tpu.memory_space<vmem>>, vector<16xf32>,
      %scan3A_634 = arith.constant 1 : i32
      %scan3A_635 = arith.constant 25 : i32
      %scan3A_636 = arith.addi %scan3A_634, %scan3A_635 : i32
      %scan3A_637 = arith.constant 1 : i32
      %scan3A_638:8 = scf.for %scan3A_1491 = %scan3A_634 to %scan3A_636 step %scan3A_637 iter_args(%scan3A_1492 = %get3A_605, %scan3A_1493 = %get3A_609, %scan3A_1494 = %get3A_613, %scan3A_1495 = %get3A_617, %scan3A_1496 = %get3A_621, %scan3A_1497 = %get3A_625, %scan3A_1498 = %get3A_629, %scan3A_1499 = %get3A_633) -> (vector<16xf32>, vector<16xf32>, vector<16xf32>, vector<16xf32>, vector<16xf32>, vector<16xf32>, vector<16xf32>, vector<16xf32>)  : i32 {
        %add3A_1500 = arith.constant 52 : i32
        %add3A_1501 = arith.addi %add3A_1500, %scan3A_1491 : i32
        %get3A_1502 = arith.index_cast %add3A_1501 : i32 to index
        %get3A_1503 = arith.constant 0 : index
        %get3A_1504 = tpu.vector_load %arg14[%get3A_1502, %get3A_1503] {strides = array<i32>} : memref<104x128xf32, #tpu.memory_space<vmem>>, vector<16xf32>,
        %add3A_1505 = arith.addf %scan3A_1492, %get3A_1504 : vector<16xf32>
        %add3A_1506 = arith.constant 52 : i32
        %add3A_1507 = arith.addi %add3A_1506, %scan3A_1491 : i32
        %get3A_1508 = arith.index_cast %add3A_1507 : i32 to index
        %get3A_1509 = arith.constant 16 : index
        %get3A_1510 = tpu.vector_load %arg14[%get3A_1508, %get3A_1509] {strides = array<i32>} : memref<104x128xf32, #tpu.memory_space<vmem>>, vector<16xf32>,
        %add3A_1511 = arith.addf %scan3A_1493, %get3A_1510 : vector<16xf32>
        %add3A_1512 = arith.constant 52 : i32
        %add3A_1513 = arith.addi %add3A_1512, %scan3A_1491 : i32
        %get3A_1514 = arith.index_cast %add3A_1513 : i32 to index
        %get3A_1515 = arith.constant 32 : index
        %get3A_1516 = tpu.vector_load %arg14[%get3A_1514, %get3A_1515] {strides = array<i32>} : memref<104x128xf32, #tpu.memory_space<vmem>>, vector<16xf32>,
        %add3A_1517 = arith.addf %scan3A_1494, %get3A_1516 : vector<16xf32>
        %add3A_1518 = arith.constant 52 : i32
        %add3A_1519 = arith.addi %add3A_1518, %scan3A_1491 : i32
        %get3A_1520 = arith.index_cast %add3A_1519 : i32 to index
        %get3A_1521 = arith.constant 48 : index
        %get3A_1522 = tpu.vector_load %arg14[%get3A_1520, %get3A_1521] {strides = array<i32>} : memref<104x128xf32, #tpu.memory_space<vmem>>, vector<16xf32>,
        %add3A_1523 = arith.addf %scan3A_1495, %get3A_1522 : vector<16xf32>
        %add3A_1524 = arith.constant 52 : i32
        %add3A_1525 = arith.addi %add3A_1524, %scan3A_1491 : i32
        %get3A_1526 = arith.index_cast %add3A_1525 : i32 to index
        %get3A_1527 = arith.constant 64 : index
        %get3A_1528 = tpu.vector_load %arg14[%get3A_1526, %get3A_1527] {strides = array<i32>} : memref<104x128xf32, #tpu.memory_space<vmem>>, vector<16xf32>,
        %add3A_1529 = arith.addf %scan3A_1496, %get3A_1528 : vector<16xf32>
        %add3A_1530 = arith.constant 52 : i32
        %add3A_1531 = arith.addi %add3A_1530, %scan3A_1491 : i32
        %get3A_1532 = arith.index_cast %add3A_1531 : i32 to index
        %get3A_1533 = arith.constant 80 : index
        %get3A_1534 = tpu.vector_load %arg14[%get3A_1532, %get3A_1533] {strides = array<i32>} : memref<104x128xf32, #tpu.memory_space<vmem>>, vector<16xf32>,
        %add3A_1535 = arith.addf %scan3A_1497, %get3A_1534 : vector<16xf32>
        %add3A_1536 = arith.constant 52 : i32
        %add3A_1537 = arith.addi %add3A_1536, %scan3A_1491 : i32
        %get3A_1538 = arith.index_cast %add3A_1537 : i32 to index
        %get3A_1539 = arith.constant 96 : index
        %get3A_1540 = tpu.vector_load %arg14[%get3A_1538, %get3A_1539] {strides = array<i32>} : memref<104x128xf32, #tpu.memory_space<vmem>>, vector<16xf32>,
        %add3A_1541 = arith.addf %scan3A_1498, %get3A_1540 : vector<16xf32>
        %add3A_1542 = arith.constant 52 : i32
        %add3A_1543 = arith.addi %add3A_1542, %scan3A_1491 : i32
        %get3A_1544 = arith.index_cast %add3A_1543 : i32 to index
        %get3A_1545 = arith.constant 112 : index
        %get3A_1546 = tpu.vector_load %arg14[%get3A_1544, %get3A_1545] {strides = array<i32>} : memref<104x128xf32, #tpu.memory_space<vmem>>, vector<16xf32>,
        %add3A_1547 = arith.addf %scan3A_1499, %get3A_1546 : vector<16xf32>
        scf.yield %add3A_1505, %add3A_1511, %add3A_1517, %add3A_1523, %add3A_1529, %add3A_1535, %add3A_1541, %add3A_1547 : vector<16xf32>, vector<16xf32>, vector<16xf32>, vector<16xf32>, vector<16xf32>, vector<16xf32>, vector<16xf32>, vector<16xf32>
      }
      %scan3A_639 = arith.constant 25 : i32
      %mul3A_640 = arith.mulf %scan3A_638#0, %scan3A_638#0 : vector<16xf32>
      %mul3A_641 = arith.mulf %scan3A_638#1, %scan3A_638#1 : vector<16xf32>
      %add3A_642 = arith.addf %mul3A_640, %mul3A_641 : vector<16xf32>
      %mul3A_643 = arith.mulf %scan3A_638#2, %scan3A_638#2 : vector<16xf32>
      %add3A_644 = arith.addf %add3A_642, %mul3A_643 : vector<16xf32>
      %mul3A_645 = arith.mulf %scan3A_638#3, %scan3A_638#3 : vector<16xf32>
      %add3A_646 = arith.addf %add3A_644, %mul3A_645 : vector<16xf32>
      %mul3A_647 = arith.mulf %scan3A_638#4, %scan3A_638#4 : vector<16xf32>
      %add3A_648 = arith.addf %add3A_646, %mul3A_647 : vector<16xf32>
      %mul3A_649 = arith.mulf %scan3A_638#5, %scan3A_638#5 : vector<16xf32>
      %add3A_650 = arith.addf %add3A_648, %mul3A_649 : vector<16xf32>
      %mul3A_651 = arith.mulf %scan3A_638#6, %scan3A_638#6 : vector<16xf32>
      %add3A_652 = arith.addf %add3A_650, %mul3A_651 : vector<16xf32>
      %mul3A_653 = arith.mulf %scan3A_638#7, %scan3A_638#7 : vector<16xf32>
      %add3A_654 = arith.addf %add3A_652, %mul3A_653 : vector<16xf32>
      %get3A_655 = arith.index_cast %add3A_439 : i32 to index
      %get3A_656 = arith.constant 52 : index
      %get3A_657 = tpu.vector_load %arg10[%get3A_655, %get3A_656] {strides = array<i32>} : memref<128x104xi32, #tpu.memory_space<vmem>>, vector<16xi32>,
      %get3A_658 = arith.index_cast %add3A_439 : i32 to index
      %get3A_659 = arith.constant 62 : index
      %get3A_660 = tpu.vector_load %arg10[%get3A_658, %get3A_659] {strides = array<i32>} : memref<128x104xi32, #tpu.memory_space<vmem>>, vector<16xi32>,
      %gather3A_661 = tpu.vector_load_idx %arg12[%get3A_657] : memref<2080xf32, #tpu.memory_space<vmem>>[vector<16xi32>], vector<16xf32>,
      %gather3A_662 = tpu.vector_load_idx %arg12[%get3A_660] : memref<2080xf32, #tpu.memory_space<vmem>>[vector<16xi32>], vector<16xf32>,
      %ge3A_663 = arith.constant 6 : i32
      %ge3A_664 = vector.broadcast %ge3A_663 : i32 to vector<16xi32>
      %ge3A_665 = arith.cmpi sge, %iota3A, %ge3A_664 : vector<16xi32>
      %jit3A_666 = arith.constant 0.000000e+00 : f32
      %broadcast_in_dim3A_667 = vector.broadcast %jit3A_666 : f32 to vector<16xf32>
      %select_n3A_668 = arith.select %ge3A_665, %gather3A_662, %broadcast_in_dim3A_667 : vector<16xi1>, vector<16xf32>
      %add3A_669 = arith.addf %gather3A_661, %select_n3A_668 : vector<16xf32>
      %mul3A_670 = arith.constant 5.000000e-01 : f32
      %mul3A_671 = vector.broadcast %mul3A_670 : f32 to vector<16xf32>
      %mul3A_672 = arith.mulf %mul3A_671, %add3A_654 : vector<16xf32>
      %add3A_673 = arith.addf %mul3A_672, %add3A_669 : vector<16xf32>
      %reduce_sum3A_674 = arith.constant true
      %reduce_sum3A_675 = vector.broadcast %reduce_sum3A_674 : i1 to vector<16xi1>
      %reduce_sum3A_676 = tpu.scan <sum>, %add3A_673 masked %reduce_sum3A_675 : vector<16xf32>, vector<16xi1> -> vector<16xf32>
      %reduce_sum3A_677 = vector.extract %reduce_sum3A_676[15] : f32 from vector<16xf32>
      %eq3A_678 = arith.constant 6 : i32
      %eq3A_679 = vector.broadcast %eq3A_678 : i32 to vector<16xi32>
      %eq3A_680 = arith.cmpi eq, %iota3A, %eq3A_679 : vector<16xi32>
      %broadcast_in_dim3A_681 = vector.broadcast %reduce_sum3A_677 : f32 to vector<16xf32>
      %select_n3A_682 = arith.select %eq3A_680, %broadcast_in_dim3A_681, %select_n3A_601 : vector<16xi1>, vector<16xf32>
      %get3A_683 = arith.constant 78 : i32
      %get3A_684 = arith.index_cast %get3A_683 : i32 to index
      %get3A_685 = arith.constant 0 : index
      %get3A_686 = tpu.vector_load %arg14[%get3A_684, %get3A_685] {strides = array<i32>} : memref<104x128xf32, #tpu.memory_space<vmem>>, vector<16xf32>,
      %get3A_687 = arith.constant 78 : i32
      %get3A_688 = arith.index_cast %get3A_687 : i32 to index
      %get3A_689 = arith.constant 16 : index
      %get3A_690 = tpu.vector_load %arg14[%get3A_688, %get3A_689] {strides = array<i32>} : memref<104x128xf32, #tpu.memory_space<vmem>>, vector<16xf32>,
      %get3A_691 = arith.constant 78 : i32
      %get3A_692 = arith.index_cast %get3A_691 : i32 to index
      %get3A_693 = arith.constant 32 : index
      %get3A_694 = tpu.vector_load %arg14[%get3A_692, %get3A_693] {strides = array<i32>} : memref<104x128xf32, #tpu.memory_space<vmem>>, vector<16xf32>,
      %get3A_695 = arith.constant 78 : i32
      %get3A_696 = arith.index_cast %get3A_695 : i32 to index
      %get3A_697 = arith.constant 48 : index
      %get3A_698 = tpu.vector_load %arg14[%get3A_696, %get3A_697] {strides = array<i32>} : memref<104x128xf32, #tpu.memory_space<vmem>>, vector<16xf32>,
      %get3A_699 = arith.constant 78 : i32
      %get3A_700 = arith.index_cast %get3A_699 : i32 to index
      %get3A_701 = arith.constant 64 : index
      %get3A_702 = tpu.vector_load %arg14[%get3A_700, %get3A_701] {strides = array<i32>} : memref<104x128xf32, #tpu.memory_space<vmem>>, vector<16xf32>,
      %get3A_703 = arith.constant 78 : i32
      %get3A_704 = arith.index_cast %get3A_703 : i32 to index
      %get3A_705 = arith.constant 80 : index
      %get3A_706 = tpu.vector_load %arg14[%get3A_704, %get3A_705] {strides = array<i32>} : memref<104x128xf32, #tpu.memory_space<vmem>>, vector<16xf32>,
      %get3A_707 = arith.constant 78 : i32
      %get3A_708 = arith.index_cast %get3A_707 : i32 to index
      %get3A_709 = arith.constant 96 : index
      %get3A_710 = tpu.vector_load %arg14[%get3A_708, %get3A_709] {strides = array<i32>} : memref<104x128xf32, #tpu.memory_space<vmem>>, vector<16xf32>,
      %get3A_711 = arith.constant 78 : i32
      %get3A_712 = arith.index_cast %get3A_711 : i32 to index
      %get3A_713 = arith.constant 112 : index
      %get3A_714 = tpu.vector_load %arg14[%get3A_712, %get3A_713] {strides = array<i32>} : memref<104x128xf32, #tpu.memory_space<vmem>>, vector<16xf32>,
      %scan3A_715 = arith.constant 1 : i32
      %scan3A_716 = arith.constant 25 : i32
      %scan3A_717 = arith.addi %scan3A_715, %scan3A_716 : i32
      %scan3A_718 = arith.constant 1 : i32
      %scan3A_719:8 = scf.for %scan3A_1491 = %scan3A_715 to %scan3A_717 step %scan3A_718 iter_args(%scan3A_1492 = %get3A_686, %scan3A_1493 = %get3A_690, %scan3A_1494 = %get3A_694, %scan3A_1495 = %get3A_698, %scan3A_1496 = %get3A_702, %scan3A_1497 = %get3A_706, %scan3A_1498 = %get3A_710, %scan3A_1499 = %get3A_714) -> (vector<16xf32>, vector<16xf32>, vector<16xf32>, vector<16xf32>, vector<16xf32>, vector<16xf32>, vector<16xf32>, vector<16xf32>)  : i32 {
        %add3A_1500 = arith.constant 78 : i32
        %add3A_1501 = arith.addi %add3A_1500, %scan3A_1491 : i32
        %get3A_1502 = arith.index_cast %add3A_1501 : i32 to index
        %get3A_1503 = arith.constant 0 : index
        %get3A_1504 = tpu.vector_load %arg14[%get3A_1502, %get3A_1503] {strides = array<i32>} : memref<104x128xf32, #tpu.memory_space<vmem>>, vector<16xf32>,
        %add3A_1505 = arith.addf %scan3A_1492, %get3A_1504 : vector<16xf32>
        %add3A_1506 = arith.constant 78 : i32
        %add3A_1507 = arith.addi %add3A_1506, %scan3A_1491 : i32
        %get3A_1508 = arith.index_cast %add3A_1507 : i32 to index
        %get3A_1509 = arith.constant 16 : index
        %get3A_1510 = tpu.vector_load %arg14[%get3A_1508, %get3A_1509] {strides = array<i32>} : memref<104x128xf32, #tpu.memory_space<vmem>>, vector<16xf32>,
        %add3A_1511 = arith.addf %scan3A_1493, %get3A_1510 : vector<16xf32>
        %add3A_1512 = arith.constant 78 : i32
        %add3A_1513 = arith.addi %add3A_1512, %scan3A_1491 : i32
        %get3A_1514 = arith.index_cast %add3A_1513 : i32 to index
        %get3A_1515 = arith.constant 32 : index
        %get3A_1516 = tpu.vector_load %arg14[%get3A_1514, %get3A_1515] {strides = array<i32>} : memref<104x128xf32, #tpu.memory_space<vmem>>, vector<16xf32>,
        %add3A_1517 = arith.addf %scan3A_1494, %get3A_1516 : vector<16xf32>
        %add3A_1518 = arith.constant 78 : i32
        %add3A_1519 = arith.addi %add3A_1518, %scan3A_1491 : i32
        %get3A_1520 = arith.index_cast %add3A_1519 : i32 to index
        %get3A_1521 = arith.constant 48 : index
        %get3A_1522 = tpu.vector_load %arg14[%get3A_1520, %get3A_1521] {strides = array<i32>} : memref<104x128xf32, #tpu.memory_space<vmem>>, vector<16xf32>,
        %add3A_1523 = arith.addf %scan3A_1495, %get3A_1522 : vector<16xf32>
        %add3A_1524 = arith.constant 78 : i32
        %add3A_1525 = arith.addi %add3A_1524, %scan3A_1491 : i32
        %get3A_1526 = arith.index_cast %add3A_1525 : i32 to index
        %get3A_1527 = arith.constant 64 : index
        %get3A_1528 = tpu.vector_load %arg14[%get3A_1526, %get3A_1527] {strides = array<i32>} : memref<104x128xf32, #tpu.memory_space<vmem>>, vector<16xf32>,
        %add3A_1529 = arith.addf %scan3A_1496, %get3A_1528 : vector<16xf32>
        %add3A_1530 = arith.constant 78 : i32
        %add3A_1531 = arith.addi %add3A_1530, %scan3A_1491 : i32
        %get3A_1532 = arith.index_cast %add3A_1531 : i32 to index
        %get3A_1533 = arith.constant 80 : index
        %get3A_1534 = tpu.vector_load %arg14[%get3A_1532, %get3A_1533] {strides = array<i32>} : memref<104x128xf32, #tpu.memory_space<vmem>>, vector<16xf32>,
        %add3A_1535 = arith.addf %scan3A_1497, %get3A_1534 : vector<16xf32>
        %add3A_1536 = arith.constant 78 : i32
        %add3A_1537 = arith.addi %add3A_1536, %scan3A_1491 : i32
        %get3A_1538 = arith.index_cast %add3A_1537 : i32 to index
        %get3A_1539 = arith.constant 96 : index
        %get3A_1540 = tpu.vector_load %arg14[%get3A_1538, %get3A_1539] {strides = array<i32>} : memref<104x128xf32, #tpu.memory_space<vmem>>, vector<16xf32>,
        %add3A_1541 = arith.addf %scan3A_1498, %get3A_1540 : vector<16xf32>
        %add3A_1542 = arith.constant 78 : i32
        %add3A_1543 = arith.addi %add3A_1542, %scan3A_1491 : i32
        %get3A_1544 = arith.index_cast %add3A_1543 : i32 to index
        %get3A_1545 = arith.constant 112 : index
        %get3A_1546 = tpu.vector_load %arg14[%get3A_1544, %get3A_1545] {strides = array<i32>} : memref<104x128xf32, #tpu.memory_space<vmem>>, vector<16xf32>,
        %add3A_1547 = arith.addf %scan3A_1499, %get3A_1546 : vector<16xf32>
        scf.yield %add3A_1505, %add3A_1511, %add3A_1517, %add3A_1523, %add3A_1529, %add3A_1535, %add3A_1541, %add3A_1547 : vector<16xf32>, vector<16xf32>, vector<16xf32>, vector<16xf32>, vector<16xf32>, vector<16xf32>, vector<16xf32>, vector<16xf32>
      }
      %scan3A_720 = arith.constant 25 : i32
      %mul3A_721 = arith.mulf %scan3A_719#0, %scan3A_719#0 : vector<16xf32>
      %mul3A_722 = arith.mulf %scan3A_719#1, %scan3A_719#1 : vector<16xf32>
      %add3A_723 = arith.addf %mul3A_721, %mul3A_722 : vector<16xf32>
      %mul3A_724 = arith.mulf %scan3A_719#2, %scan3A_719#2 : vector<16xf32>
      %add3A_725 = arith.addf %add3A_723, %mul3A_724 : vector<16xf32>
      %mul3A_726 = arith.mulf %scan3A_719#3, %scan3A_719#3 : vector<16xf32>
      %add3A_727 = arith.addf %add3A_725, %mul3A_726 : vector<16xf32>
      %mul3A_728 = arith.mulf %scan3A_719#4, %scan3A_719#4 : vector<16xf32>
      %add3A_729 = arith.addf %add3A_727, %mul3A_728 : vector<16xf32>
      %mul3A_730 = arith.mulf %scan3A_719#5, %scan3A_719#5 : vector<16xf32>
      %add3A_731 = arith.addf %add3A_729, %mul3A_730 : vector<16xf32>
      %mul3A_732 = arith.mulf %scan3A_719#6, %scan3A_719#6 : vector<16xf32>
      %add3A_733 = arith.addf %add3A_731, %mul3A_732 : vector<16xf32>
      %mul3A_734 = arith.mulf %scan3A_719#7, %scan3A_719#7 : vector<16xf32>
      %add3A_735 = arith.addf %add3A_733, %mul3A_734 : vector<16xf32>
      %get3A_736 = arith.index_cast %add3A_439 : i32 to index
      %get3A_737 = arith.constant 78 : index
      %get3A_738 = tpu.vector_load %arg10[%get3A_736, %get3A_737] {strides = array<i32>} : memref<128x104xi32, #tpu.memory_space<vmem>>, vector<16xi32>,
      %get3A_739 = arith.index_cast %add3A_439 : i32 to index
      %get3A_740 = arith.constant 88 : index
      %get3A_741 = tpu.vector_load %arg10[%get3A_739, %get3A_740] {strides = array<i32>} : memref<128x104xi32, #tpu.memory_space<vmem>>, vector<16xi32>,
      %gather3A_742 = tpu.vector_load_idx %arg12[%get3A_738] : memref<2080xf32, #tpu.memory_space<vmem>>[vector<16xi32>], vector<16xf32>,
      %gather3A_743 = tpu.vector_load_idx %arg12[%get3A_741] : memref<2080xf32, #tpu.memory_space<vmem>>[vector<16xi32>], vector<16xf32>,
      %ge3A_744 = arith.constant 6 : i32
      %ge3A_745 = vector.broadcast %ge3A_744 : i32 to vector<16xi32>
      %ge3A_746 = arith.cmpi sge, %iota3A, %ge3A_745 : vector<16xi32>
      %jit3A_747 = arith.constant 0.000000e+00 : f32
      %broadcast_in_dim3A_748 = vector.broadcast %jit3A_747 : f32 to vector<16xf32>
      %select_n3A_749 = arith.select %ge3A_746, %gather3A_743, %broadcast_in_dim3A_748 : vector<16xi1>, vector<16xf32>
      %add3A_750 = arith.addf %gather3A_742, %select_n3A_749 : vector<16xf32>
      %mul3A_751 = arith.constant 5.000000e-01 : f32
      %mul3A_752 = vector.broadcast %mul3A_751 : f32 to vector<16xf32>
      %mul3A_753 = arith.mulf %mul3A_752, %add3A_735 : vector<16xf32>
      %add3A_754 = arith.addf %mul3A_753, %add3A_750 : vector<16xf32>
      %reduce_sum3A_755 = arith.constant true
      %reduce_sum3A_756 = vector.broadcast %reduce_sum3A_755 : i1 to vector<16xi1>
      %reduce_sum3A_757 = tpu.scan <sum>, %add3A_754 masked %reduce_sum3A_756 : vector<16xf32>, vector<16xi1> -> vector<16xf32>
      %reduce_sum3A_758 = vector.extract %reduce_sum3A_757[15] : f32 from vector<16xf32>
      %eq3A_759 = arith.constant 7 : i32
      %eq3A_760 = vector.broadcast %eq3A_759 : i32 to vector<16xi32>
      %eq3A_761 = arith.cmpi eq, %iota3A, %eq3A_760 : vector<16xi32>
      %broadcast_in_dim3A_762 = vector.broadcast %reduce_sum3A_758 : f32 to vector<16xf32>
      %select_n3A_763 = arith.select %eq3A_761, %broadcast_in_dim3A_762, %select_n3A_682 : vector<16xi1>, vector<16xf32>
      %add3A_764 = arith.constant 1 : i32
      %add3A_765 = arith.addi %mul3A_89, %add3A_764 : i32
      %add3A_766 = arith.constant 4 : i32
      %add3A_767 = arith.addi %add3A_765, %add3A_766 : i32
      %min3A_768 = arith.constant 127 : i32
      %min3A_769 = arith.minsi %add3A_767, %min3A_768 : i32
      %dma_start3A_770 = arith.constant 0 : i32
      %dma_start3A_771 = tpu.memref_slice %arg10[%min3A_769, %dma_start3A_770] : memref<128x104xi32, #tpu.memory_space<vmem>> -> memref<1x104xi32, #tpu.memory_space<vmem>>
      %dma_start3A_772 = tpu.memref_squeeze %dma_start3A_771 : memref<1x104xi32, #tpu.memory_space<vmem>> -> memref<104xi32, #tpu.memory_space<vmem>>
      %dma_start3A_773 = arith.constant 0 : i32
      %dma_start3A_774 = arith.constant 0 : i32
      %dma_start3A_775 = tpu.memref_slice %arg2[%dma_start3A_773, %dma_start3A_774] : memref<2080x128xf32, #tpu.memory_space<hbm>> -> memref<2080x128xf32, #tpu.memory_space<hbm>>
      tpu.enqueue_indirect_dma source(%dma_start3A_775 : memref<2080x128xf32, #tpu.memory_space<hbm>>) target(%arg14 : memref<104x128xf32, #tpu.memory_space<vmem>>) offsets(%dma_start3A_772 : memref<104xi32, #tpu.memory_space<vmem>>) semaphore(%arg23 : memref<!tpu.dma_semaphore, #tpu.memory_space<semaphore_mem>>)
      %add3A_776 = arith.constant 2 : i32
      %add3A_777 = arith.addi %mul3A_89, %add3A_776 : i32
      %dma_wait3A_778 = arith.constant 0 : i32
      %dma_wait3A_779 = tpu.memref_slice %arg10[%add3A_777, %dma_wait3A_778] : memref<128x104xi32, #tpu.memory_space<vmem>> -> memref<1x104xi32, #tpu.memory_space<vmem>>
      %dma_wait3A_780 = tpu.memref_squeeze %dma_wait3A_779 : memref<1x104xi32, #tpu.memory_space<vmem>> -> memref<104xi32, #tpu.memory_space<vmem>>
      %dma_wait3A_781 = arith.constant 0 : i32
      %dma_wait3A_782 = arith.constant 0 : i32
      %dma_wait3A_783 = tpu.memref_slice %arg11[%dma_wait3A_781, %dma_wait3A_782] : memref<2080x128xf32, #tpu.memory_space<vmem_shared>> -> memref<2080x128xf32, #tpu.memory_space<vmem_shared>>
      tpu.wait_indirect_dma semaphore(%arg24 : memref<!tpu.dma_semaphore, #tpu.memory_space<semaphore_mem>>) src(%dma_wait3A_783 : memref<2080x128xf32, #tpu.memory_space<vmem_shared>>) dst(%arg15 : memref<104x128xf32, #tpu.memory_space<vmem>>)
      %add3A_784 = arith.constant 2 : i32
      %add3A_785 = arith.addi %mul3A_89, %add3A_784 : i32
      %get3A_786 = arith.constant 0 : i32
      %get3A_787 = arith.index_cast %get3A_786 : i32 to index
      %get3A_788 = arith.constant 0 : index
      %get3A_789 = tpu.vector_load %arg15[%get3A_787, %get3A_788] {strides = array<i32>} : memref<104x128xf32, #tpu.memory_space<vmem>>, vector<16xf32>,
      %get3A_790 = arith.constant 0 : i32
      %get3A_791 = arith.index_cast %get3A_790 : i32 to index
      %get3A_792 = arith.constant 16 : index
      %get3A_793 = tpu.vector_load %arg15[%get3A_791, %get3A_792] {strides = array<i32>} : memref<104x128xf32, #tpu.memory_space<vmem>>, vector<16xf32>,
      %get3A_794 = arith.constant 0 : i32
      %get3A_795 = arith.index_cast %get3A_794 : i32 to index
      %get3A_796 = arith.constant 32 : index
      %get3A_797 = tpu.vector_load %arg15[%get3A_795, %get3A_796] {strides = array<i32>} : memref<104x128xf32, #tpu.memory_space<vmem>>, vector<16xf32>,
      %get3A_798 = arith.constant 0 : i32
      %get3A_799 = arith.index_cast %get3A_798 : i32 to index
      %get3A_800 = arith.constant 48 : index
      %get3A_801 = tpu.vector_load %arg15[%get3A_799, %get3A_800] {strides = array<i32>} : memref<104x128xf32, #tpu.memory_space<vmem>>, vector<16xf32>,
      %get3A_802 = arith.constant 0 : i32
      %get3A_803 = arith.index_cast %get3A_802 : i32 to index
      %get3A_804 = arith.constant 64 : index
      %get3A_805 = tpu.vector_load %arg15[%get3A_803, %get3A_804] {strides = array<i32>} : memref<104x128xf32, #tpu.memory_space<vmem>>, vector<16xf32>,
      %get3A_806 = arith.constant 0 : i32
      %get3A_807 = arith.index_cast %get3A_806 : i32 to index
      %get3A_808 = arith.constant 80 : index
      %get3A_809 = tpu.vector_load %arg15[%get3A_807, %get3A_808] {strides = array<i32>} : memref<104x128xf32, #tpu.memory_space<vmem>>, vector<16xf32>,
      %get3A_810 = arith.constant 0 : i32
      %get3A_811 = arith.index_cast %get3A_810 : i32 to index
      %get3A_812 = arith.constant 96 : index
      %get3A_813 = tpu.vector_load %arg15[%get3A_811, %get3A_812] {strides = array<i32>} : memref<104x128xf32, #tpu.memory_space<vmem>>, vector<16xf32>,
      %get3A_814 = arith.constant 0 : i32
      %get3A_815 = arith.index_cast %get3A_814 : i32 to index
      %get3A_816 = arith.constant 112 : index
      %get3A_817 = tpu.vector_load %arg15[%get3A_815, %get3A_816] {strides = array<i32>} : memref<104x128xf32, #tpu.memory_space<vmem>>, vector<16xf32>,
      %scan3A_818 = arith.constant 1 : i32
      %scan3A_819 = arith.constant 25 : i32
      %scan3A_820 = arith.addi %scan3A_818, %scan3A_819 : i32
      %scan3A_821 = arith.constant 1 : i32
      %scan3A_822:8 = scf.for %scan3A_1491 = %scan3A_818 to %scan3A_820 step %scan3A_821 iter_args(%scan3A_1492 = %get3A_789, %scan3A_1493 = %get3A_793, %scan3A_1494 = %get3A_797, %scan3A_1495 = %get3A_801, %scan3A_1496 = %get3A_805, %scan3A_1497 = %get3A_809, %scan3A_1498 = %get3A_813, %scan3A_1499 = %get3A_817) -> (vector<16xf32>, vector<16xf32>, vector<16xf32>, vector<16xf32>, vector<16xf32>, vector<16xf32>, vector<16xf32>, vector<16xf32>)  : i32 {
        %add3A_1500 = arith.constant 0 : i32
        %add3A_1501 = arith.addi %add3A_1500, %scan3A_1491 : i32
        %get3A_1502 = arith.index_cast %add3A_1501 : i32 to index
        %get3A_1503 = arith.constant 0 : index
        %get3A_1504 = tpu.vector_load %arg15[%get3A_1502, %get3A_1503] {strides = array<i32>} : memref<104x128xf32, #tpu.memory_space<vmem>>, vector<16xf32>,
        %add3A_1505 = arith.addf %scan3A_1492, %get3A_1504 : vector<16xf32>
        %add3A_1506 = arith.constant 0 : i32
        %add3A_1507 = arith.addi %add3A_1506, %scan3A_1491 : i32
        %get3A_1508 = arith.index_cast %add3A_1507 : i32 to index
        %get3A_1509 = arith.constant 16 : index
        %get3A_1510 = tpu.vector_load %arg15[%get3A_1508, %get3A_1509] {strides = array<i32>} : memref<104x128xf32, #tpu.memory_space<vmem>>, vector<16xf32>,
        %add3A_1511 = arith.addf %scan3A_1493, %get3A_1510 : vector<16xf32>
        %add3A_1512 = arith.constant 0 : i32
        %add3A_1513 = arith.addi %add3A_1512, %scan3A_1491 : i32
        %get3A_1514 = arith.index_cast %add3A_1513 : i32 to index
        %get3A_1515 = arith.constant 32 : index
        %get3A_1516 = tpu.vector_load %arg15[%get3A_1514, %get3A_1515] {strides = array<i32>} : memref<104x128xf32, #tpu.memory_space<vmem>>, vector<16xf32>,
        %add3A_1517 = arith.addf %scan3A_1494, %get3A_1516 : vector<16xf32>
        %add3A_1518 = arith.constant 0 : i32
        %add3A_1519 = arith.addi %add3A_1518, %scan3A_1491 : i32
        %get3A_1520 = arith.index_cast %add3A_1519 : i32 to index
        %get3A_1521 = arith.constant 48 : index
        %get3A_1522 = tpu.vector_load %arg15[%get3A_1520, %get3A_1521] {strides = array<i32>} : memref<104x128xf32, #tpu.memory_space<vmem>>, vector<16xf32>,
        %add3A_1523 = arith.addf %scan3A_1495, %get3A_1522 : vector<16xf32>
        %add3A_1524 = arith.constant 0 : i32
        %add3A_1525 = arith.addi %add3A_1524, %scan3A_1491 : i32
        %get3A_1526 = arith.index_cast %add3A_1525 : i32 to index
        %get3A_1527 = arith.constant 64 : index
        %get3A_1528 = tpu.vector_load %arg15[%get3A_1526, %get3A_1527] {strides = array<i32>} : memref<104x128xf32, #tpu.memory_space<vmem>>, vector<16xf32>,
        %add3A_1529 = arith.addf %scan3A_1496, %get3A_1528 : vector<16xf32>
        %add3A_1530 = arith.constant 0 : i32
        %add3A_1531 = arith.addi %add3A_1530, %scan3A_1491 : i32
        %get3A_1532 = arith.index_cast %add3A_1531 : i32 to index
        %get3A_1533 = arith.constant 80 : index
        %get3A_1534 = tpu.vector_load %arg15[%get3A_1532, %get3A_1533] {strides = array<i32>} : memref<104x128xf32, #tpu.memory_space<vmem>>, vector<16xf32>,
        %add3A_1535 = arith.addf %scan3A_1497, %get3A_1534 : vector<16xf32>
        %add3A_1536 = arith.constant 0 : i32
        %add3A_1537 = arith.addi %add3A_1536, %scan3A_1491 : i32
        %get3A_1538 = arith.index_cast %add3A_1537 : i32 to index
        %get3A_1539 = arith.constant 96 : index
        %get3A_1540 = tpu.vector_load %arg15[%get3A_1538, %get3A_1539] {strides = array<i32>} : memref<104x128xf32, #tpu.memory_space<vmem>>, vector<16xf32>,
        %add3A_1541 = arith.addf %scan3A_1498, %get3A_1540 : vector<16xf32>
        %add3A_1542 = arith.constant 0 : i32
        %add3A_1543 = arith.addi %add3A_1542, %scan3A_1491 : i32
        %get3A_1544 = arith.index_cast %add3A_1543 : i32 to index
        %get3A_1545 = arith.constant 112 : index
        %get3A_1546 = tpu.vector_load %arg15[%get3A_1544, %get3A_1545] {strides = array<i32>} : memref<104x128xf32, #tpu.memory_space<vmem>>, vector<16xf32>,
        %add3A_1547 = arith.addf %scan3A_1499, %get3A_1546 : vector<16xf32>
        scf.yield %add3A_1505, %add3A_1511, %add3A_1517, %add3A_1523, %add3A_1529, %add3A_1535, %add3A_1541, %add3A_1547 : vector<16xf32>, vector<16xf32>, vector<16xf32>, vector<16xf32>, vector<16xf32>, vector<16xf32>, vector<16xf32>, vector<16xf32>
      }
      %scan3A_823 = arith.constant 25 : i32
      %mul3A_824 = arith.mulf %scan3A_822#0, %scan3A_822#0 : vector<16xf32>
      %mul3A_825 = arith.mulf %scan3A_822#1, %scan3A_822#1 : vector<16xf32>
      %add3A_826 = arith.addf %mul3A_824, %mul3A_825 : vector<16xf32>
      %mul3A_827 = arith.mulf %scan3A_822#2, %scan3A_822#2 : vector<16xf32>
      %add3A_828 = arith.addf %add3A_826, %mul3A_827 : vector<16xf32>
      %mul3A_829 = arith.mulf %scan3A_822#3, %scan3A_822#3 : vector<16xf32>
      %add3A_830 = arith.addf %add3A_828, %mul3A_829 : vector<16xf32>
      %mul3A_831 = arith.mulf %scan3A_822#4, %scan3A_822#4 : vector<16xf32>
      %add3A_832 = arith.addf %add3A_830, %mul3A_831 : vector<16xf32>
      %mul3A_833 = arith.mulf %scan3A_822#5, %scan3A_822#5 : vector<16xf32>
      %add3A_834 = arith.addf %add3A_832, %mul3A_833 : vector<16xf32>
      %mul3A_835 = arith.mulf %scan3A_822#6, %scan3A_822#6 : vector<16xf32>
      %add3A_836 = arith.addf %add3A_834, %mul3A_835 : vector<16xf32>
      %mul3A_837 = arith.mulf %scan3A_822#7, %scan3A_822#7 : vector<16xf32>
      %add3A_838 = arith.addf %add3A_836, %mul3A_837 : vector<16xf32>
      %get3A_839 = arith.index_cast %add3A_785 : i32 to index
      %get3A_840 = arith.constant 0 : index
      %get3A_841 = tpu.vector_load %arg10[%get3A_839, %get3A_840] {strides = array<i32>} : memref<128x104xi32, #tpu.memory_space<vmem>>, vector<16xi32>,
      %get3A_842 = arith.index_cast %add3A_785 : i32 to index
      %get3A_843 = arith.constant 10 : index
      %get3A_844 = tpu.vector_load %arg10[%get3A_842, %get3A_843] {strides = array<i32>} : memref<128x104xi32, #tpu.memory_space<vmem>>, vector<16xi32>,
      %gather3A_845 = tpu.vector_load_idx %arg12[%get3A_841] : memref<2080xf32, #tpu.memory_space<vmem>>[vector<16xi32>], vector<16xf32>,
      %gather3A_846 = tpu.vector_load_idx %arg12[%get3A_844] : memref<2080xf32, #tpu.memory_space<vmem>>[vector<16xi32>], vector<16xf32>,
      %ge3A_847 = arith.constant 6 : i32
      %ge3A_848 = vector.broadcast %ge3A_847 : i32 to vector<16xi32>
      %ge3A_849 = arith.cmpi sge, %iota3A, %ge3A_848 : vector<16xi32>
      %jit3A_850 = arith.constant 0.000000e+00 : f32
      %broadcast_in_dim3A_851 = vector.broadcast %jit3A_850 : f32 to vector<16xf32>
      %select_n3A_852 = arith.select %ge3A_849, %gather3A_846, %broadcast_in_dim3A_851 : vector<16xi1>, vector<16xf32>
      %add3A_853 = arith.addf %gather3A_845, %select_n3A_852 : vector<16xf32>
      %mul3A_854 = arith.constant 5.000000e-01 : f32
      %mul3A_855 = vector.broadcast %mul3A_854 : f32 to vector<16xf32>
      %mul3A_856 = arith.mulf %mul3A_855, %add3A_838 : vector<16xf32>
      %add3A_857 = arith.addf %mul3A_856, %add3A_853 : vector<16xf32>
      %reduce_sum3A_858 = arith.constant true
      %reduce_sum3A_859 = vector.broadcast %reduce_sum3A_858 : i1 to vector<16xi1>
      %reduce_sum3A_860 = tpu.scan <sum>, %add3A_857 masked %reduce_sum3A_859 : vector<16xf32>, vector<16xi1> -> vector<16xf32>
      %reduce_sum3A_861 = vector.extract %reduce_sum3A_860[15] : f32 from vector<16xf32>
      %eq3A_862 = arith.constant 8 : i32
      %eq3A_863 = vector.broadcast %eq3A_862 : i32 to vector<16xi32>
      %eq3A_864 = arith.cmpi eq, %iota3A, %eq3A_863 : vector<16xi32>
      %broadcast_in_dim3A_865 = vector.broadcast %reduce_sum3A_861 : f32 to vector<16xf32>
      %select_n3A_866 = arith.select %eq3A_864, %broadcast_in_dim3A_865, %select_n3A_763 : vector<16xi1>, vector<16xf32>
      %get3A_867 = arith.constant 26 : i32
      %get3A_868 = arith.index_cast %get3A_867 : i32 to index
      %get3A_869 = arith.constant 0 : index
      %get3A_870 = tpu.vector_load %arg15[%get3A_868, %get3A_869] {strides = array<i32>} : memref<104x128xf32, #tpu.memory_space<vmem>>, vector<16xf32>,
      %get3A_871 = arith.constant 26 : i32
      %get3A_872 = arith.index_cast %get3A_871 : i32 to index
      %get3A_873 = arith.constant 16 : index
      %get3A_874 = tpu.vector_load %arg15[%get3A_872, %get3A_873] {strides = array<i32>} : memref<104x128xf32, #tpu.memory_space<vmem>>, vector<16xf32>,
      %get3A_875 = arith.constant 26 : i32
      %get3A_876 = arith.index_cast %get3A_875 : i32 to index
      %get3A_877 = arith.constant 32 : index
      %get3A_878 = tpu.vector_load %arg15[%get3A_876, %get3A_877] {strides = array<i32>} : memref<104x128xf32, #tpu.memory_space<vmem>>, vector<16xf32>,
      %get3A_879 = arith.constant 26 : i32
      %get3A_880 = arith.index_cast %get3A_879 : i32 to index
      %get3A_881 = arith.constant 48 : index
      %get3A_882 = tpu.vector_load %arg15[%get3A_880, %get3A_881] {strides = array<i32>} : memref<104x128xf32, #tpu.memory_space<vmem>>, vector<16xf32>,
      %get3A_883 = arith.constant 26 : i32
      %get3A_884 = arith.index_cast %get3A_883 : i32 to index
      %get3A_885 = arith.constant 64 : index
      %get3A_886 = tpu.vector_load %arg15[%get3A_884, %get3A_885] {strides = array<i32>} : memref<104x128xf32, #tpu.memory_space<vmem>>, vector<16xf32>,
      %get3A_887 = arith.constant 26 : i32
      %get3A_888 = arith.index_cast %get3A_887 : i32 to index
      %get3A_889 = arith.constant 80 : index
      %get3A_890 = tpu.vector_load %arg15[%get3A_888, %get3A_889] {strides = array<i32>} : memref<104x128xf32, #tpu.memory_space<vmem>>, vector<16xf32>,
      %get3A_891 = arith.constant 26 : i32
      %get3A_892 = arith.index_cast %get3A_891 : i32 to index
      %get3A_893 = arith.constant 96 : index
      %get3A_894 = tpu.vector_load %arg15[%get3A_892, %get3A_893] {strides = array<i32>} : memref<104x128xf32, #tpu.memory_space<vmem>>, vector<16xf32>,
      %get3A_895 = arith.constant 26 : i32
      %get3A_896 = arith.index_cast %get3A_895 : i32 to index
      %get3A_897 = arith.constant 112 : index
      %get3A_898 = tpu.vector_load %arg15[%get3A_896, %get3A_897] {strides = array<i32>} : memref<104x128xf32, #tpu.memory_space<vmem>>, vector<16xf32>,
      %scan3A_899 = arith.constant 1 : i32
      %scan3A_900 = arith.constant 25 : i32
      %scan3A_901 = arith.addi %scan3A_899, %scan3A_900 : i32
      %scan3A_902 = arith.constant 1 : i32
      %scan3A_903:8 = scf.for %scan3A_1491 = %scan3A_899 to %scan3A_901 step %scan3A_902 iter_args(%scan3A_1492 = %get3A_870, %scan3A_1493 = %get3A_874, %scan3A_1494 = %get3A_878, %scan3A_1495 = %get3A_882, %scan3A_1496 = %get3A_886, %scan3A_1497 = %get3A_890, %scan3A_1498 = %get3A_894, %scan3A_1499 = %get3A_898) -> (vector<16xf32>, vector<16xf32>, vector<16xf32>, vector<16xf32>, vector<16xf32>, vector<16xf32>, vector<16xf32>, vector<16xf32>)  : i32 {
        %add3A_1500 = arith.constant 26 : i32
        %add3A_1501 = arith.addi %add3A_1500, %scan3A_1491 : i32
        %get3A_1502 = arith.index_cast %add3A_1501 : i32 to index
        %get3A_1503 = arith.constant 0 : index
        %get3A_1504 = tpu.vector_load %arg15[%get3A_1502, %get3A_1503] {strides = array<i32>} : memref<104x128xf32, #tpu.memory_space<vmem>>, vector<16xf32>,
        %add3A_1505 = arith.addf %scan3A_1492, %get3A_1504 : vector<16xf32>
        %add3A_1506 = arith.constant 26 : i32
        %add3A_1507 = arith.addi %add3A_1506, %scan3A_1491 : i32
        %get3A_1508 = arith.index_cast %add3A_1507 : i32 to index
        %get3A_1509 = arith.constant 16 : index
        %get3A_1510 = tpu.vector_load %arg15[%get3A_1508, %get3A_1509] {strides = array<i32>} : memref<104x128xf32, #tpu.memory_space<vmem>>, vector<16xf32>,
        %add3A_1511 = arith.addf %scan3A_1493, %get3A_1510 : vector<16xf32>
        %add3A_1512 = arith.constant 26 : i32
        %add3A_1513 = arith.addi %add3A_1512, %scan3A_1491 : i32
        %get3A_1514 = arith.index_cast %add3A_1513 : i32 to index
        %get3A_1515 = arith.constant 32 : index
        %get3A_1516 = tpu.vector_load %arg15[%get3A_1514, %get3A_1515] {strides = array<i32>} : memref<104x128xf32, #tpu.memory_space<vmem>>, vector<16xf32>,
        %add3A_1517 = arith.addf %scan3A_1494, %get3A_1516 : vector<16xf32>
        %add3A_1518 = arith.constant 26 : i32
        %add3A_1519 = arith.addi %add3A_1518, %scan3A_1491 : i32
        %get3A_1520 = arith.index_cast %add3A_1519 : i32 to index
        %get3A_1521 = arith.constant 48 : index
        %get3A_1522 = tpu.vector_load %arg15[%get3A_1520, %get3A_1521] {strides = array<i32>} : memref<104x128xf32, #tpu.memory_space<vmem>>, vector<16xf32>,
        %add3A_1523 = arith.addf %scan3A_1495, %get3A_1522 : vector<16xf32>
        %add3A_1524 = arith.constant 26 : i32
        %add3A_1525 = arith.addi %add3A_1524, %scan3A_1491 : i32
        %get3A_1526 = arith.index_cast %add3A_1525 : i32 to index
        %get3A_1527 = arith.constant 64 : index
        %get3A_1528 = tpu.vector_load %arg15[%get3A_1526, %get3A_1527] {strides = array<i32>} : memref<104x128xf32, #tpu.memory_space<vmem>>, vector<16xf32>,
        %add3A_1529 = arith.addf %scan3A_1496, %get3A_1528 : vector<16xf32>
        %add3A_1530 = arith.constant 26 : i32
        %add3A_1531 = arith.addi %add3A_1530, %scan3A_1491 : i32
        %get3A_1532 = arith.index_cast %add3A_1531 : i32 to index
        %get3A_1533 = arith.constant 80 : index
        %get3A_1534 = tpu.vector_load %arg15[%get3A_1532, %get3A_1533] {strides = array<i32>} : memref<104x128xf32, #tpu.memory_space<vmem>>, vector<16xf32>,
        %add3A_1535 = arith.addf %scan3A_1497, %get3A_1534 : vector<16xf32>
        %add3A_1536 = arith.constant 26 : i32
        %add3A_1537 = arith.addi %add3A_1536, %scan3A_1491 : i32
        %get3A_1538 = arith.index_cast %add3A_1537 : i32 to index
        %get3A_1539 = arith.constant 96 : index
        %get3A_1540 = tpu.vector_load %arg15[%get3A_1538, %get3A_1539] {strides = array<i32>} : memref<104x128xf32, #tpu.memory_space<vmem>>, vector<16xf32>,
        %add3A_1541 = arith.addf %scan3A_1498, %get3A_1540 : vector<16xf32>
        %add3A_1542 = arith.constant 26 : i32
        %add3A_1543 = arith.addi %add3A_1542, %scan3A_1491 : i32
        %get3A_1544 = arith.index_cast %add3A_1543 : i32 to index
        %get3A_1545 = arith.constant 112 : index
        %get3A_1546 = tpu.vector_load %arg15[%get3A_1544, %get3A_1545] {strides = array<i32>} : memref<104x128xf32, #tpu.memory_space<vmem>>, vector<16xf32>,
        %add3A_1547 = arith.addf %scan3A_1499, %get3A_1546 : vector<16xf32>
        scf.yield %add3A_1505, %add3A_1511, %add3A_1517, %add3A_1523, %add3A_1529, %add3A_1535, %add3A_1541, %add3A_1547 : vector<16xf32>, vector<16xf32>, vector<16xf32>, vector<16xf32>, vector<16xf32>, vector<16xf32>, vector<16xf32>, vector<16xf32>
      }
      %scan3A_904 = arith.constant 25 : i32
      %mul3A_905 = arith.mulf %scan3A_903#0, %scan3A_903#0 : vector<16xf32>
      %mul3A_906 = arith.mulf %scan3A_903#1, %scan3A_903#1 : vector<16xf32>
      %add3A_907 = arith.addf %mul3A_905, %mul3A_906 : vector<16xf32>
      %mul3A_908 = arith.mulf %scan3A_903#2, %scan3A_903#2 : vector<16xf32>
      %add3A_909 = arith.addf %add3A_907, %mul3A_908 : vector<16xf32>
      %mul3A_910 = arith.mulf %scan3A_903#3, %scan3A_903#3 : vector<16xf32>
      %add3A_911 = arith.addf %add3A_909, %mul3A_910 : vector<16xf32>
      %mul3A_912 = arith.mulf %scan3A_903#4, %scan3A_903#4 : vector<16xf32>
      %add3A_913 = arith.addf %add3A_911, %mul3A_912 : vector<16xf32>
      %mul3A_914 = arith.mulf %scan3A_903#5, %scan3A_903#5 : vector<16xf32>
      %add3A_915 = arith.addf %add3A_913, %mul3A_914 : vector<16xf32>
      %mul3A_916 = arith.mulf %scan3A_903#6, %scan3A_903#6 : vector<16xf32>
      %add3A_917 = arith.addf %add3A_915, %mul3A_916 : vector<16xf32>
      %mul3A_918 = arith.mulf %scan3A_903#7, %scan3A_903#7 : vector<16xf32>
      %add3A_919 = arith.addf %add3A_917, %mul3A_918 : vector<16xf32>
      %get3A_920 = arith.index_cast %add3A_785 : i32 to index
      %get3A_921 = arith.constant 26 : index
      %get3A_922 = tpu.vector_load %arg10[%get3A_920, %get3A_921] {strides = array<i32>} : memref<128x104xi32, #tpu.memory_space<vmem>>, vector<16xi32>,
      %get3A_923 = arith.index_cast %add3A_785 : i32 to index
      %get3A_924 = arith.constant 36 : index
      %get3A_925 = tpu.vector_load %arg10[%get3A_923, %get3A_924] {strides = array<i32>} : memref<128x104xi32, #tpu.memory_space<vmem>>, vector<16xi32>,
      %gather3A_926 = tpu.vector_load_idx %arg12[%get3A_922] : memref<2080xf32, #tpu.memory_space<vmem>>[vector<16xi32>], vector<16xf32>,
      %gather3A_927 = tpu.vector_load_idx %arg12[%get3A_925] : memref<2080xf32, #tpu.memory_space<vmem>>[vector<16xi32>], vector<16xf32>,
      %ge3A_928 = arith.constant 6 : i32
      %ge3A_929 = vector.broadcast %ge3A_928 : i32 to vector<16xi32>
      %ge3A_930 = arith.cmpi sge, %iota3A, %ge3A_929 : vector<16xi32>
      %jit3A_931 = arith.constant 0.000000e+00 : f32
      %broadcast_in_dim3A_932 = vector.broadcast %jit3A_931 : f32 to vector<16xf32>
      %select_n3A_933 = arith.select %ge3A_930, %gather3A_927, %broadcast_in_dim3A_932 : vector<16xi1>, vector<16xf32>
      %add3A_934 = arith.addf %gather3A_926, %select_n3A_933 : vector<16xf32>
      %mul3A_935 = arith.constant 5.000000e-01 : f32
      %mul3A_936 = vector.broadcast %mul3A_935 : f32 to vector<16xf32>
      %mul3A_937 = arith.mulf %mul3A_936, %add3A_919 : vector<16xf32>
      %add3A_938 = arith.addf %mul3A_937, %add3A_934 : vector<16xf32>
      %reduce_sum3A_939 = arith.constant true
      %reduce_sum3A_940 = vector.broadcast %reduce_sum3A_939 : i1 to vector<16xi1>
      %reduce_sum3A_941 = tpu.scan <sum>, %add3A_938 masked %reduce_sum3A_940 : vector<16xf32>, vector<16xi1> -> vector<16xf32>
      %reduce_sum3A_942 = vector.extract %reduce_sum3A_941[15] : f32 from vector<16xf32>
      %eq3A_943 = arith.constant 9 : i32
      %eq3A_944 = vector.broadcast %eq3A_943 : i32 to vector<16xi32>
      %eq3A_945 = arith.cmpi eq, %iota3A, %eq3A_944 : vector<16xi32>
      %broadcast_in_dim3A_946 = vector.broadcast %reduce_sum3A_942 : f32 to vector<16xf32>
      %select_n3A_947 = arith.select %eq3A_945, %broadcast_in_dim3A_946, %select_n3A_866 : vector<16xi1>, vector<16xf32>
      %get3A_948 = arith.constant 52 : i32
      %get3A_949 = arith.index_cast %get3A_948 : i32 to index
      %get3A_950 = arith.constant 0 : index
      %get3A_951 = tpu.vector_load %arg15[%get3A_949, %get3A_950] {strides = array<i32>} : memref<104x128xf32, #tpu.memory_space<vmem>>, vector<16xf32>,
      %get3A_952 = arith.constant 52 : i32
      %get3A_953 = arith.index_cast %get3A_952 : i32 to index
      %get3A_954 = arith.constant 16 : index
      %get3A_955 = tpu.vector_load %arg15[%get3A_953, %get3A_954] {strides = array<i32>} : memref<104x128xf32, #tpu.memory_space<vmem>>, vector<16xf32>,
      %get3A_956 = arith.constant 52 : i32
      %get3A_957 = arith.index_cast %get3A_956 : i32 to index
      %get3A_958 = arith.constant 32 : index
      %get3A_959 = tpu.vector_load %arg15[%get3A_957, %get3A_958] {strides = array<i32>} : memref<104x128xf32, #tpu.memory_space<vmem>>, vector<16xf32>,
      %get3A_960 = arith.constant 52 : i32
      %get3A_961 = arith.index_cast %get3A_960 : i32 to index
      %get3A_962 = arith.constant 48 : index
      %get3A_963 = tpu.vector_load %arg15[%get3A_961, %get3A_962] {strides = array<i32>} : memref<104x128xf32, #tpu.memory_space<vmem>>, vector<16xf32>,
      %get3A_964 = arith.constant 52 : i32
      %get3A_965 = arith.index_cast %get3A_964 : i32 to index
      %get3A_966 = arith.constant 64 : index
      %get3A_967 = tpu.vector_load %arg15[%get3A_965, %get3A_966] {strides = array<i32>} : memref<104x128xf32, #tpu.memory_space<vmem>>, vector<16xf32>,
      %get3A_968 = arith.constant 52 : i32
      %get3A_969 = arith.index_cast %get3A_968 : i32 to index
      %get3A_970 = arith.constant 80 : index
      %get3A_971 = tpu.vector_load %arg15[%get3A_969, %get3A_970] {strides = array<i32>} : memref<104x128xf32, #tpu.memory_space<vmem>>, vector<16xf32>,
      %get3A_972 = arith.constant 52 : i32
      %get3A_973 = arith.index_cast %get3A_972 : i32 to index
      %get3A_974 = arith.constant 96 : index
      %get3A_975 = tpu.vector_load %arg15[%get3A_973, %get3A_974] {strides = array<i32>} : memref<104x128xf32, #tpu.memory_space<vmem>>, vector<16xf32>,
      %get3A_976 = arith.constant 52 : i32
      %get3A_977 = arith.index_cast %get3A_976 : i32 to index
      %get3A_978 = arith.constant 112 : index
      %get3A_979 = tpu.vector_load %arg15[%get3A_977, %get3A_978] {strides = array<i32>} : memref<104x128xf32, #tpu.memory_space<vmem>>, vector<16xf32>,
      %scan3A_980 = arith.constant 1 : i32
      %scan3A_981 = arith.constant 25 : i32
      %scan3A_982 = arith.addi %scan3A_980, %scan3A_981 : i32
      %scan3A_983 = arith.constant 1 : i32
      %scan3A_984:8 = scf.for %scan3A_1491 = %scan3A_980 to %scan3A_982 step %scan3A_983 iter_args(%scan3A_1492 = %get3A_951, %scan3A_1493 = %get3A_955, %scan3A_1494 = %get3A_959, %scan3A_1495 = %get3A_963, %scan3A_1496 = %get3A_967, %scan3A_1497 = %get3A_971, %scan3A_1498 = %get3A_975, %scan3A_1499 = %get3A_979) -> (vector<16xf32>, vector<16xf32>, vector<16xf32>, vector<16xf32>, vector<16xf32>, vector<16xf32>, vector<16xf32>, vector<16xf32>)  : i32 {
        %add3A_1500 = arith.constant 52 : i32
        %add3A_1501 = arith.addi %add3A_1500, %scan3A_1491 : i32
        %get3A_1502 = arith.index_cast %add3A_1501 : i32 to index
        %get3A_1503 = arith.constant 0 : index
        %get3A_1504 = tpu.vector_load %arg15[%get3A_1502, %get3A_1503] {strides = array<i32>} : memref<104x128xf32, #tpu.memory_space<vmem>>, vector<16xf32>,
        %add3A_1505 = arith.addf %scan3A_1492, %get3A_1504 : vector<16xf32>
        %add3A_1506 = arith.constant 52 : i32
        %add3A_1507 = arith.addi %add3A_1506, %scan3A_1491 : i32
        %get3A_1508 = arith.index_cast %add3A_1507 : i32 to index
        %get3A_1509 = arith.constant 16 : index
        %get3A_1510 = tpu.vector_load %arg15[%get3A_1508, %get3A_1509] {strides = array<i32>} : memref<104x128xf32, #tpu.memory_space<vmem>>, vector<16xf32>,
        %add3A_1511 = arith.addf %scan3A_1493, %get3A_1510 : vector<16xf32>
        %add3A_1512 = arith.constant 52 : i32
        %add3A_1513 = arith.addi %add3A_1512, %scan3A_1491 : i32
        %get3A_1514 = arith.index_cast %add3A_1513 : i32 to index
        %get3A_1515 = arith.constant 32 : index
        %get3A_1516 = tpu.vector_load %arg15[%get3A_1514, %get3A_1515] {strides = array<i32>} : memref<104x128xf32, #tpu.memory_space<vmem>>, vector<16xf32>,
        %add3A_1517 = arith.addf %scan3A_1494, %get3A_1516 : vector<16xf32>
        %add3A_1518 = arith.constant 52 : i32
        %add3A_1519 = arith.addi %add3A_1518, %scan3A_1491 : i32
        %get3A_1520 = arith.index_cast %add3A_1519 : i32 to index
        %get3A_1521 = arith.constant 48 : index
        %get3A_1522 = tpu.vector_load %arg15[%get3A_1520, %get3A_1521] {strides = array<i32>} : memref<104x128xf32, #tpu.memory_space<vmem>>, vector<16xf32>,
        %add3A_1523 = arith.addf %scan3A_1495, %get3A_1522 : vector<16xf32>
        %add3A_1524 = arith.constant 52 : i32
        %add3A_1525 = arith.addi %add3A_1524, %scan3A_1491 : i32
        %get3A_1526 = arith.index_cast %add3A_1525 : i32 to index
        %get3A_1527 = arith.constant 64 : index
        %get3A_1528 = tpu.vector_load %arg15[%get3A_1526, %get3A_1527] {strides = array<i32>} : memref<104x128xf32, #tpu.memory_space<vmem>>, vector<16xf32>,
        %add3A_1529 = arith.addf %scan3A_1496, %get3A_1528 : vector<16xf32>
        %add3A_1530 = arith.constant 52 : i32
        %add3A_1531 = arith.addi %add3A_1530, %scan3A_1491 : i32
        %get3A_1532 = arith.index_cast %add3A_1531 : i32 to index
        %get3A_1533 = arith.constant 80 : index
        %get3A_1534 = tpu.vector_load %arg15[%get3A_1532, %get3A_1533] {strides = array<i32>} : memref<104x128xf32, #tpu.memory_space<vmem>>, vector<16xf32>,
        %add3A_1535 = arith.addf %scan3A_1497, %get3A_1534 : vector<16xf32>
        %add3A_1536 = arith.constant 52 : i32
        %add3A_1537 = arith.addi %add3A_1536, %scan3A_1491 : i32
        %get3A_1538 = arith.index_cast %add3A_1537 : i32 to index
        %get3A_1539 = arith.constant 96 : index
        %get3A_1540 = tpu.vector_load %arg15[%get3A_1538, %get3A_1539] {strides = array<i32>} : memref<104x128xf32, #tpu.memory_space<vmem>>, vector<16xf32>,
        %add3A_1541 = arith.addf %scan3A_1498, %get3A_1540 : vector<16xf32>
        %add3A_1542 = arith.constant 52 : i32
        %add3A_1543 = arith.addi %add3A_1542, %scan3A_1491 : i32
        %get3A_1544 = arith.index_cast %add3A_1543 : i32 to index
        %get3A_1545 = arith.constant 112 : index
        %get3A_1546 = tpu.vector_load %arg15[%get3A_1544, %get3A_1545] {strides = array<i32>} : memref<104x128xf32, #tpu.memory_space<vmem>>, vector<16xf32>,
        %add3A_1547 = arith.addf %scan3A_1499, %get3A_1546 : vector<16xf32>
        scf.yield %add3A_1505, %add3A_1511, %add3A_1517, %add3A_1523, %add3A_1529, %add3A_1535, %add3A_1541, %add3A_1547 : vector<16xf32>, vector<16xf32>, vector<16xf32>, vector<16xf32>, vector<16xf32>, vector<16xf32>, vector<16xf32>, vector<16xf32>
      }
      %scan3A_985 = arith.constant 25 : i32
      %mul3A_986 = arith.mulf %scan3A_984#0, %scan3A_984#0 : vector<16xf32>
      %mul3A_987 = arith.mulf %scan3A_984#1, %scan3A_984#1 : vector<16xf32>
      %add3A_988 = arith.addf %mul3A_986, %mul3A_987 : vector<16xf32>
      %mul3A_989 = arith.mulf %scan3A_984#2, %scan3A_984#2 : vector<16xf32>
      %add3A_990 = arith.addf %add3A_988, %mul3A_989 : vector<16xf32>
      %mul3A_991 = arith.mulf %scan3A_984#3, %scan3A_984#3 : vector<16xf32>
      %add3A_992 = arith.addf %add3A_990, %mul3A_991 : vector<16xf32>
      %mul3A_993 = arith.mulf %scan3A_984#4, %scan3A_984#4 : vector<16xf32>
      %add3A_994 = arith.addf %add3A_992, %mul3A_993 : vector<16xf32>
      %mul3A_995 = arith.mulf %scan3A_984#5, %scan3A_984#5 : vector<16xf32>
      %add3A_996 = arith.addf %add3A_994, %mul3A_995 : vector<16xf32>
      %mul3A_997 = arith.mulf %scan3A_984#6, %scan3A_984#6 : vector<16xf32>
      %add3A_998 = arith.addf %add3A_996, %mul3A_997 : vector<16xf32>
      %mul3A_999 = arith.mulf %scan3A_984#7, %scan3A_984#7 : vector<16xf32>
      %add3A_1000 = arith.addf %add3A_998, %mul3A_999 : vector<16xf32>
      %get3A_1001 = arith.index_cast %add3A_785 : i32 to index
      %get3A_1002 = arith.constant 52 : index
      %get3A_1003 = tpu.vector_load %arg10[%get3A_1001, %get3A_1002] {strides = array<i32>} : memref<128x104xi32, #tpu.memory_space<vmem>>, vector<16xi32>,
      %get3A_1004 = arith.index_cast %add3A_785 : i32 to index
      %get3A_1005 = arith.constant 62 : index
      %get3A_1006 = tpu.vector_load %arg10[%get3A_1004, %get3A_1005] {strides = array<i32>} : memref<128x104xi32, #tpu.memory_space<vmem>>, vector<16xi32>,
      %gather3A_1007 = tpu.vector_load_idx %arg12[%get3A_1003] : memref<2080xf32, #tpu.memory_space<vmem>>[vector<16xi32>], vector<16xf32>,
      %gather3A_1008 = tpu.vector_load_idx %arg12[%get3A_1006] : memref<2080xf32, #tpu.memory_space<vmem>>[vector<16xi32>], vector<16xf32>,
      %ge3A_1009 = arith.constant 6 : i32
      %ge3A_1010 = vector.broadcast %ge3A_1009 : i32 to vector<16xi32>
      %ge3A_1011 = arith.cmpi sge, %iota3A, %ge3A_1010 : vector<16xi32>
      %jit3A_1012 = arith.constant 0.000000e+00 : f32
      %broadcast_in_dim3A_1013 = vector.broadcast %jit3A_1012 : f32 to vector<16xf32>
      %select_n3A_1014 = arith.select %ge3A_1011, %gather3A_1008, %broadcast_in_dim3A_1013 : vector<16xi1>, vector<16xf32>
      %add3A_1015 = arith.addf %gather3A_1007, %select_n3A_1014 : vector<16xf32>
      %mul3A_1016 = arith.constant 5.000000e-01 : f32
      %mul3A_1017 = vector.broadcast %mul3A_1016 : f32 to vector<16xf32>
      %mul3A_1018 = arith.mulf %mul3A_1017, %add3A_1000 : vector<16xf32>
      %add3A_1019 = arith.addf %mul3A_1018, %add3A_1015 : vector<16xf32>
      %reduce_sum3A_1020 = arith.constant true
      %reduce_sum3A_1021 = vector.broadcast %reduce_sum3A_1020 : i1 to vector<16xi1>
      %reduce_sum3A_1022 = tpu.scan <sum>, %add3A_1019 masked %reduce_sum3A_1021 : vector<16xf32>, vector<16xi1> -> vector<16xf32>
      %reduce_sum3A_1023 = vector.extract %reduce_sum3A_1022[15] : f32 from vector<16xf32>
      %eq3A_1024 = arith.constant 10 : i32
      %eq3A_1025 = vector.broadcast %eq3A_1024 : i32 to vector<16xi32>
      %eq3A_1026 = arith.cmpi eq, %iota3A, %eq3A_1025 : vector<16xi32>
      %broadcast_in_dim3A_1027 = vector.broadcast %reduce_sum3A_1023 : f32 to vector<16xf32>
      %select_n3A_1028 = arith.select %eq3A_1026, %broadcast_in_dim3A_1027, %select_n3A_947 : vector<16xi1>, vector<16xf32>
      %get3A_1029 = arith.constant 78 : i32
      %get3A_1030 = arith.index_cast %get3A_1029 : i32 to index
      %get3A_1031 = arith.constant 0 : index
      %get3A_1032 = tpu.vector_load %arg15[%get3A_1030, %get3A_1031] {strides = array<i32>} : memref<104x128xf32, #tpu.memory_space<vmem>>, vector<16xf32>,
      %get3A_1033 = arith.constant 78 : i32
      %get3A_1034 = arith.index_cast %get3A_1033 : i32 to index
      %get3A_1035 = arith.constant 16 : index
      %get3A_1036 = tpu.vector_load %arg15[%get3A_1034, %get3A_1035] {strides = array<i32>} : memref<104x128xf32, #tpu.memory_space<vmem>>, vector<16xf32>,
      %get3A_1037 = arith.constant 78 : i32
      %get3A_1038 = arith.index_cast %get3A_1037 : i32 to index
      %get3A_1039 = arith.constant 32 : index
      %get3A_1040 = tpu.vector_load %arg15[%get3A_1038, %get3A_1039] {strides = array<i32>} : memref<104x128xf32, #tpu.memory_space<vmem>>, vector<16xf32>,
      %get3A_1041 = arith.constant 78 : i32
      %get3A_1042 = arith.index_cast %get3A_1041 : i32 to index
      %get3A_1043 = arith.constant 48 : index
      %get3A_1044 = tpu.vector_load %arg15[%get3A_1042, %get3A_1043] {strides = array<i32>} : memref<104x128xf32, #tpu.memory_space<vmem>>, vector<16xf32>,
      %get3A_1045 = arith.constant 78 : i32
      %get3A_1046 = arith.index_cast %get3A_1045 : i32 to index
      %get3A_1047 = arith.constant 64 : index
      %get3A_1048 = tpu.vector_load %arg15[%get3A_1046, %get3A_1047] {strides = array<i32>} : memref<104x128xf32, #tpu.memory_space<vmem>>, vector<16xf32>,
      %get3A_1049 = arith.constant 78 : i32
      %get3A_1050 = arith.index_cast %get3A_1049 : i32 to index
      %get3A_1051 = arith.constant 80 : index
      %get3A_1052 = tpu.vector_load %arg15[%get3A_1050, %get3A_1051] {strides = array<i32>} : memref<104x128xf32, #tpu.memory_space<vmem>>, vector<16xf32>,
      %get3A_1053 = arith.constant 78 : i32
      %get3A_1054 = arith.index_cast %get3A_1053 : i32 to index
      %get3A_1055 = arith.constant 96 : index
      %get3A_1056 = tpu.vector_load %arg15[%get3A_1054, %get3A_1055] {strides = array<i32>} : memref<104x128xf32, #tpu.memory_space<vmem>>, vector<16xf32>,
      %get3A_1057 = arith.constant 78 : i32
      %get3A_1058 = arith.index_cast %get3A_1057 : i32 to index
      %get3A_1059 = arith.constant 112 : index
      %get3A_1060 = tpu.vector_load %arg15[%get3A_1058, %get3A_1059] {strides = array<i32>} : memref<104x128xf32, #tpu.memory_space<vmem>>, vector<16xf32>,
      %scan3A_1061 = arith.constant 1 : i32
      %scan3A_1062 = arith.constant 25 : i32
      %scan3A_1063 = arith.addi %scan3A_1061, %scan3A_1062 : i32
      %scan3A_1064 = arith.constant 1 : i32
      %scan3A_1065:8 = scf.for %scan3A_1491 = %scan3A_1061 to %scan3A_1063 step %scan3A_1064 iter_args(%scan3A_1492 = %get3A_1032, %scan3A_1493 = %get3A_1036, %scan3A_1494 = %get3A_1040, %scan3A_1495 = %get3A_1044, %scan3A_1496 = %get3A_1048, %scan3A_1497 = %get3A_1052, %scan3A_1498 = %get3A_1056, %scan3A_1499 = %get3A_1060) -> (vector<16xf32>, vector<16xf32>, vector<16xf32>, vector<16xf32>, vector<16xf32>, vector<16xf32>, vector<16xf32>, vector<16xf32>)  : i32 {
        %add3A_1500 = arith.constant 78 : i32
        %add3A_1501 = arith.addi %add3A_1500, %scan3A_1491 : i32
        %get3A_1502 = arith.index_cast %add3A_1501 : i32 to index
        %get3A_1503 = arith.constant 0 : index
        %get3A_1504 = tpu.vector_load %arg15[%get3A_1502, %get3A_1503] {strides = array<i32>} : memref<104x128xf32, #tpu.memory_space<vmem>>, vector<16xf32>,
        %add3A_1505 = arith.addf %scan3A_1492, %get3A_1504 : vector<16xf32>
        %add3A_1506 = arith.constant 78 : i32
        %add3A_1507 = arith.addi %add3A_1506, %scan3A_1491 : i32
        %get3A_1508 = arith.index_cast %add3A_1507 : i32 to index
        %get3A_1509 = arith.constant 16 : index
        %get3A_1510 = tpu.vector_load %arg15[%get3A_1508, %get3A_1509] {strides = array<i32>} : memref<104x128xf32, #tpu.memory_space<vmem>>, vector<16xf32>,
        %add3A_1511 = arith.addf %scan3A_1493, %get3A_1510 : vector<16xf32>
        %add3A_1512 = arith.constant 78 : i32
        %add3A_1513 = arith.addi %add3A_1512, %scan3A_1491 : i32
        %get3A_1514 = arith.index_cast %add3A_1513 : i32 to index
        %get3A_1515 = arith.constant 32 : index
        %get3A_1516 = tpu.vector_load %arg15[%get3A_1514, %get3A_1515] {strides = array<i32>} : memref<104x128xf32, #tpu.memory_space<vmem>>, vector<16xf32>,
        %add3A_1517 = arith.addf %scan3A_1494, %get3A_1516 : vector<16xf32>
        %add3A_1518 = arith.constant 78 : i32
        %add3A_1519 = arith.addi %add3A_1518, %scan3A_1491 : i32
        %get3A_1520 = arith.index_cast %add3A_1519 : i32 to index
        %get3A_1521 = arith.constant 48 : index
        %get3A_1522 = tpu.vector_load %arg15[%get3A_1520, %get3A_1521] {strides = array<i32>} : memref<104x128xf32, #tpu.memory_space<vmem>>, vector<16xf32>,
        %add3A_1523 = arith.addf %scan3A_1495, %get3A_1522 : vector<16xf32>
        %add3A_1524 = arith.constant 78 : i32
        %add3A_1525 = arith.addi %add3A_1524, %scan3A_1491 : i32
        %get3A_1526 = arith.index_cast %add3A_1525 : i32 to index
        %get3A_1527 = arith.constant 64 : index
        %get3A_1528 = tpu.vector_load %arg15[%get3A_1526, %get3A_1527] {strides = array<i32>} : memref<104x128xf32, #tpu.memory_space<vmem>>, vector<16xf32>,
        %add3A_1529 = arith.addf %scan3A_1496, %get3A_1528 : vector<16xf32>
        %add3A_1530 = arith.constant 78 : i32
        %add3A_1531 = arith.addi %add3A_1530, %scan3A_1491 : i32
        %get3A_1532 = arith.index_cast %add3A_1531 : i32 to index
        %get3A_1533 = arith.constant 80 : index
        %get3A_1534 = tpu.vector_load %arg15[%get3A_1532, %get3A_1533] {strides = array<i32>} : memref<104x128xf32, #tpu.memory_space<vmem>>, vector<16xf32>,
        %add3A_1535 = arith.addf %scan3A_1497, %get3A_1534 : vector<16xf32>
        %add3A_1536 = arith.constant 78 : i32
        %add3A_1537 = arith.addi %add3A_1536, %scan3A_1491 : i32
        %get3A_1538 = arith.index_cast %add3A_1537 : i32 to index
        %get3A_1539 = arith.constant 96 : index
        %get3A_1540 = tpu.vector_load %arg15[%get3A_1538, %get3A_1539] {strides = array<i32>} : memref<104x128xf32, #tpu.memory_space<vmem>>, vector<16xf32>,
        %add3A_1541 = arith.addf %scan3A_1498, %get3A_1540 : vector<16xf32>
        %add3A_1542 = arith.constant 78 : i32
        %add3A_1543 = arith.addi %add3A_1542, %scan3A_1491 : i32
        %get3A_1544 = arith.index_cast %add3A_1543 : i32 to index
        %get3A_1545 = arith.constant 112 : index
        %get3A_1546 = tpu.vector_load %arg15[%get3A_1544, %get3A_1545] {strides = array<i32>} : memref<104x128xf32, #tpu.memory_space<vmem>>, vector<16xf32>,
        %add3A_1547 = arith.addf %scan3A_1499, %get3A_1546 : vector<16xf32>
        scf.yield %add3A_1505, %add3A_1511, %add3A_1517, %add3A_1523, %add3A_1529, %add3A_1535, %add3A_1541, %add3A_1547 : vector<16xf32>, vector<16xf32>, vector<16xf32>, vector<16xf32>, vector<16xf32>, vector<16xf32>, vector<16xf32>, vector<16xf32>
      }
      %scan3A_1066 = arith.constant 25 : i32
      %mul3A_1067 = arith.mulf %scan3A_1065#0, %scan3A_1065#0 : vector<16xf32>
      %mul3A_1068 = arith.mulf %scan3A_1065#1, %scan3A_1065#1 : vector<16xf32>
      %add3A_1069 = arith.addf %mul3A_1067, %mul3A_1068 : vector<16xf32>
      %mul3A_1070 = arith.mulf %scan3A_1065#2, %scan3A_1065#2 : vector<16xf32>
      %add3A_1071 = arith.addf %add3A_1069, %mul3A_1070 : vector<16xf32>
      %mul3A_1072 = arith.mulf %scan3A_1065#3, %scan3A_1065#3 : vector<16xf32>
      %add3A_1073 = arith.addf %add3A_1071, %mul3A_1072 : vector<16xf32>
      %mul3A_1074 = arith.mulf %scan3A_1065#4, %scan3A_1065#4 : vector<16xf32>
      %add3A_1075 = arith.addf %add3A_1073, %mul3A_1074 : vector<16xf32>
      %mul3A_1076 = arith.mulf %scan3A_1065#5, %scan3A_1065#5 : vector<16xf32>
      %add3A_1077 = arith.addf %add3A_1075, %mul3A_1076 : vector<16xf32>
      %mul3A_1078 = arith.mulf %scan3A_1065#6, %scan3A_1065#6 : vector<16xf32>
      %add3A_1079 = arith.addf %add3A_1077, %mul3A_1078 : vector<16xf32>
      %mul3A_1080 = arith.mulf %scan3A_1065#7, %scan3A_1065#7 : vector<16xf32>
      %add3A_1081 = arith.addf %add3A_1079, %mul3A_1080 : vector<16xf32>
      %get3A_1082 = arith.index_cast %add3A_785 : i32 to index
      %get3A_1083 = arith.constant 78 : index
      %get3A_1084 = tpu.vector_load %arg10[%get3A_1082, %get3A_1083] {strides = array<i32>} : memref<128x104xi32, #tpu.memory_space<vmem>>, vector<16xi32>,
      %get3A_1085 = arith.index_cast %add3A_785 : i32 to index
      %get3A_1086 = arith.constant 88 : index
      %get3A_1087 = tpu.vector_load %arg10[%get3A_1085, %get3A_1086] {strides = array<i32>} : memref<128x104xi32, #tpu.memory_space<vmem>>, vector<16xi32>,
      %gather3A_1088 = tpu.vector_load_idx %arg12[%get3A_1084] : memref<2080xf32, #tpu.memory_space<vmem>>[vector<16xi32>], vector<16xf32>,
      %gather3A_1089 = tpu.vector_load_idx %arg12[%get3A_1087] : memref<2080xf32, #tpu.memory_space<vmem>>[vector<16xi32>], vector<16xf32>,
      %ge3A_1090 = arith.constant 6 : i32
      %ge3A_1091 = vector.broadcast %ge3A_1090 : i32 to vector<16xi32>
      %ge3A_1092 = arith.cmpi sge, %iota3A, %ge3A_1091 : vector<16xi32>
      %jit3A_1093 = arith.constant 0.000000e+00 : f32
      %broadcast_in_dim3A_1094 = vector.broadcast %jit3A_1093 : f32 to vector<16xf32>
      %select_n3A_1095 = arith.select %ge3A_1092, %gather3A_1089, %broadcast_in_dim3A_1094 : vector<16xi1>, vector<16xf32>
      %add3A_1096 = arith.addf %gather3A_1088, %select_n3A_1095 : vector<16xf32>
      %mul3A_1097 = arith.constant 5.000000e-01 : f32
      %mul3A_1098 = vector.broadcast %mul3A_1097 : f32 to vector<16xf32>
      %mul3A_1099 = arith.mulf %mul3A_1098, %add3A_1081 : vector<16xf32>
      %add3A_1100 = arith.addf %mul3A_1099, %add3A_1096 : vector<16xf32>
      %reduce_sum3A_1101 = arith.constant true
      %reduce_sum3A_1102 = vector.broadcast %reduce_sum3A_1101 : i1 to vector<16xi1>
      %reduce_sum3A_1103 = tpu.scan <sum>, %add3A_1100 masked %reduce_sum3A_1102 : vector<16xf32>, vector<16xi1> -> vector<16xf32>
      %reduce_sum3A_1104 = vector.extract %reduce_sum3A_1103[15] : f32 from vector<16xf32>
      %eq3A_1105 = arith.constant 11 : i32
      %eq3A_1106 = vector.broadcast %eq3A_1105 : i32 to vector<16xi32>
      %eq3A_1107 = arith.cmpi eq, %iota3A, %eq3A_1106 : vector<16xi32>
      %broadcast_in_dim3A_1108 = vector.broadcast %reduce_sum3A_1104 : f32 to vector<16xf32>
      %select_n3A_1109 = arith.select %eq3A_1107, %broadcast_in_dim3A_1108, %select_n3A_1028 : vector<16xi1>, vector<16xf32>
      %add3A_1110 = arith.constant 2 : i32
      %add3A_1111 = arith.addi %mul3A_89, %add3A_1110 : i32
      %add3A_1112 = arith.constant 4 : i32
      %add3A_1113 = arith.addi %add3A_1111, %add3A_1112 : i32
      %min3A_1114 = arith.constant 127 : i32
      %min3A_1115 = arith.minsi %add3A_1113, %min3A_1114 : i32
      %dma_start3A_1116 = arith.constant 0 : i32
      %dma_start3A_1117 = tpu.memref_slice %arg10[%min3A_1115, %dma_start3A_1116] : memref<128x104xi32, #tpu.memory_space<vmem>> -> memref<1x104xi32, #tpu.memory_space<vmem>>
      %dma_start3A_1118 = tpu.memref_squeeze %dma_start3A_1117 : memref<1x104xi32, #tpu.memory_space<vmem>> -> memref<104xi32, #tpu.memory_space<vmem>>
      %dma_start3A_1119 = arith.constant 0 : i32
      %dma_start3A_1120 = arith.constant 0 : i32
      %dma_start3A_1121 = tpu.memref_slice %arg11[%dma_start3A_1119, %dma_start3A_1120] : memref<2080x128xf32, #tpu.memory_space<vmem_shared>> -> memref<2080x128xf32, #tpu.memory_space<vmem_shared>>
      tpu.enqueue_indirect_dma source(%dma_start3A_1121 : memref<2080x128xf32, #tpu.memory_space<vmem_shared>>) target(%arg15 : memref<104x128xf32, #tpu.memory_space<vmem>>) offsets(%dma_start3A_1118 : memref<104xi32, #tpu.memory_space<vmem>>) semaphore(%arg24 : memref<!tpu.dma_semaphore, #tpu.memory_space<semaphore_mem>>)
      %add3A_1122 = arith.constant 3 : i32
      %add3A_1123 = arith.addi %mul3A_89, %add3A_1122 : i32
      %dma_wait3A_1124 = arith.constant 0 : i32
      %dma_wait3A_1125 = tpu.memref_slice %arg10[%add3A_1123, %dma_wait3A_1124] : memref<128x104xi32, #tpu.memory_space<vmem>> -> memref<1x104xi32, #tpu.memory_space<vmem>>
      %dma_wait3A_1126 = tpu.memref_squeeze %dma_wait3A_1125 : memref<1x104xi32, #tpu.memory_space<vmem>> -> memref<104xi32, #tpu.memory_space<vmem>>
      %dma_wait3A_1127 = arith.constant 0 : i32
      %dma_wait3A_1128 = arith.constant 0 : i32
      %dma_wait3A_1129 = tpu.memref_slice %arg11[%dma_wait3A_1127, %dma_wait3A_1128] : memref<2080x128xf32, #tpu.memory_space<vmem_shared>> -> memref<2080x128xf32, #tpu.memory_space<vmem_shared>>
      tpu.wait_indirect_dma semaphore(%arg25 : memref<!tpu.dma_semaphore, #tpu.memory_space<semaphore_mem>>) src(%dma_wait3A_1129 : memref<2080x128xf32, #tpu.memory_space<vmem_shared>>) dst(%arg16 : memref<104x128xf32, #tpu.memory_space<vmem>>)
      %add3A_1130 = arith.constant 3 : i32
      %add3A_1131 = arith.addi %mul3A_89, %add3A_1130 : i32
      %get3A_1132 = arith.constant 0 : i32
      %get3A_1133 = arith.index_cast %get3A_1132 : i32 to index
      %get3A_1134 = arith.constant 0 : index
      %get3A_1135 = tpu.vector_load %arg16[%get3A_1133, %get3A_1134] {strides = array<i32>} : memref<104x128xf32, #tpu.memory_space<vmem>>, vector<16xf32>,
      %get3A_1136 = arith.constant 0 : i32
      %get3A_1137 = arith.index_cast %get3A_1136 : i32 to index
      %get3A_1138 = arith.constant 16 : index
      %get3A_1139 = tpu.vector_load %arg16[%get3A_1137, %get3A_1138] {strides = array<i32>} : memref<104x128xf32, #tpu.memory_space<vmem>>, vector<16xf32>,
      %get3A_1140 = arith.constant 0 : i32
      %get3A_1141 = arith.index_cast %get3A_1140 : i32 to index
      %get3A_1142 = arith.constant 32 : index
      %get3A_1143 = tpu.vector_load %arg16[%get3A_1141, %get3A_1142] {strides = array<i32>} : memref<104x128xf32, #tpu.memory_space<vmem>>, vector<16xf32>,
      %get3A_1144 = arith.constant 0 : i32
      %get3A_1145 = arith.index_cast %get3A_1144 : i32 to index
      %get3A_1146 = arith.constant 48 : index
      %get3A_1147 = tpu.vector_load %arg16[%get3A_1145, %get3A_1146] {strides = array<i32>} : memref<104x128xf32, #tpu.memory_space<vmem>>, vector<16xf32>,
      %get3A_1148 = arith.constant 0 : i32
      %get3A_1149 = arith.index_cast %get3A_1148 : i32 to index
      %get3A_1150 = arith.constant 64 : index
      %get3A_1151 = tpu.vector_load %arg16[%get3A_1149, %get3A_1150] {strides = array<i32>} : memref<104x128xf32, #tpu.memory_space<vmem>>, vector<16xf32>,
      %get3A_1152 = arith.constant 0 : i32
      %get3A_1153 = arith.index_cast %get3A_1152 : i32 to index
      %get3A_1154 = arith.constant 80 : index
      %get3A_1155 = tpu.vector_load %arg16[%get3A_1153, %get3A_1154] {strides = array<i32>} : memref<104x128xf32, #tpu.memory_space<vmem>>, vector<16xf32>,
      %get3A_1156 = arith.constant 0 : i32
      %get3A_1157 = arith.index_cast %get3A_1156 : i32 to index
      %get3A_1158 = arith.constant 96 : index
      %get3A_1159 = tpu.vector_load %arg16[%get3A_1157, %get3A_1158] {strides = array<i32>} : memref<104x128xf32, #tpu.memory_space<vmem>>, vector<16xf32>,
      %get3A_1160 = arith.constant 0 : i32
      %get3A_1161 = arith.index_cast %get3A_1160 : i32 to index
      %get3A_1162 = arith.constant 112 : index
      %get3A_1163 = tpu.vector_load %arg16[%get3A_1161, %get3A_1162] {strides = array<i32>} : memref<104x128xf32, #tpu.memory_space<vmem>>, vector<16xf32>,
      %scan3A_1164 = arith.constant 1 : i32
      %scan3A_1165 = arith.constant 25 : i32
      %scan3A_1166 = arith.addi %scan3A_1164, %scan3A_1165 : i32
      %scan3A_1167 = arith.constant 1 : i32
      %scan3A_1168:8 = scf.for %scan3A_1491 = %scan3A_1164 to %scan3A_1166 step %scan3A_1167 iter_args(%scan3A_1492 = %get3A_1135, %scan3A_1493 = %get3A_1139, %scan3A_1494 = %get3A_1143, %scan3A_1495 = %get3A_1147, %scan3A_1496 = %get3A_1151, %scan3A_1497 = %get3A_1155, %scan3A_1498 = %get3A_1159, %scan3A_1499 = %get3A_1163) -> (vector<16xf32>, vector<16xf32>, vector<16xf32>, vector<16xf32>, vector<16xf32>, vector<16xf32>, vector<16xf32>, vector<16xf32>)  : i32 {
        %add3A_1500 = arith.constant 0 : i32
        %add3A_1501 = arith.addi %add3A_1500, %scan3A_1491 : i32
        %get3A_1502 = arith.index_cast %add3A_1501 : i32 to index
        %get3A_1503 = arith.constant 0 : index
        %get3A_1504 = tpu.vector_load %arg16[%get3A_1502, %get3A_1503] {strides = array<i32>} : memref<104x128xf32, #tpu.memory_space<vmem>>, vector<16xf32>,
        %add3A_1505 = arith.addf %scan3A_1492, %get3A_1504 : vector<16xf32>
        %add3A_1506 = arith.constant 0 : i32
        %add3A_1507 = arith.addi %add3A_1506, %scan3A_1491 : i32
        %get3A_1508 = arith.index_cast %add3A_1507 : i32 to index
        %get3A_1509 = arith.constant 16 : index
        %get3A_1510 = tpu.vector_load %arg16[%get3A_1508, %get3A_1509] {strides = array<i32>} : memref<104x128xf32, #tpu.memory_space<vmem>>, vector<16xf32>,
        %add3A_1511 = arith.addf %scan3A_1493, %get3A_1510 : vector<16xf32>
        %add3A_1512 = arith.constant 0 : i32
        %add3A_1513 = arith.addi %add3A_1512, %scan3A_1491 : i32
        %get3A_1514 = arith.index_cast %add3A_1513 : i32 to index
        %get3A_1515 = arith.constant 32 : index
        %get3A_1516 = tpu.vector_load %arg16[%get3A_1514, %get3A_1515] {strides = array<i32>} : memref<104x128xf32, #tpu.memory_space<vmem>>, vector<16xf32>,
        %add3A_1517 = arith.addf %scan3A_1494, %get3A_1516 : vector<16xf32>
        %add3A_1518 = arith.constant 0 : i32
        %add3A_1519 = arith.addi %add3A_1518, %scan3A_1491 : i32
        %get3A_1520 = arith.index_cast %add3A_1519 : i32 to index
        %get3A_1521 = arith.constant 48 : index
        %get3A_1522 = tpu.vector_load %arg16[%get3A_1520, %get3A_1521] {strides = array<i32>} : memref<104x128xf32, #tpu.memory_space<vmem>>, vector<16xf32>,
        %add3A_1523 = arith.addf %scan3A_1495, %get3A_1522 : vector<16xf32>
        %add3A_1524 = arith.constant 0 : i32
        %add3A_1525 = arith.addi %add3A_1524, %scan3A_1491 : i32
        %get3A_1526 = arith.index_cast %add3A_1525 : i32 to index
        %get3A_1527 = arith.constant 64 : index
        %get3A_1528 = tpu.vector_load %arg16[%get3A_1526, %get3A_1527] {strides = array<i32>} : memref<104x128xf32, #tpu.memory_space<vmem>>, vector<16xf32>,
        %add3A_1529 = arith.addf %scan3A_1496, %get3A_1528 : vector<16xf32>
        %add3A_1530 = arith.constant 0 : i32
        %add3A_1531 = arith.addi %add3A_1530, %scan3A_1491 : i32
        %get3A_1532 = arith.index_cast %add3A_1531 : i32 to index
        %get3A_1533 = arith.constant 80 : index
        %get3A_1534 = tpu.vector_load %arg16[%get3A_1532, %get3A_1533] {strides = array<i32>} : memref<104x128xf32, #tpu.memory_space<vmem>>, vector<16xf32>,
        %add3A_1535 = arith.addf %scan3A_1497, %get3A_1534 : vector<16xf32>
        %add3A_1536 = arith.constant 0 : i32
        %add3A_1537 = arith.addi %add3A_1536, %scan3A_1491 : i32
        %get3A_1538 = arith.index_cast %add3A_1537 : i32 to index
        %get3A_1539 = arith.constant 96 : index
        %get3A_1540 = tpu.vector_load %arg16[%get3A_1538, %get3A_1539] {strides = array<i32>} : memref<104x128xf32, #tpu.memory_space<vmem>>, vector<16xf32>,
        %add3A_1541 = arith.addf %scan3A_1498, %get3A_1540 : vector<16xf32>
        %add3A_1542 = arith.constant 0 : i32
        %add3A_1543 = arith.addi %add3A_1542, %scan3A_1491 : i32
        %get3A_1544 = arith.index_cast %add3A_1543 : i32 to index
        %get3A_1545 = arith.constant 112 : index
        %get3A_1546 = tpu.vector_load %arg16[%get3A_1544, %get3A_1545] {strides = array<i32>} : memref<104x128xf32, #tpu.memory_space<vmem>>, vector<16xf32>,
        %add3A_1547 = arith.addf %scan3A_1499, %get3A_1546 : vector<16xf32>
        scf.yield %add3A_1505, %add3A_1511, %add3A_1517, %add3A_1523, %add3A_1529, %add3A_1535, %add3A_1541, %add3A_1547 : vector<16xf32>, vector<16xf32>, vector<16xf32>, vector<16xf32>, vector<16xf32>, vector<16xf32>, vector<16xf32>, vector<16xf32>
      }
      %scan3A_1169 = arith.constant 25 : i32
      %mul3A_1170 = arith.mulf %scan3A_1168#0, %scan3A_1168#0 : vector<16xf32>
      %mul3A_1171 = arith.mulf %scan3A_1168#1, %scan3A_1168#1 : vector<16xf32>
      %add3A_1172 = arith.addf %mul3A_1170, %mul3A_1171 : vector<16xf32>
      %mul3A_1173 = arith.mulf %scan3A_1168#2, %scan3A_1168#2 : vector<16xf32>
      %add3A_1174 = arith.addf %add3A_1172, %mul3A_1173 : vector<16xf32>
      %mul3A_1175 = arith.mulf %scan3A_1168#3, %scan3A_1168#3 : vector<16xf32>
      %add3A_1176 = arith.addf %add3A_1174, %mul3A_1175 : vector<16xf32>
      %mul3A_1177 = arith.mulf %scan3A_1168#4, %scan3A_1168#4 : vector<16xf32>
      %add3A_1178 = arith.addf %add3A_1176, %mul3A_1177 : vector<16xf32>
      %mul3A_1179 = arith.mulf %scan3A_1168#5, %scan3A_1168#5 : vector<16xf32>
      %add3A_1180 = arith.addf %add3A_1178, %mul3A_1179 : vector<16xf32>
      %mul3A_1181 = arith.mulf %scan3A_1168#6, %scan3A_1168#6 : vector<16xf32>
      %add3A_1182 = arith.addf %add3A_1180, %mul3A_1181 : vector<16xf32>
      %mul3A_1183 = arith.mulf %scan3A_1168#7, %scan3A_1168#7 : vector<16xf32>
      %add3A_1184 = arith.addf %add3A_1182, %mul3A_1183 : vector<16xf32>
      %get3A_1185 = arith.index_cast %add3A_1131 : i32 to index
      %get3A_1186 = arith.constant 0 : index
      %get3A_1187 = tpu.vector_load %arg10[%get3A_1185, %get3A_1186] {strides = array<i32>} : memref<128x104xi32, #tpu.memory_space<vmem>>, vector<16xi32>,
      %get3A_1188 = arith.index_cast %add3A_1131 : i32 to index
      %get3A_1189 = arith.constant 10 : index
      %get3A_1190 = tpu.vector_load %arg10[%get3A_1188, %get3A_1189] {strides = array<i32>} : memref<128x104xi32, #tpu.memory_space<vmem>>, vector<16xi32>,
      %gather3A_1191 = tpu.vector_load_idx %arg12[%get3A_1187] : memref<2080xf32, #tpu.memory_space<vmem>>[vector<16xi32>], vector<16xf32>,
      %gather3A_1192 = tpu.vector_load_idx %arg12[%get3A_1190] : memref<2080xf32, #tpu.memory_space<vmem>>[vector<16xi32>], vector<16xf32>,
      %ge3A_1193 = arith.constant 6 : i32
      %ge3A_1194 = vector.broadcast %ge3A_1193 : i32 to vector<16xi32>
      %ge3A_1195 = arith.cmpi sge, %iota3A, %ge3A_1194 : vector<16xi32>
      %jit3A_1196 = arith.constant 0.000000e+00 : f32
      %broadcast_in_dim3A_1197 = vector.broadcast %jit3A_1196 : f32 to vector<16xf32>
      %select_n3A_1198 = arith.select %ge3A_1195, %gather3A_1192, %broadcast_in_dim3A_1197 : vector<16xi1>, vector<16xf32>
      %add3A_1199 = arith.addf %gather3A_1191, %select_n3A_1198 : vector<16xf32>
      %mul3A_1200 = arith.constant 5.000000e-01 : f32
      %mul3A_1201 = vector.broadcast %mul3A_1200 : f32 to vector<16xf32>
      %mul3A_1202 = arith.mulf %mul3A_1201, %add3A_1184 : vector<16xf32>
      %add3A_1203 = arith.addf %mul3A_1202, %add3A_1199 : vector<16xf32>
      %reduce_sum3A_1204 = arith.constant true
      %reduce_sum3A_1205 = vector.broadcast %reduce_sum3A_1204 : i1 to vector<16xi1>
      %reduce_sum3A_1206 = tpu.scan <sum>, %add3A_1203 masked %reduce_sum3A_1205 : vector<16xf32>, vector<16xi1> -> vector<16xf32>
      %reduce_sum3A_1207 = vector.extract %reduce_sum3A_1206[15] : f32 from vector<16xf32>
      %eq3A_1208 = arith.constant 12 : i32
      %eq3A_1209 = vector.broadcast %eq3A_1208 : i32 to vector<16xi32>
      %eq3A_1210 = arith.cmpi eq, %iota3A, %eq3A_1209 : vector<16xi32>
      %broadcast_in_dim3A_1211 = vector.broadcast %reduce_sum3A_1207 : f32 to vector<16xf32>
      %select_n3A_1212 = arith.select %eq3A_1210, %broadcast_in_dim3A_1211, %select_n3A_1109 : vector<16xi1>, vector<16xf32>
      %get3A_1213 = arith.constant 26 : i32
      %get3A_1214 = arith.index_cast %get3A_1213 : i32 to index
      %get3A_1215 = arith.constant 0 : index
      %get3A_1216 = tpu.vector_load %arg16[%get3A_1214, %get3A_1215] {strides = array<i32>} : memref<104x128xf32, #tpu.memory_space<vmem>>, vector<16xf32>,
      %get3A_1217 = arith.constant 26 : i32
      %get3A_1218 = arith.index_cast %get3A_1217 : i32 to index
      %get3A_1219 = arith.constant 16 : index
      %get3A_1220 = tpu.vector_load %arg16[%get3A_1218, %get3A_1219] {strides = array<i32>} : memref<104x128xf32, #tpu.memory_space<vmem>>, vector<16xf32>,
      %get3A_1221 = arith.constant 26 : i32
      %get3A_1222 = arith.index_cast %get3A_1221 : i32 to index
      %get3A_1223 = arith.constant 32 : index
      %get3A_1224 = tpu.vector_load %arg16[%get3A_1222, %get3A_1223] {strides = array<i32>} : memref<104x128xf32, #tpu.memory_space<vmem>>, vector<16xf32>,
      %get3A_1225 = arith.constant 26 : i32
      %get3A_1226 = arith.index_cast %get3A_1225 : i32 to index
      %get3A_1227 = arith.constant 48 : index
      %get3A_1228 = tpu.vector_load %arg16[%get3A_1226, %get3A_1227] {strides = array<i32>} : memref<104x128xf32, #tpu.memory_space<vmem>>, vector<16xf32>,
      %get3A_1229 = arith.constant 26 : i32
      %get3A_1230 = arith.index_cast %get3A_1229 : i32 to index
      %get3A_1231 = arith.constant 64 : index
      %get3A_1232 = tpu.vector_load %arg16[%get3A_1230, %get3A_1231] {strides = array<i32>} : memref<104x128xf32, #tpu.memory_space<vmem>>, vector<16xf32>,
      %get3A_1233 = arith.constant 26 : i32
      %get3A_1234 = arith.index_cast %get3A_1233 : i32 to index
      %get3A_1235 = arith.constant 80 : index
      %get3A_1236 = tpu.vector_load %arg16[%get3A_1234, %get3A_1235] {strides = array<i32>} : memref<104x128xf32, #tpu.memory_space<vmem>>, vector<16xf32>,
      %get3A_1237 = arith.constant 26 : i32
      %get3A_1238 = arith.index_cast %get3A_1237 : i32 to index
      %get3A_1239 = arith.constant 96 : index
      %get3A_1240 = tpu.vector_load %arg16[%get3A_1238, %get3A_1239] {strides = array<i32>} : memref<104x128xf32, #tpu.memory_space<vmem>>, vector<16xf32>,
      %get3A_1241 = arith.constant 26 : i32
      %get3A_1242 = arith.index_cast %get3A_1241 : i32 to index
      %get3A_1243 = arith.constant 112 : index
      %get3A_1244 = tpu.vector_load %arg16[%get3A_1242, %get3A_1243] {strides = array<i32>} : memref<104x128xf32, #tpu.memory_space<vmem>>, vector<16xf32>,
      %scan3A_1245 = arith.constant 1 : i32
      %scan3A_1246 = arith.constant 25 : i32
      %scan3A_1247 = arith.addi %scan3A_1245, %scan3A_1246 : i32
      %scan3A_1248 = arith.constant 1 : i32
      %scan3A_1249:8 = scf.for %scan3A_1491 = %scan3A_1245 to %scan3A_1247 step %scan3A_1248 iter_args(%scan3A_1492 = %get3A_1216, %scan3A_1493 = %get3A_1220, %scan3A_1494 = %get3A_1224, %scan3A_1495 = %get3A_1228, %scan3A_1496 = %get3A_1232, %scan3A_1497 = %get3A_1236, %scan3A_1498 = %get3A_1240, %scan3A_1499 = %get3A_1244) -> (vector<16xf32>, vector<16xf32>, vector<16xf32>, vector<16xf32>, vector<16xf32>, vector<16xf32>, vector<16xf32>, vector<16xf32>)  : i32 {
        %add3A_1500 = arith.constant 26 : i32
        %add3A_1501 = arith.addi %add3A_1500, %scan3A_1491 : i32
        %get3A_1502 = arith.index_cast %add3A_1501 : i32 to index
        %get3A_1503 = arith.constant 0 : index
        %get3A_1504 = tpu.vector_load %arg16[%get3A_1502, %get3A_1503] {strides = array<i32>} : memref<104x128xf32, #tpu.memory_space<vmem>>, vector<16xf32>,
        %add3A_1505 = arith.addf %scan3A_1492, %get3A_1504 : vector<16xf32>
        %add3A_1506 = arith.constant 26 : i32
        %add3A_1507 = arith.addi %add3A_1506, %scan3A_1491 : i32
        %get3A_1508 = arith.index_cast %add3A_1507 : i32 to index
        %get3A_1509 = arith.constant 16 : index
        %get3A_1510 = tpu.vector_load %arg16[%get3A_1508, %get3A_1509] {strides = array<i32>} : memref<104x128xf32, #tpu.memory_space<vmem>>, vector<16xf32>,
        %add3A_1511 = arith.addf %scan3A_1493, %get3A_1510 : vector<16xf32>
        %add3A_1512 = arith.constant 26 : i32
        %add3A_1513 = arith.addi %add3A_1512, %scan3A_1491 : i32
        %get3A_1514 = arith.index_cast %add3A_1513 : i32 to index
        %get3A_1515 = arith.constant 32 : index
        %get3A_1516 = tpu.vector_load %arg16[%get3A_1514, %get3A_1515] {strides = array<i32>} : memref<104x128xf32, #tpu.memory_space<vmem>>, vector<16xf32>,
        %add3A_1517 = arith.addf %scan3A_1494, %get3A_1516 : vector<16xf32>
        %add3A_1518 = arith.constant 26 : i32
        %add3A_1519 = arith.addi %add3A_1518, %scan3A_1491 : i32
        %get3A_1520 = arith.index_cast %add3A_1519 : i32 to index
        %get3A_1521 = arith.constant 48 : index
        %get3A_1522 = tpu.vector_load %arg16[%get3A_1520, %get3A_1521] {strides = array<i32>} : memref<104x128xf32, #tpu.memory_space<vmem>>, vector<16xf32>,
        %add3A_1523 = arith.addf %scan3A_1495, %get3A_1522 : vector<16xf32>
        %add3A_1524 = arith.constant 26 : i32
        %add3A_1525 = arith.addi %add3A_1524, %scan3A_1491 : i32
        %get3A_1526 = arith.index_cast %add3A_1525 : i32 to index
        %get3A_1527 = arith.constant 64 : index
        %get3A_1528 = tpu.vector_load %arg16[%get3A_1526, %get3A_1527] {strides = array<i32>} : memref<104x128xf32, #tpu.memory_space<vmem>>, vector<16xf32>,
        %add3A_1529 = arith.addf %scan3A_1496, %get3A_1528 : vector<16xf32>
        %add3A_1530 = arith.constant 26 : i32
        %add3A_1531 = arith.addi %add3A_1530, %scan3A_1491 : i32
        %get3A_1532 = arith.index_cast %add3A_1531 : i32 to index
        %get3A_1533 = arith.constant 80 : index
        %get3A_1534 = tpu.vector_load %arg16[%get3A_1532, %get3A_1533] {strides = array<i32>} : memref<104x128xf32, #tpu.memory_space<vmem>>, vector<16xf32>,
        %add3A_1535 = arith.addf %scan3A_1497, %get3A_1534 : vector<16xf32>
        %add3A_1536 = arith.constant 26 : i32
        %add3A_1537 = arith.addi %add3A_1536, %scan3A_1491 : i32
        %get3A_1538 = arith.index_cast %add3A_1537 : i32 to index
        %get3A_1539 = arith.constant 96 : index
        %get3A_1540 = tpu.vector_load %arg16[%get3A_1538, %get3A_1539] {strides = array<i32>} : memref<104x128xf32, #tpu.memory_space<vmem>>, vector<16xf32>,
        %add3A_1541 = arith.addf %scan3A_1498, %get3A_1540 : vector<16xf32>
        %add3A_1542 = arith.constant 26 : i32
        %add3A_1543 = arith.addi %add3A_1542, %scan3A_1491 : i32
        %get3A_1544 = arith.index_cast %add3A_1543 : i32 to index
        %get3A_1545 = arith.constant 112 : index
        %get3A_1546 = tpu.vector_load %arg16[%get3A_1544, %get3A_1545] {strides = array<i32>} : memref<104x128xf32, #tpu.memory_space<vmem>>, vector<16xf32>,
        %add3A_1547 = arith.addf %scan3A_1499, %get3A_1546 : vector<16xf32>
        scf.yield %add3A_1505, %add3A_1511, %add3A_1517, %add3A_1523, %add3A_1529, %add3A_1535, %add3A_1541, %add3A_1547 : vector<16xf32>, vector<16xf32>, vector<16xf32>, vector<16xf32>, vector<16xf32>, vector<16xf32>, vector<16xf32>, vector<16xf32>
      }
      %scan3A_1250 = arith.constant 25 : i32
      %mul3A_1251 = arith.mulf %scan3A_1249#0, %scan3A_1249#0 : vector<16xf32>
      %mul3A_1252 = arith.mulf %scan3A_1249#1, %scan3A_1249#1 : vector<16xf32>
      %add3A_1253 = arith.addf %mul3A_1251, %mul3A_1252 : vector<16xf32>
      %mul3A_1254 = arith.mulf %scan3A_1249#2, %scan3A_1249#2 : vector<16xf32>
      %add3A_1255 = arith.addf %add3A_1253, %mul3A_1254 : vector<16xf32>
      %mul3A_1256 = arith.mulf %scan3A_1249#3, %scan3A_1249#3 : vector<16xf32>
      %add3A_1257 = arith.addf %add3A_1255, %mul3A_1256 : vector<16xf32>
      %mul3A_1258 = arith.mulf %scan3A_1249#4, %scan3A_1249#4 : vector<16xf32>
      %add3A_1259 = arith.addf %add3A_1257, %mul3A_1258 : vector<16xf32>
      %mul3A_1260 = arith.mulf %scan3A_1249#5, %scan3A_1249#5 : vector<16xf32>
      %add3A_1261 = arith.addf %add3A_1259, %mul3A_1260 : vector<16xf32>
      %mul3A_1262 = arith.mulf %scan3A_1249#6, %scan3A_1249#6 : vector<16xf32>
      %add3A_1263 = arith.addf %add3A_1261, %mul3A_1262 : vector<16xf32>
      %mul3A_1264 = arith.mulf %scan3A_1249#7, %scan3A_1249#7 : vector<16xf32>
      %add3A_1265 = arith.addf %add3A_1263, %mul3A_1264 : vector<16xf32>
      %get3A_1266 = arith.index_cast %add3A_1131 : i32 to index
      %get3A_1267 = arith.constant 26 : index
      %get3A_1268 = tpu.vector_load %arg10[%get3A_1266, %get3A_1267] {strides = array<i32>} : memref<128x104xi32, #tpu.memory_space<vmem>>, vector<16xi32>,
      %get3A_1269 = arith.index_cast %add3A_1131 : i32 to index
      %get3A_1270 = arith.constant 36 : index
      %get3A_1271 = tpu.vector_load %arg10[%get3A_1269, %get3A_1270] {strides = array<i32>} : memref<128x104xi32, #tpu.memory_space<vmem>>, vector<16xi32>,
      %gather3A_1272 = tpu.vector_load_idx %arg12[%get3A_1268] : memref<2080xf32, #tpu.memory_space<vmem>>[vector<16xi32>], vector<16xf32>,
      %gather3A_1273 = tpu.vector_load_idx %arg12[%get3A_1271] : memref<2080xf32, #tpu.memory_space<vmem>>[vector<16xi32>], vector<16xf32>,
      %ge3A_1274 = arith.constant 6 : i32
      %ge3A_1275 = vector.broadcast %ge3A_1274 : i32 to vector<16xi32>
      %ge3A_1276 = arith.cmpi sge, %iota3A, %ge3A_1275 : vector<16xi32>
      %jit3A_1277 = arith.constant 0.000000e+00 : f32
      %broadcast_in_dim3A_1278 = vector.broadcast %jit3A_1277 : f32 to vector<16xf32>
      %select_n3A_1279 = arith.select %ge3A_1276, %gather3A_1273, %broadcast_in_dim3A_1278 : vector<16xi1>, vector<16xf32>
      %add3A_1280 = arith.addf %gather3A_1272, %select_n3A_1279 : vector<16xf32>
      %mul3A_1281 = arith.constant 5.000000e-01 : f32
      %mul3A_1282 = vector.broadcast %mul3A_1281 : f32 to vector<16xf32>
      %mul3A_1283 = arith.mulf %mul3A_1282, %add3A_1265 : vector<16xf32>
      %add3A_1284 = arith.addf %mul3A_1283, %add3A_1280 : vector<16xf32>
      %reduce_sum3A_1285 = arith.constant true
      %reduce_sum3A_1286 = vector.broadcast %reduce_sum3A_1285 : i1 to vector<16xi1>
      %reduce_sum3A_1287 = tpu.scan <sum>, %add3A_1284 masked %reduce_sum3A_1286 : vector<16xf32>, vector<16xi1> -> vector<16xf32>
      %reduce_sum3A_1288 = vector.extract %reduce_sum3A_1287[15] : f32 from vector<16xf32>
      %eq3A_1289 = arith.constant 13 : i32
      %eq3A_1290 = vector.broadcast %eq3A_1289 : i32 to vector<16xi32>
      %eq3A_1291 = arith.cmpi eq, %iota3A, %eq3A_1290 : vector<16xi32>
      %broadcast_in_dim3A_1292 = vector.broadcast %reduce_sum3A_1288 : f32 to vector<16xf32>
      %select_n3A_1293 = arith.select %eq3A_1291, %broadcast_in_dim3A_1292, %select_n3A_1212 : vector<16xi1>, vector<16xf32>
      %get3A_1294 = arith.constant 52 : i32
      %get3A_1295 = arith.index_cast %get3A_1294 : i32 to index
      %get3A_1296 = arith.constant 0 : index
      %get3A_1297 = tpu.vector_load %arg16[%get3A_1295, %get3A_1296] {strides = array<i32>} : memref<104x128xf32, #tpu.memory_space<vmem>>, vector<16xf32>,
      %get3A_1298 = arith.constant 52 : i32
      %get3A_1299 = arith.index_cast %get3A_1298 : i32 to index
      %get3A_1300 = arith.constant 16 : index
      %get3A_1301 = tpu.vector_load %arg16[%get3A_1299, %get3A_1300] {strides = array<i32>} : memref<104x128xf32, #tpu.memory_space<vmem>>, vector<16xf32>,
      %get3A_1302 = arith.constant 52 : i32
      %get3A_1303 = arith.index_cast %get3A_1302 : i32 to index
      %get3A_1304 = arith.constant 32 : index
      %get3A_1305 = tpu.vector_load %arg16[%get3A_1303, %get3A_1304] {strides = array<i32>} : memref<104x128xf32, #tpu.memory_space<vmem>>, vector<16xf32>,
      %get3A_1306 = arith.constant 52 : i32
      %get3A_1307 = arith.index_cast %get3A_1306 : i32 to index
      %get3A_1308 = arith.constant 48 : index
      %get3A_1309 = tpu.vector_load %arg16[%get3A_1307, %get3A_1308] {strides = array<i32>} : memref<104x128xf32, #tpu.memory_space<vmem>>, vector<16xf32>,
      %get3A_1310 = arith.constant 52 : i32
      %get3A_1311 = arith.index_cast %get3A_1310 : i32 to index
      %get3A_1312 = arith.constant 64 : index
      %get3A_1313 = tpu.vector_load %arg16[%get3A_1311, %get3A_1312] {strides = array<i32>} : memref<104x128xf32, #tpu.memory_space<vmem>>, vector<16xf32>,
      %get3A_1314 = arith.constant 52 : i32
      %get3A_1315 = arith.index_cast %get3A_1314 : i32 to index
      %get3A_1316 = arith.constant 80 : index
      %get3A_1317 = tpu.vector_load %arg16[%get3A_1315, %get3A_1316] {strides = array<i32>} : memref<104x128xf32, #tpu.memory_space<vmem>>, vector<16xf32>,
      %get3A_1318 = arith.constant 52 : i32
      %get3A_1319 = arith.index_cast %get3A_1318 : i32 to index
      %get3A_1320 = arith.constant 96 : index
      %get3A_1321 = tpu.vector_load %arg16[%get3A_1319, %get3A_1320] {strides = array<i32>} : memref<104x128xf32, #tpu.memory_space<vmem>>, vector<16xf32>,
      %get3A_1322 = arith.constant 52 : i32
      %get3A_1323 = arith.index_cast %get3A_1322 : i32 to index
      %get3A_1324 = arith.constant 112 : index
      %get3A_1325 = tpu.vector_load %arg16[%get3A_1323, %get3A_1324] {strides = array<i32>} : memref<104x128xf32, #tpu.memory_space<vmem>>, vector<16xf32>,
      %scan3A_1326 = arith.constant 1 : i32
      %scan3A_1327 = arith.constant 25 : i32
      %scan3A_1328 = arith.addi %scan3A_1326, %scan3A_1327 : i32
      %scan3A_1329 = arith.constant 1 : i32
      %scan3A_1330:8 = scf.for %scan3A_1491 = %scan3A_1326 to %scan3A_1328 step %scan3A_1329 iter_args(%scan3A_1492 = %get3A_1297, %scan3A_1493 = %get3A_1301, %scan3A_1494 = %get3A_1305, %scan3A_1495 = %get3A_1309, %scan3A_1496 = %get3A_1313, %scan3A_1497 = %get3A_1317, %scan3A_1498 = %get3A_1321, %scan3A_1499 = %get3A_1325) -> (vector<16xf32>, vector<16xf32>, vector<16xf32>, vector<16xf32>, vector<16xf32>, vector<16xf32>, vector<16xf32>, vector<16xf32>)  : i32 {
        %add3A_1500 = arith.constant 52 : i32
        %add3A_1501 = arith.addi %add3A_1500, %scan3A_1491 : i32
        %get3A_1502 = arith.index_cast %add3A_1501 : i32 to index
        %get3A_1503 = arith.constant 0 : index
        %get3A_1504 = tpu.vector_load %arg16[%get3A_1502, %get3A_1503] {strides = array<i32>} : memref<104x128xf32, #tpu.memory_space<vmem>>, vector<16xf32>,
        %add3A_1505 = arith.addf %scan3A_1492, %get3A_1504 : vector<16xf32>
        %add3A_1506 = arith.constant 52 : i32
        %add3A_1507 = arith.addi %add3A_1506, %scan3A_1491 : i32
        %get3A_1508 = arith.index_cast %add3A_1507 : i32 to index
        %get3A_1509 = arith.constant 16 : index
        %get3A_1510 = tpu.vector_load %arg16[%get3A_1508, %get3A_1509] {strides = array<i32>} : memref<104x128xf32, #tpu.memory_space<vmem>>, vector<16xf32>,
        %add3A_1511 = arith.addf %scan3A_1493, %get3A_1510 : vector<16xf32>
        %add3A_1512 = arith.constant 52 : i32
        %add3A_1513 = arith.addi %add3A_1512, %scan3A_1491 : i32
        %get3A_1514 = arith.index_cast %add3A_1513 : i32 to index
        %get3A_1515 = arith.constant 32 : index
        %get3A_1516 = tpu.vector_load %arg16[%get3A_1514, %get3A_1515] {strides = array<i32>} : memref<104x128xf32, #tpu.memory_space<vmem>>, vector<16xf32>,
        %add3A_1517 = arith.addf %scan3A_1494, %get3A_1516 : vector<16xf32>
        %add3A_1518 = arith.constant 52 : i32
        %add3A_1519 = arith.addi %add3A_1518, %scan3A_1491 : i32
        %get3A_1520 = arith.index_cast %add3A_1519 : i32 to index
        %get3A_1521 = arith.constant 48 : index
        %get3A_1522 = tpu.vector_load %arg16[%get3A_1520, %get3A_1521] {strides = array<i32>} : memref<104x128xf32, #tpu.memory_space<vmem>>, vector<16xf32>,
        %add3A_1523 = arith.addf %scan3A_1495, %get3A_1522 : vector<16xf32>
        %add3A_1524 = arith.constant 52 : i32
        %add3A_1525 = arith.addi %add3A_1524, %scan3A_1491 : i32
        %get3A_1526 = arith.index_cast %add3A_1525 : i32 to index
        %get3A_1527 = arith.constant 64 : index
        %get3A_1528 = tpu.vector_load %arg16[%get3A_1526, %get3A_1527] {strides = array<i32>} : memref<104x128xf32, #tpu.memory_space<vmem>>, vector<16xf32>,
        %add3A_1529 = arith.addf %scan3A_1496, %get3A_1528 : vector<16xf32>
        %add3A_1530 = arith.constant 52 : i32
        %add3A_1531 = arith.addi %add3A_1530, %scan3A_1491 : i32
        %get3A_1532 = arith.index_cast %add3A_1531 : i32 to index
        %get3A_1533 = arith.constant 80 : index
        %get3A_1534 = tpu.vector_load %arg16[%get3A_1532, %get3A_1533] {strides = array<i32>} : memref<104x128xf32, #tpu.memory_space<vmem>>, vector<16xf32>,
        %add3A_1535 = arith.addf %scan3A_1497, %get3A_1534 : vector<16xf32>
        %add3A_1536 = arith.constant 52 : i32
        %add3A_1537 = arith.addi %add3A_1536, %scan3A_1491 : i32
        %get3A_1538 = arith.index_cast %add3A_1537 : i32 to index
        %get3A_1539 = arith.constant 96 : index
        %get3A_1540 = tpu.vector_load %arg16[%get3A_1538, %get3A_1539] {strides = array<i32>} : memref<104x128xf32, #tpu.memory_space<vmem>>, vector<16xf32>,
        %add3A_1541 = arith.addf %scan3A_1498, %get3A_1540 : vector<16xf32>
        %add3A_1542 = arith.constant 52 : i32
        %add3A_1543 = arith.addi %add3A_1542, %scan3A_1491 : i32
        %get3A_1544 = arith.index_cast %add3A_1543 : i32 to index
        %get3A_1545 = arith.constant 112 : index
        %get3A_1546 = tpu.vector_load %arg16[%get3A_1544, %get3A_1545] {strides = array<i32>} : memref<104x128xf32, #tpu.memory_space<vmem>>, vector<16xf32>,
        %add3A_1547 = arith.addf %scan3A_1499, %get3A_1546 : vector<16xf32>
        scf.yield %add3A_1505, %add3A_1511, %add3A_1517, %add3A_1523, %add3A_1529, %add3A_1535, %add3A_1541, %add3A_1547 : vector<16xf32>, vector<16xf32>, vector<16xf32>, vector<16xf32>, vector<16xf32>, vector<16xf32>, vector<16xf32>, vector<16xf32>
      }
      %scan3A_1331 = arith.constant 25 : i32
      %mul3A_1332 = arith.mulf %scan3A_1330#0, %scan3A_1330#0 : vector<16xf32>
      %mul3A_1333 = arith.mulf %scan3A_1330#1, %scan3A_1330#1 : vector<16xf32>
      %add3A_1334 = arith.addf %mul3A_1332, %mul3A_1333 : vector<16xf32>
      %mul3A_1335 = arith.mulf %scan3A_1330#2, %scan3A_1330#2 : vector<16xf32>
      %add3A_1336 = arith.addf %add3A_1334, %mul3A_1335 : vector<16xf32>
      %mul3A_1337 = arith.mulf %scan3A_1330#3, %scan3A_1330#3 : vector<16xf32>
      %add3A_1338 = arith.addf %add3A_1336, %mul3A_1337 : vector<16xf32>
      %mul3A_1339 = arith.mulf %scan3A_1330#4, %scan3A_1330#4 : vector<16xf32>
      %add3A_1340 = arith.addf %add3A_1338, %mul3A_1339 : vector<16xf32>
      %mul3A_1341 = arith.mulf %scan3A_1330#5, %scan3A_1330#5 : vector<16xf32>
      %add3A_1342 = arith.addf %add3A_1340, %mul3A_1341 : vector<16xf32>
      %mul3A_1343 = arith.mulf %scan3A_1330#6, %scan3A_1330#6 : vector<16xf32>
      %add3A_1344 = arith.addf %add3A_1342, %mul3A_1343 : vector<16xf32>
      %mul3A_1345 = arith.mulf %scan3A_1330#7, %scan3A_1330#7 : vector<16xf32>
      %add3A_1346 = arith.addf %add3A_1344, %mul3A_1345 : vector<16xf32>
      %get3A_1347 = arith.index_cast %add3A_1131 : i32 to index
      %get3A_1348 = arith.constant 52 : index
      %get3A_1349 = tpu.vector_load %arg10[%get3A_1347, %get3A_1348] {strides = array<i32>} : memref<128x104xi32, #tpu.memory_space<vmem>>, vector<16xi32>,
      %get3A_1350 = arith.index_cast %add3A_1131 : i32 to index
      %get3A_1351 = arith.constant 62 : index
      %get3A_1352 = tpu.vector_load %arg10[%get3A_1350, %get3A_1351] {strides = array<i32>} : memref<128x104xi32, #tpu.memory_space<vmem>>, vector<16xi32>,
      %gather3A_1353 = tpu.vector_load_idx %arg12[%get3A_1349] : memref<2080xf32, #tpu.memory_space<vmem>>[vector<16xi32>], vector<16xf32>,
      %gather3A_1354 = tpu.vector_load_idx %arg12[%get3A_1352] : memref<2080xf32, #tpu.memory_space<vmem>>[vector<16xi32>], vector<16xf32>,
      %ge3A_1355 = arith.constant 6 : i32
      %ge3A_1356 = vector.broadcast %ge3A_1355 : i32 to vector<16xi32>
      %ge3A_1357 = arith.cmpi sge, %iota3A, %ge3A_1356 : vector<16xi32>
      %jit3A_1358 = arith.constant 0.000000e+00 : f32
      %broadcast_in_dim3A_1359 = vector.broadcast %jit3A_1358 : f32 to vector<16xf32>
      %select_n3A_1360 = arith.select %ge3A_1357, %gather3A_1354, %broadcast_in_dim3A_1359 : vector<16xi1>, vector<16xf32>
      %add3A_1361 = arith.addf %gather3A_1353, %select_n3A_1360 : vector<16xf32>
      %mul3A_1362 = arith.constant 5.000000e-01 : f32
      %mul3A_1363 = vector.broadcast %mul3A_1362 : f32 to vector<16xf32>
      %mul3A_1364 = arith.mulf %mul3A_1363, %add3A_1346 : vector<16xf32>
      %add3A_1365 = arith.addf %mul3A_1364, %add3A_1361 : vector<16xf32>
      %reduce_sum3A_1366 = arith.constant true
      %reduce_sum3A_1367 = vector.broadcast %reduce_sum3A_1366 : i1 to vector<16xi1>
      %reduce_sum3A_1368 = tpu.scan <sum>, %add3A_1365 masked %reduce_sum3A_1367 : vector<16xf32>, vector<16xi1> -> vector<16xf32>
      %reduce_sum3A_1369 = vector.extract %reduce_sum3A_1368[15] : f32 from vector<16xf32>
      %eq3A_1370 = arith.constant 14 : i32
      %eq3A_1371 = vector.broadcast %eq3A_1370 : i32 to vector<16xi32>
      %eq3A_1372 = arith.cmpi eq, %iota3A, %eq3A_1371 : vector<16xi32>
      %broadcast_in_dim3A_1373 = vector.broadcast %reduce_sum3A_1369 : f32 to vector<16xf32>
      %select_n3A_1374 = arith.select %eq3A_1372, %broadcast_in_dim3A_1373, %select_n3A_1293 : vector<16xi1>, vector<16xf32>
      %get3A_1375 = arith.constant 78 : i32
      %get3A_1376 = arith.index_cast %get3A_1375 : i32 to index
      %get3A_1377 = arith.constant 0 : index
      %get3A_1378 = tpu.vector_load %arg16[%get3A_1376, %get3A_1377] {strides = array<i32>} : memref<104x128xf32, #tpu.memory_space<vmem>>, vector<16xf32>,
      %get3A_1379 = arith.constant 78 : i32
      %get3A_1380 = arith.index_cast %get3A_1379 : i32 to index
      %get3A_1381 = arith.constant 16 : index
      %get3A_1382 = tpu.vector_load %arg16[%get3A_1380, %get3A_1381] {strides = array<i32>} : memref<104x128xf32, #tpu.memory_space<vmem>>, vector<16xf32>,
      %get3A_1383 = arith.constant 78 : i32
      %get3A_1384 = arith.index_cast %get3A_1383 : i32 to index
      %get3A_1385 = arith.constant 32 : index
      %get3A_1386 = tpu.vector_load %arg16[%get3A_1384, %get3A_1385] {strides = array<i32>} : memref<104x128xf32, #tpu.memory_space<vmem>>, vector<16xf32>,
      %get3A_1387 = arith.constant 78 : i32
      %get3A_1388 = arith.index_cast %get3A_1387 : i32 to index
      %get3A_1389 = arith.constant 48 : index
      %get3A_1390 = tpu.vector_load %arg16[%get3A_1388, %get3A_1389] {strides = array<i32>} : memref<104x128xf32, #tpu.memory_space<vmem>>, vector<16xf32>,
      %get3A_1391 = arith.constant 78 : i32
      %get3A_1392 = arith.index_cast %get3A_1391 : i32 to index
      %get3A_1393 = arith.constant 64 : index
      %get3A_1394 = tpu.vector_load %arg16[%get3A_1392, %get3A_1393] {strides = array<i32>} : memref<104x128xf32, #tpu.memory_space<vmem>>, vector<16xf32>,
      %get3A_1395 = arith.constant 78 : i32
      %get3A_1396 = arith.index_cast %get3A_1395 : i32 to index
      %get3A_1397 = arith.constant 80 : index
      %get3A_1398 = tpu.vector_load %arg16[%get3A_1396, %get3A_1397] {strides = array<i32>} : memref<104x128xf32, #tpu.memory_space<vmem>>, vector<16xf32>,
      %get3A_1399 = arith.constant 78 : i32
      %get3A_1400 = arith.index_cast %get3A_1399 : i32 to index
      %get3A_1401 = arith.constant 96 : index
      %get3A_1402 = tpu.vector_load %arg16[%get3A_1400, %get3A_1401] {strides = array<i32>} : memref<104x128xf32, #tpu.memory_space<vmem>>, vector<16xf32>,
      %get3A_1403 = arith.constant 78 : i32
      %get3A_1404 = arith.index_cast %get3A_1403 : i32 to index
      %get3A_1405 = arith.constant 112 : index
      %get3A_1406 = tpu.vector_load %arg16[%get3A_1404, %get3A_1405] {strides = array<i32>} : memref<104x128xf32, #tpu.memory_space<vmem>>, vector<16xf32>,
      %scan3A_1407 = arith.constant 1 : i32
      %scan3A_1408 = arith.constant 25 : i32
      %scan3A_1409 = arith.addi %scan3A_1407, %scan3A_1408 : i32
      %scan3A_1410 = arith.constant 1 : i32
      %scan3A_1411:8 = scf.for %scan3A_1491 = %scan3A_1407 to %scan3A_1409 step %scan3A_1410 iter_args(%scan3A_1492 = %get3A_1378, %scan3A_1493 = %get3A_1382, %scan3A_1494 = %get3A_1386, %scan3A_1495 = %get3A_1390, %scan3A_1496 = %get3A_1394, %scan3A_1497 = %get3A_1398, %scan3A_1498 = %get3A_1402, %scan3A_1499 = %get3A_1406) -> (vector<16xf32>, vector<16xf32>, vector<16xf32>, vector<16xf32>, vector<16xf32>, vector<16xf32>, vector<16xf32>, vector<16xf32>)  : i32 {
        %add3A_1500 = arith.constant 78 : i32
        %add3A_1501 = arith.addi %add3A_1500, %scan3A_1491 : i32
        %get3A_1502 = arith.index_cast %add3A_1501 : i32 to index
        %get3A_1503 = arith.constant 0 : index
        %get3A_1504 = tpu.vector_load %arg16[%get3A_1502, %get3A_1503] {strides = array<i32>} : memref<104x128xf32, #tpu.memory_space<vmem>>, vector<16xf32>,
        %add3A_1505 = arith.addf %scan3A_1492, %get3A_1504 : vector<16xf32>
        %add3A_1506 = arith.constant 78 : i32
        %add3A_1507 = arith.addi %add3A_1506, %scan3A_1491 : i32
        %get3A_1508 = arith.index_cast %add3A_1507 : i32 to index
        %get3A_1509 = arith.constant 16 : index
        %get3A_1510 = tpu.vector_load %arg16[%get3A_1508, %get3A_1509] {strides = array<i32>} : memref<104x128xf32, #tpu.memory_space<vmem>>, vector<16xf32>,
        %add3A_1511 = arith.addf %scan3A_1493, %get3A_1510 : vector<16xf32>
        %add3A_1512 = arith.constant 78 : i32
        %add3A_1513 = arith.addi %add3A_1512, %scan3A_1491 : i32
        %get3A_1514 = arith.index_cast %add3A_1513 : i32 to index
        %get3A_1515 = arith.constant 32 : index
        %get3A_1516 = tpu.vector_load %arg16[%get3A_1514, %get3A_1515] {strides = array<i32>} : memref<104x128xf32, #tpu.memory_space<vmem>>, vector<16xf32>,
        %add3A_1517 = arith.addf %scan3A_1494, %get3A_1516 : vector<16xf32>
        %add3A_1518 = arith.constant 78 : i32
        %add3A_1519 = arith.addi %add3A_1518, %scan3A_1491 : i32
        %get3A_1520 = arith.index_cast %add3A_1519 : i32 to index
        %get3A_1521 = arith.constant 48 : index
        %get3A_1522 = tpu.vector_load %arg16[%get3A_1520, %get3A_1521] {strides = array<i32>} : memref<104x128xf32, #tpu.memory_space<vmem>>, vector<16xf32>,
        %add3A_1523 = arith.addf %scan3A_1495, %get3A_1522 : vector<16xf32>
        %add3A_1524 = arith.constant 78 : i32
        %add3A_1525 = arith.addi %add3A_1524, %scan3A_1491 : i32
        %get3A_1526 = arith.index_cast %add3A_1525 : i32 to index
        %get3A_1527 = arith.constant 64 : index
        %get3A_1528 = tpu.vector_load %arg16[%get3A_1526, %get3A_1527] {strides = array<i32>} : memref<104x128xf32, #tpu.memory_space<vmem>>, vector<16xf32>,
        %add3A_1529 = arith.addf %scan3A_1496, %get3A_1528 : vector<16xf32>
        %add3A_1530 = arith.constant 78 : i32
        %add3A_1531 = arith.addi %add3A_1530, %scan3A_1491 : i32
        %get3A_1532 = arith.index_cast %add3A_1531 : i32 to index
        %get3A_1533 = arith.constant 80 : index
        %get3A_1534 = tpu.vector_load %arg16[%get3A_1532, %get3A_1533] {strides = array<i32>} : memref<104x128xf32, #tpu.memory_space<vmem>>, vector<16xf32>,
        %add3A_1535 = arith.addf %scan3A_1497, %get3A_1534 : vector<16xf32>
        %add3A_1536 = arith.constant 78 : i32
        %add3A_1537 = arith.addi %add3A_1536, %scan3A_1491 : i32
        %get3A_1538 = arith.index_cast %add3A_1537 : i32 to index
        %get3A_1539 = arith.constant 96 : index
        %get3A_1540 = tpu.vector_load %arg16[%get3A_1538, %get3A_1539] {strides = array<i32>} : memref<104x128xf32, #tpu.memory_space<vmem>>, vector<16xf32>,
        %add3A_1541 = arith.addf %scan3A_1498, %get3A_1540 : vector<16xf32>
        %add3A_1542 = arith.constant 78 : i32
        %add3A_1543 = arith.addi %add3A_1542, %scan3A_1491 : i32
        %get3A_1544 = arith.index_cast %add3A_1543 : i32 to index
        %get3A_1545 = arith.constant 112 : index
        %get3A_1546 = tpu.vector_load %arg16[%get3A_1544, %get3A_1545] {strides = array<i32>} : memref<104x128xf32, #tpu.memory_space<vmem>>, vector<16xf32>,
        %add3A_1547 = arith.addf %scan3A_1499, %get3A_1546 : vector<16xf32>
        scf.yield %add3A_1505, %add3A_1511, %add3A_1517, %add3A_1523, %add3A_1529, %add3A_1535, %add3A_1541, %add3A_1547 : vector<16xf32>, vector<16xf32>, vector<16xf32>, vector<16xf32>, vector<16xf32>, vector<16xf32>, vector<16xf32>, vector<16xf32>
      }
      %scan3A_1412 = arith.constant 25 : i32
      %mul3A_1413 = arith.mulf %scan3A_1411#0, %scan3A_1411#0 : vector<16xf32>
      %mul3A_1414 = arith.mulf %scan3A_1411#1, %scan3A_1411#1 : vector<16xf32>
      %add3A_1415 = arith.addf %mul3A_1413, %mul3A_1414 : vector<16xf32>
      %mul3A_1416 = arith.mulf %scan3A_1411#2, %scan3A_1411#2 : vector<16xf32>
      %add3A_1417 = arith.addf %add3A_1415, %mul3A_1416 : vector<16xf32>
      %mul3A_1418 = arith.mulf %scan3A_1411#3, %scan3A_1411#3 : vector<16xf32>
      %add3A_1419 = arith.addf %add3A_1417, %mul3A_1418 : vector<16xf32>
      %mul3A_1420 = arith.mulf %scan3A_1411#4, %scan3A_1411#4 : vector<16xf32>
      %add3A_1421 = arith.addf %add3A_1419, %mul3A_1420 : vector<16xf32>
      %mul3A_1422 = arith.mulf %scan3A_1411#5, %scan3A_1411#5 : vector<16xf32>
      %add3A_1423 = arith.addf %add3A_1421, %mul3A_1422 : vector<16xf32>
      %mul3A_1424 = arith.mulf %scan3A_1411#6, %scan3A_1411#6 : vector<16xf32>
      %add3A_1425 = arith.addf %add3A_1423, %mul3A_1424 : vector<16xf32>
      %mul3A_1426 = arith.mulf %scan3A_1411#7, %scan3A_1411#7 : vector<16xf32>
      %add3A_1427 = arith.addf %add3A_1425, %mul3A_1426 : vector<16xf32>
      %get3A_1428 = arith.index_cast %add3A_1131 : i32 to index
      %get3A_1429 = arith.constant 78 : index
      %get3A_1430 = tpu.vector_load %arg10[%get3A_1428, %get3A_1429] {strides = array<i32>} : memref<128x104xi32, #tpu.memory_space<vmem>>, vector<16xi32>,
      %get3A_1431 = arith.index_cast %add3A_1131 : i32 to index
      %get3A_1432 = arith.constant 88 : index
      %get3A_1433 = tpu.vector_load %arg10[%get3A_1431, %get3A_1432] {strides = array<i32>} : memref<128x104xi32, #tpu.memory_space<vmem>>, vector<16xi32>,
      %gather3A_1434 = tpu.vector_load_idx %arg12[%get3A_1430] : memref<2080xf32, #tpu.memory_space<vmem>>[vector<16xi32>], vector<16xf32>,
      %gather3A_1435 = tpu.vector_load_idx %arg12[%get3A_1433] : memref<2080xf32, #tpu.memory_space<vmem>>[vector<16xi32>], vector<16xf32>,
      %ge3A_1436 = arith.constant 6 : i32
      %ge3A_1437 = vector.broadcast %ge3A_1436 : i32 to vector<16xi32>
      %ge3A_1438 = arith.cmpi sge, %iota3A, %ge3A_1437 : vector<16xi32>
      %jit3A_1439 = arith.constant 0.000000e+00 : f32
      %broadcast_in_dim3A_1440 = vector.broadcast %jit3A_1439 : f32 to vector<16xf32>
      %select_n3A_1441 = arith.select %ge3A_1438, %gather3A_1435, %broadcast_in_dim3A_1440 : vector<16xi1>, vector<16xf32>
      %add3A_1442 = arith.addf %gather3A_1434, %select_n3A_1441 : vector<16xf32>
      %mul3A_1443 = arith.constant 5.000000e-01 : f32
      %mul3A_1444 = vector.broadcast %mul3A_1443 : f32 to vector<16xf32>
      %mul3A_1445 = arith.mulf %mul3A_1444, %add3A_1427 : vector<16xf32>
      %add3A_1446 = arith.addf %mul3A_1445, %add3A_1442 : vector<16xf32>
      %reduce_sum3A_1447 = arith.constant true
      %reduce_sum3A_1448 = vector.broadcast %reduce_sum3A_1447 : i1 to vector<16xi1>
      %reduce_sum3A_1449 = tpu.scan <sum>, %add3A_1446 masked %reduce_sum3A_1448 : vector<16xf32>, vector<16xi1> -> vector<16xf32>
      %reduce_sum3A_1450 = vector.extract %reduce_sum3A_1449[15] : f32 from vector<16xf32>
      %eq3A_1451 = arith.constant 15 : i32
      %eq3A_1452 = vector.broadcast %eq3A_1451 : i32 to vector<16xi32>
      %eq3A_1453 = arith.cmpi eq, %iota3A, %eq3A_1452 : vector<16xi32>
      %broadcast_in_dim3A_1454 = vector.broadcast %reduce_sum3A_1450 : f32 to vector<16xf32>
      %select_n3A_1455 = arith.select %eq3A_1453, %broadcast_in_dim3A_1454, %select_n3A_1374 : vector<16xi1>, vector<16xf32>
      %add3A_1456 = arith.constant 3 : i32
      %add3A_1457 = arith.addi %mul3A_89, %add3A_1456 : i32
      %add3A_1458 = arith.constant 4 : i32
      %add3A_1459 = arith.addi %add3A_1457, %add3A_1458 : i32
      %min3A_1460 = arith.constant 127 : i32
      %min3A_1461 = arith.minsi %add3A_1459, %min3A_1460 : i32
      %dma_start3A_1462 = arith.constant 0 : i32
      %dma_start3A_1463 = tpu.memref_slice %arg10[%min3A_1461, %dma_start3A_1462] : memref<128x104xi32, #tpu.memory_space<vmem>> -> memref<1x104xi32, #tpu.memory_space<vmem>>
      %dma_start3A_1464 = tpu.memref_squeeze %dma_start3A_1463 : memref<1x104xi32, #tpu.memory_space<vmem>> -> memref<104xi32, #tpu.memory_space<vmem>>
      %dma_start3A_1465 = arith.constant 0 : i32
      %dma_start3A_1466 = arith.constant 0 : i32
      %dma_start3A_1467 = tpu.memref_slice %arg11[%dma_start3A_1465, %dma_start3A_1466] : memref<2080x128xf32, #tpu.memory_space<vmem_shared>> -> memref<2080x128xf32, #tpu.memory_space<vmem_shared>>
      tpu.enqueue_indirect_dma source(%dma_start3A_1467 : memref<2080x128xf32, #tpu.memory_space<vmem_shared>>) target(%arg16 : memref<104x128xf32, #tpu.memory_space<vmem>>) offsets(%dma_start3A_1464 : memref<104xi32, #tpu.memory_space<vmem>>) semaphore(%arg25 : memref<!tpu.dma_semaphore, #tpu.memory_space<semaphore_mem>>)
      %mul3A_1468 = arith.constant 16 : i32
      %mul3A_1469 = arith.muli %scan3A_87, %mul3A_1468 : i32
      %get3A_1470 = arith.index_cast %mul3A_1469 : i32 to index
      %get3A_1471 = tpu.vector_load %arg17[%get3A_1470] {strides = array<i32>} : memref<512xf32, #tpu.memory_space<vmem>>, vector<16xf32>,
      %mul3A_1472 = arith.mulf %get3A_40, %get3A_1471 : vector<16xf32>
      %get3A_1473 = arith.index_cast %mul3A_1469 : i32 to index
      %get3A_1474 = tpu.vector_load %arg18[%get3A_1473] {strides = array<i32>} : memref<512xf32, #tpu.memory_space<vmem>>, vector<16xf32>,
      %mul3A_1475 = arith.mulf %get3A_44, %get3A_1474 : vector<16xf32>
      %add3A_1476 = arith.addf %mul3A_1472, %mul3A_1475 : vector<16xf32>
      %get3A_1477 = arith.index_cast %mul3A_1469 : i32 to index
      %get3A_1478 = tpu.vector_load %arg19[%get3A_1477] {strides = array<i32>} : memref<512xf32, #tpu.memory_space<vmem>>, vector<16xf32>,
      %mul3A_1479 = arith.mulf %get3A_48, %get3A_1478 : vector<16xf32>
      %add3A_1480 = arith.addf %add3A_1476, %mul3A_1479 : vector<16xf32>
      %add3A_1481 = arith.addf %add3A_1480, %get3A_52 : vector<16xf32>
      %add3A_1482 = arith.addf %select_n3A_1455, %add3A_1481 : vector<16xf32>
      %neg3A = arith.constant 0.000000e+00 : f32
      %neg3A_1483 = vector.broadcast %neg3A : f32 to vector<16xf32>
      %neg3A_1484 = arith.subf %neg3A_1483, %add3A_1482 : vector<16xf32>
      %exp3A = math.exp %neg3A_1484 : vector<16xf32>
      %add3A_1485 = arith.constant 1.000000e+00 : f32
      %add3A_1486 = vector.broadcast %add3A_1485 : f32 to vector<16xf32>
      %add3A_1487 = arith.addf %add3A_1486, %exp3A : vector<16xf32>
      %div3A = arith.constant 1.000000e+00 : f32
      %div3A_1488 = vector.broadcast %div3A : f32 to vector<16xf32>
      %div3A_1489 = arith.divf %div3A_1488, %add3A_1487 : vector<16xf32>
      %swap3A = arith.index_cast %mul3A_1469 : i32 to index
      %swap3A_1490 = tpu.vector_load %arg21[%swap3A] {strides = array<i32>} : memref<512xf32, #tpu.memory_space<vmem>>, vector<16xf32>,
      tpu.vector_store %arg21[%swap3A], %div3A_1489 {strides = array<i32>} : memref<512xf32, #tpu.memory_space<vmem>>, vector<16xf32>,
    }
    %scan3A_57 = arith.constant 32 : i32
    %dma_wait3A = arith.constant 127 : i32
    %dma_wait3A_58 = arith.constant 0 : i32
    %dma_wait3A_59 = tpu.memref_slice %arg10[%dma_wait3A, %dma_wait3A_58] : memref<128x104xi32, #tpu.memory_space<vmem>> -> memref<1x104xi32, #tpu.memory_space<vmem>>
    %dma_wait3A_60 = tpu.memref_squeeze %dma_wait3A_59 : memref<1x104xi32, #tpu.memory_space<vmem>> -> memref<104xi32, #tpu.memory_space<vmem>>
    %dma_wait3A_61 = arith.constant 0 : i32
    %dma_wait3A_62 = arith.constant 0 : i32
    %dma_wait3A_63 = tpu.memref_slice %arg11[%dma_wait3A_61, %dma_wait3A_62] : memref<2080x128xf32, #tpu.memory_space<vmem_shared>> -> memref<2080x128xf32, #tpu.memory_space<vmem_shared>>
    tpu.wait_indirect_dma semaphore(%arg22 : memref<!tpu.dma_semaphore, #tpu.memory_space<semaphore_mem>>) src(%dma_wait3A_63 : memref<2080x128xf32, #tpu.memory_space<vmem_shared>>) dst(%arg13 : memref<104x128xf32, #tpu.memory_space<vmem>>)
    %dma_wait3A_64 = arith.constant 127 : i32
    %dma_wait3A_65 = arith.constant 0 : i32
    %dma_wait3A_66 = tpu.memref_slice %arg10[%dma_wait3A_64, %dma_wait3A_65] : memref<128x104xi32, #tpu.memory_space<vmem>> -> memref<1x104xi32, #tpu.memory_space<vmem>>
    %dma_wait3A_67 = tpu.memref_squeeze %dma_wait3A_66 : memref<1x104xi32, #tpu.memory_space<vmem>> -> memref<104xi32, #tpu.memory_space<vmem>>
    %dma_wait3A_68 = arith.constant 0 : i32
    %dma_wait3A_69 = arith.constant 0 : i32
    %dma_wait3A_70 = tpu.memref_slice %arg2[%dma_wait3A_68, %dma_wait3A_69] : memref<2080x128xf32, #tpu.memory_space<hbm>> -> memref<2080x128xf32, #tpu.memory_space<hbm>>
    tpu.wait_indirect_dma semaphore(%arg23 : memref<!tpu.dma_semaphore, #tpu.memory_space<semaphore_mem>>) src(%dma_wait3A_70 : memref<2080x128xf32, #tpu.memory_space<hbm>>) dst(%arg14 : memref<104x128xf32, #tpu.memory_space<vmem>>)
    %dma_wait3A_71 = arith.constant 127 : i32
    %dma_wait3A_72 = arith.constant 0 : i32
    %dma_wait3A_73 = tpu.memref_slice %arg10[%dma_wait3A_71, %dma_wait3A_72] : memref<128x104xi32, #tpu.memory_space<vmem>> -> memref<1x104xi32, #tpu.memory_space<vmem>>
    %dma_wait3A_74 = tpu.memref_squeeze %dma_wait3A_73 : memref<1x104xi32, #tpu.memory_space<vmem>> -> memref<104xi32, #tpu.memory_space<vmem>>
    %dma_wait3A_75 = arith.constant 0 : i32
    %dma_wait3A_76 = arith.constant 0 : i32
    %dma_wait3A_77 = tpu.memref_slice %arg11[%dma_wait3A_75, %dma_wait3A_76] : memref<2080x128xf32, #tpu.memory_space<vmem_shared>> -> memref<2080x128xf32, #tpu.memory_space<vmem_shared>>
    tpu.wait_indirect_dma semaphore(%arg24 : memref<!tpu.dma_semaphore, #tpu.memory_space<semaphore_mem>>) src(%dma_wait3A_77 : memref<2080x128xf32, #tpu.memory_space<vmem_shared>>) dst(%arg15 : memref<104x128xf32, #tpu.memory_space<vmem>>)
    %dma_wait3A_78 = arith.constant 127 : i32
    %dma_wait3A_79 = arith.constant 0 : i32
    %dma_wait3A_80 = tpu.memref_slice %arg10[%dma_wait3A_78, %dma_wait3A_79] : memref<128x104xi32, #tpu.memory_space<vmem>> -> memref<1x104xi32, #tpu.memory_space<vmem>>
    %dma_wait3A_81 = tpu.memref_squeeze %dma_wait3A_80 : memref<1x104xi32, #tpu.memory_space<vmem>> -> memref<104xi32, #tpu.memory_space<vmem>>
    %dma_wait3A_82 = arith.constant 0 : i32
    %dma_wait3A_83 = arith.constant 0 : i32
    %dma_wait3A_84 = tpu.memref_slice %arg11[%dma_wait3A_82, %dma_wait3A_83] : memref<2080x128xf32, #tpu.memory_space<vmem_shared>> -> memref<2080x128xf32, #tpu.memory_space<vmem_shared>>
    tpu.wait_indirect_dma semaphore(%arg25 : memref<!tpu.dma_semaphore, #tpu.memory_space<semaphore_mem>>) src(%dma_wait3A_84 : memref<2080x128xf32, #tpu.memory_space<vmem_shared>>) dst(%arg16 : memref<104x128xf32, #tpu.memory_space<vmem>>)
    %mul3A_85 = arith.constant 512 : i32
    %mul3A_86 = arith.muli %add3A, %mul3A_85 : i32
    "tpu.region"() ({
      %run_scoped3A = tpu.sem_alloc : memref<!tpu.dma_semaphore, #tpu.memory_space<semaphore_mem>>
      %dma_start3A_87 = tpu.memref_slice %arg9[%mul3A_86] : memref<16384xf32, #tpu.memory_space<hbm>> -> memref<512xf32, #tpu.memory_space<hbm>>
      %dma_start3A_88 = tpu.memref_slice %arg9[%mul3A_86] : memref<16384xf32, #tpu.memory_space<hbm>> -> memref<512xf32, #tpu.memory_space<hbm>>
      tpu.enqueue_dma source(%arg21 : memref<512xf32, #tpu.memory_space<vmem>>) target(%dma_start3A_88 : memref<512xf32, #tpu.memory_space<hbm>>) target_semaphore(%run_scoped3A : memref<!tpu.dma_semaphore, #tpu.memory_space<semaphore_mem>>)
      %dma_wait3A_89 = tpu.memref_slice %arg9[%mul3A_86] : memref<16384xf32, #tpu.memory_space<hbm>> -> memref<512xf32, #tpu.memory_space<hbm>>
      %dma_wait3A_90 = tpu.memref_slice %arg9[%mul3A_86] : memref<16384xf32, #tpu.memory_space<hbm>> -> memref<512xf32, #tpu.memory_space<hbm>>
      tpu.wait_dma2 semaphore(%run_scoped3A : memref<!tpu.dma_semaphore, #tpu.memory_space<semaphore_mem>>) src(%arg21 : memref<512xf32, #tpu.memory_space<vmem>>) dst(%dma_wait3A_90 : memref<512xf32, #tpu.memory_space<hbm>>)
      tpu.yield
    }) : () -> ()
    return
  }
}

module attributes {stable_mosaic.version = 14 : i64} {
  func.func @_prep_body(%arg0: memref<2068x1xf32, #tpu.memory_space<vmem>>, %arg1: memref<2068x128xf32, #tpu.memory_space<vmem>>, %arg2: memref<2080x128xf32, #tpu.memory_space<vmem>>, %arg3: memref<2080x1xf32, #tpu.memory_space<vmem>>) attributes {dimension_semantics = [], scalar_prefetch = 0 : i64, scratch_operands = 0 : i64, tpu.core_type = #tpu.core_type<tc>} {
    %get3A = arith.constant 0 : index
    %get3A_0 = arith.constant 0 : index
    %get3A_1 = vector.load %arg1[%get3A, %get3A_0] : memref<2068x128xf32, #tpu.memory_space<vmem>>, vector<2068x128xf32>
    %mul3A = arith.mulf %get3A_1, %get3A_1 : vector<2068x128xf32>
    %reduce_sum3A = arith.constant dense<0.000000e+00> : vector<2068xf32>
    %reduce_sum3A_2 = vector.multi_reduction <add>, %mul3A, %reduce_sum3A [1] : vector<2068x128xf32> to vector<2068xf32>
    %broadcast_in_dim3A = vector.shape_cast %reduce_sum3A_2 : vector<2068xf32> to vector<2068x1xf32>
    %get3A_3 = arith.constant 0 : index
    %get3A_4 = arith.constant 0 : index
    %get3A_5 = vector.load %arg0[%get3A_3, %get3A_4] : memref<2068x1xf32, #tpu.memory_space<vmem>>, vector<2068x1xf32>
    %mul3A_6 = arith.constant 5.000000e-01 : f32
    %mul3A_7 = vector.broadcast %mul3A_6 : f32 to vector<2068x1xf32>
    %mul3A_8 = arith.mulf %mul3A_7, %broadcast_in_dim3A : vector<2068x1xf32>
    %sub3A = arith.subf %get3A_5, %mul3A_8 : vector<2068x1xf32>
    %broadcast_in_dim3A_9 = arith.constant 0.000000e+00 : f32
    %broadcast_in_dim3A_10 = vector.broadcast %broadcast_in_dim3A_9 : f32 to vector<12x128xf32>
    %concatenate3A = tpu.concatenate %get3A_1, %broadcast_in_dim3A_10 in 0 : vector<2068x128xf32>, vector<12x128xf32> -> vector<2080x128xf32>
    %swap3A = arith.constant 0 : index
    %swap3A_11 = arith.constant 0 : index
    %swap3A_12 = vector.load %arg2[%swap3A, %swap3A_11] : memref<2080x128xf32, #tpu.memory_space<vmem>>, vector<2080x128xf32>
    tpu.vector_store %arg2[%swap3A, %swap3A_11], %concatenate3A {strides = array<i32>} : memref<2080x128xf32, #tpu.memory_space<vmem>>, vector<2080x128xf32>,
    %broadcast_in_dim3A_13 = arith.constant 0.000000e+00 : f32
    %broadcast_in_dim3A_14 = vector.broadcast %broadcast_in_dim3A_13 : f32 to vector<12x1xf32>
    %concatenate3A_15 = tpu.concatenate %sub3A, %broadcast_in_dim3A_14 in 0 : vector<2068x1xf32>, vector<12x1xf32> -> vector<2080x1xf32>
    %swap3A_16 = arith.constant 0 : index
    %swap3A_17 = arith.constant 0 : index
    %swap3A_18 = vector.load %arg3[%swap3A_16, %swap3A_17] : memref<2080x1xf32, #tpu.memory_space<vmem>>, vector<2080x1xf32>
    tpu.vector_store %arg3[%swap3A_16, %swap3A_17], %concatenate3A_15 {strides = array<i32>} : memref<2080x1xf32, #tpu.memory_space<vmem>>, vector<2080x1xf32>,
    return
  }
}

</mosaic_0001>

<sc_bundles>
// kernel: kernel.4.cloned.1.call-start
scs
__scs_entry_jumppad:
0x0: {  	(pc) =	sbr.rel $0x88, $3  }
0x1: {  	(tag) =	ssettag $0x0;
	lr =	simm.s32 $0x1  }
0x2: {  	[smem:$0x3F9B] =	sst lr;
	_ =	strace $0xD0000000  }
0x3: {  	_ = 	snop  }
0x4: {  	_ = 	snop  }
0x5: {  	_ = 	snop  }
0x6: {  	_ = 	snop  }
0x7: {  	_ = 	snop  }
__scs_overlays_trampoline_lowered:
0x8: {  	[smem:$0x3FAA] =	sst s0  }
0x9: {  	[smem:$0x3FAB] =	sst s1  }
0xa: {  	[smem:$0x3FAC] =	sst s2  }
0xb: {  	[smem:$0x3FAD] =	sst s3  }
0xc: {  	[smem:$0x3FAE] =	sst s4  }
0xd: {  	[smem:$0x3FAF] =	sst s5  }
0xe: {  	[smem:$0x3FB0] =	sst s6  }
0xf: {  	[smem:$0x3FB1] =	sst s7  }
0x10: {  	[smem:$0x3FB2] =	sst s8  }
0x11: {  	[smem:$0x3FB3] =	sst s9;
	s0 =	simm.s32 @!p0 $0x0  }
0x12: {  	s1 =	sld [smem:$0x3F99];
	s0 =	simm.s32 @p0 $0x1  }
0x13: {  	[smem:$0x3FB4] =	sst s0;
	s0 =	simm.s32 @!p1 $0x0  }
0x14: {  	s2 =	sld [smem:$0x3F98];
	s0 =	simm.s32 @p1 $0x1  }
0x15: {  	[smem:$0x3FB5] =	sst s0;
	s0 =	simm.s32 @!p2 $0x0  }
0x16: {  	s3 =	sld [smem:$0x3FDB];
	s0 =	simm.s32 @p2 $0x1  }
0x17: {  	s4 =	simm.s32 $0x1BF5;
	[smem:$0x3FB7] =	sst s0  }
0x18: {  	s0 =	sld [smem:$0x3F9A];
	_ =	swait.ge [sflag:s4], $0x0  }
0x19: {  	s7 =	sld [smem:$0x3F9B]  }
0x1a: {  	s8 =	sadd.s32 $0xFFFFE003, lr  }
0x1b: {  	s9 =	sadd.s32 $0xFFFFFEF7, lr;
	s5 =	simm.s32 $0xFFFFFFFF;
	p2 =	slt.u32 s8, $0xFFFFF086  }
0x1c: {  	p1 =	slt.u32 s9, $0xF7A;
	s5 =	simm.s32 @!p2 $0x0  }
0x1d: {  	s5 =	simm.s32 @p1 $0x1;
	p0 =	seq.s32 s7, s2  }
0x1e: {  	s7 =	smul.u32 @!p0 $0xF7A, s2;
	p2 =	seq.s32 @!p0 s5, $0x0  }
0x1f: {  	s9 =	smul.u32 $0xF7A, s1;
	s8 =	simm.s32 @!p0 $0x1BF5;
	p2 =	por !p2, p0  }
0x20: {  	[sflag:s8] =	ssyncset.s32 @!p0 $0xFFFFF086;
	s6 =	sadd.s32 @!p0 s3, s7;
	s7 =	simm.s32 @!p0 $0x108  }
0x21: {  	s3 =	sadd.s32 s3, s9;
	s6 =	sadd.s32 @!p0 $0x88, s6;
	s7 =	simm.s32 @p2 $0x1082  }
0x22: {  	[simem:s7], [sflag:s8] =	dma.local @!p0 [hbm:s6], $0xF7A  }
0x23: {  	s9 =	sor.u32 $0xD0000000, s2;
	s6 =	simm.s32 $0x108;
	_ =	swait.ge @!p0 [sflag:s8], $0x0  }
0x24: {  	s3 =	sadd.s32 $0x88, s3;
	s6 =	simm.s32 @!p1 $0x1082;
	[sflag:s4] =	ssyncset.s32 $0xFFFFF086  }
0x25: {  	[simem:s6], [sflag:s4] =	dma.local [hbm:s3], $0xF7A  }
0x26: {  	[smem:$0x3F9B] =	sst s1;
	(tag) =	ssettag s2;
	_ =	strace s9  }
0x27: {  	s1 =	sld [smem:$0x3FAB]  }
0x28: {  	s2 =	sld [smem:$0x3FAC]  }
0x29: {  	s4 =	sld [smem:$0x3FAE]  }
0x2a: {  	p0 =	seq.s32 s5, $0x0;
	s5 =	sld [smem:$0x3FAF]  }
0x2b: {  	s6 =	sld [smem:$0x3FB0]  }
0x2c: {  	s7 =	sld [smem:$0x3FB1]  }
0x2d: {  	s3 =	simm.s32 $0x108;
	s8 =	sld [smem:$0x3FB2]  }
0x2e: {  	s3 =	simm.s32 @!p0 $0x1082;
	s9 =	sld [smem:$0x3FB3]  }
0x2f: {  	lr =	sadd.s32 s0, s3;
	s0 =	sld [smem:$0x3FAA]  }
0x30: {  	s3 =	sld [smem:$0x3FAD]  }
0x31: {  	[smem:$0x3FB6] =	sst s10  }
0x32: {  	s10 =	sld [smem:$0x3FB4];
	_ =	sdelay $0x3  }
0x33: {  	p0 =	seq.s32 s10, $0x1;
	s10 =	sld [smem:$0x3FB6];
	_ =	sdelay $0x3  }
0x34: {  	[smem:$0x3FB6] =	sst s10  }
0x35: {  	s10 =	sld [smem:$0x3FB5];
	_ =	sdelay $0x3  }
0x36: {  	p1 =	seq.s32 s10, $0x1;
	s10 =	sld [smem:$0x3FB6];
	_ =	sdelay $0x3  }
0x37: {  	[smem:$0x3FB6] =	sst s10  }
0x38: {  	s10 =	sld [smem:$0x3FB7]  }
0x39: {  	_ = 	snop;
	(pc) =	sbr.ind lr, $3  }
0x3a: {  	_ = 	snop  }
0x3b: {  	_ = 	snop  }
0x3c: {  	p2 =	seq.s32 s10, $0x1;
	s10 =	sld [smem:$0x3FB6]  }
0x3d: {  	_ =	shalt  }
0x3e: {  	_ =	shalt  }
0x3f: {  	_ =	shalt  }
0x40: {  	_ =	shalt  }
0x41: {  	_ =	shalt  }
0x42: {  	_ =	shalt  }
0x43: {  	_ =	shalt  }
0x44: {  	_ =	shalt  }
0x45: {  	_ =	shalt  }
0x46: {  	_ =	shalt  }
0x47: {  	_ =	shalt  }
0x48: {  	_ =	shalt  }
0x49: {  	_ =	shalt  }
0x4a: {  	_ =	shalt  }
0x4b: {  	_ =	shalt  }
0x4c: {  	_ =	shalt  }
0x4d: {  	_ =	shalt  }
0x4e: {  	_ =	shalt  }
0x4f: {  	_ =	shalt  }
0x50: {  	_ =	shalt  }
0x51: {  	_ =	shalt  }
0x52: {  	_ =	shalt  }
0x53: {  	_ =	shalt  }
0x54: {  	_ =	shalt  }
0x55: {  	_ =	shalt  }
0x56: {  	_ =	shalt  }
0x57: {  	_ =	shalt  }
0x58: {  	_ =	shalt  }
0x59: {  	_ =	shalt  }
0x5a: {  	_ =	shalt  }
0x5b: {  	_ =	shalt  }
0x5c: {  	_ =	shalt  }
0x5d: {  	_ =	shalt  }
0x5e: {  	_ =	shalt  }
0x5f: {  	_ =	shalt  }
0x60: {  	_ =	shalt  }
0x61: {  	_ =	shalt  }
0x62: {  	_ =	shalt  }
0x63: {  	_ =	shalt  }
0x64: {  	_ =	shalt  }
0x65: {  	_ =	shalt  }
0x66: {  	_ =	shalt  }
0x67: {  	_ =	shalt  }
0x68: {  	_ =	shalt  }
0x69: {  	_ =	shalt  }
0x6a: {  	_ =	shalt  }
0x6b: {  	_ =	shalt  }
0x6c: {  	_ =	shalt  }
0x6d: {  	_ =	shalt  }
0x6e: {  	_ =	shalt  }
0x6f: {  	_ =	shalt  }
0x70: {  	_ =	shalt  }
0x71: {  	_ =	shalt  }
0x72: {  	_ =	shalt  }
0x73: {  	_ =	shalt  }
0x74: {  	_ =	shalt  }
0x75: {  	_ =	shalt  }
0x76: {  	_ =	shalt  }
0x77: {  	_ =	shalt  }
0x78: {  	_ =	shalt  }
0x79: {  	_ =	shalt  }
0x7a: {  	_ =	shalt  }
0x7b: {  	_ =	shalt  }
0x7c: {  	_ =	shalt  }
0x7d: {  	_ =	shalt  }
0x7e: {  	_ =	shalt  }
0x7f: {  	_ =	shalt  }
0x80: {  	_ =	shalt  }
0x81: {  	_ =	shalt  }
0x82: {  	_ =	shalt  }
0x83: {  	_ =	shalt  }
0x84: {  	_ =	shalt  }
0x85: {  	_ =	shalt  }
0x86: {  	_ =	shalt  }
0x87: {  	_ =	shalt  }
.Lfunc_end0:
.L_simem_size_0:
called_computation_lowered:
.L_overlay_start_0:
0x88: {  	s2 =	sld [smem:$0x3FD9]  }
0x89: {  	s3 =	sld [smem:$0x3FFE];
	_ =	sdelay $0x1  }
0x8a: {  	s1 =	srdreg.scid  }
0x8b: {  	s0 =	sand.u32 $0x1, s1  }
0x8c: {  	s17 =	sshll.u32 s0, $0xA;
	s2 =	sadd.s32 s3, s2  }
0x8d: {  	s2 =	sadd.s32 s2, s17  }
0x8e: {  	[smem:$0x3FC2] =	sst s2  }
0x8f: {  	_ = 	snop  }
0x90: {  	s2 =	sld [smem:$0x3FD0];
	(tm) =	ssettm $0x1  }
0x91: {  	s18 =	sld [smem:$0x3FFB];
	_ =	sdelay $0x3  }
0x92: {  	_ =	strace s18  }
0x93: {  	s3 =	sld [smem:$0x3FFC];
	_ =	sdelay $0x3  }
0x94: {  	_ =	strace s3  }
0x95: {  	s3 =	sld [smem:$0x3FFD];
	_ =	sdelay $0x3  }
0x96: {  	_ =	strace s3  }
0x97: {  	_ =	strace $0x8FFFFFFF  }
0x98: {  	s19 =	sld [smem:$0x3FDB];
	_ =	sdelay $0x1  }
0x99: {  	s4 =	simm.s32 $_scs_section_size  }
0x9a: {  	s5 =	simm.s32 $_size__tile_overlayer_lowered;
	s6 =	simm.s32 $_tile_overlayer_lowered  }
0x9b: {  	s22 =	simm.s32 $0x1BFF;
	s21 =	sshll.u32 s6, $0x1;
	s3 =	sadd.s32 s4, s19  }
0x9c: {  	s7 =	simm.s32 $0x0;
	s20 =	sshll.u32 s5, $0x1;
	s5 =	sadd.s32 s21, s3  }
0x9d: {  	[timem:s7], [sflag:s22] =	dma.local [hbm:s5], s20  }
0x9e: {  	_ =	swait.ge [sflag:s22], s20  }
0x9f: {  	s4 =	ssub.s32 $0x0, s20;
	[sflag:s22] =	ssyncset.done $0x0  }
0xa0: {  	[sflag:s22] =	ssyncadd.s32 s4;
	_ =	sdelay $0x1  }
0xa1: {  	s23 =	simm.s32 $0x1B8B  }
0xa2: {  	_ =	swait.ge [sflag:s23], $0x1  }
0xa3: {  	[sflag:s23] =	ssyncset.done $0x0  }
0xa4: {  	s25 =	simm.s32 $0x1B8E;
	s24 =	sld [smem:$0x3FFE];
	[sflag:s23] =	ssyncadd.s32 $0xFFFFFFFF  }
0xa5: {  	s26 =	simm.s32 $execute0_lowered;
	[smem:$0x3FD2] =	sst s25  }
0xa6: {  	s5 =	sshll.u32 s26, $0x1;
	_ =	strace $0x80000046;
	[dreg:$0x1] =	wrdreg $0xFFFFFFFF  }
0xa7: {  	s28 =	simm.s32 $_size_execute0_lowered;
	s3 =	sadd.s32 s3, s5;
	[dreg:$0x0] =	wrdreg $0x0  }
0xa8: {  	s5 =	sshll.u32 s28, $0x1;
	[dreg:$0x2] =	wrdreg s3  }
0xa9: {  	[dreg:$0x3] =	wrdreg s5  }
0xaa: {  	[dreg:$0x4] =	wrdreg $0xC0  }
0xab: {  	_ =	task [dreg:s7], $0x5FFFF  }
0xac: {  	[dreg:$0x1] =	wrdreg $0xFFFFFFFF  }
0xad: {  	[dreg:$0x0] =	wrdreg $0x60  }
0xae: {  	[dreg:$0x2] =	wrdreg s24  }
0xaf: {  	[dreg:$0x3] =	wrdreg s2  }
0xb0: {  	[dreg:$0x4] =	wrdreg $0x34000  }
0xb1: {  	[dreg:$0x5] =	wrdreg $0x9  }
0xb2: {  	_ =	task.clear_ibuf [dreg:s7], $0x6FFFF;
	_ =	strace $0x90000046  }
0xb3: {  	s29 =	simm.s32 $0x9;
	_ =	strace $0x80000048  }
0xb4: {  	_ =	swait.ge [sflag:s29], $0x1  }
0xb5: {  	[sflag:s29] =	ssyncadd.s32 $0xFFFFFFFF  }
0xb6: {  	_ =	strace $0x90000048  }
0xb7: {  	_ =	sfence  }
0xb8: {  	s30 =	sld [smem:$0x0];
	_ =	sdelay $0x2  }
0xb9: {  	s31 =	sshll.u32 s1, $0xD;
	s1 =	sshrl.u32 s1, $0x2  }
0xba: {  	s3 =	sand.u32 $0x4000, s31;
	s1 =	sadd.s32 s1, s30  }
0xbb: {  	s0 =	sor.u32 s3, s0;
	s1 =	sshll.u32 s1, $0x11  }
0xbc: {  	s0 =	sor.u32 s1, s0  }
0xbd: {  	s0 =	sadd.s32 $0x8F2B, s0  }
0xbe: {  	[sflag:s0] =	ssyncadd.remote.s32 $0x1  }
0xbf: {  	_ =	sfence.sel $0xFFFF  }
0xc0: {  	[dreg:$0x0] =	wrdreg $0xFFFFFFFF;
	(pc) =	sbr.abs _section_cstart, $3  }
0xc1: {  	[dreg:$0x1] =	wrdreg $0xFFFFFFFF  }
0xc2: {  	_ =	task.clear_ibuf [dreg:s7], $0x2FFFF;
	_ =	strace $0x9FFFFFFF  }
0xc3: {  	(tm) =	ssettm $0x7FFFFFFF  }
tec
execute0_lowered:
.L_overlay_start_1:
0x0: {  	(tag) =	ssettag $0x1  }
0x1: {  	s0 =	rddreg [dreg:$0x0]  }
0x2: {  	s1 =	rddreg [dreg:$0x1]  }
0x3: {  	s2 =	rddreg [dreg:$0x2];
	s3 =	simm.s32 $0x0;
	s4 =	srdreg.scid  }
0x4: {  	s5 =	stileid.u32;
	s16 =	simm.s32 $0x5;
	s17 =	simm.s32 $0x7500  }
0x5: {  	s29 =	simm.s32 $0x11920;
	s30 =	simm.s32 $0x1;
	s31 =	simm.s32 $0x2  }
0x6: {  	s19 =	simm.s32 $0x0;
	[smem:$0x7FF] =	sst s3;
	s6 =	sand.u32 $0x1, s4  }
0x7: {  	s21 =	sshll.u32 s5, $0x1;
	s4 =	sadd.s32 $0xF600, s0;
	s8 =	sadd.s32 $0x17800, s0  }
0x8: {  	s9 =	smul.u32 $0x4100, s5;
	s28 =	sshll.u32 s5, $0x6;
	_ =	strace $0x80000047  }
0x9: {  	s7 =	sor.u32 s6, s21;
	[dreg:$0x4] =	wrdreg s8;
	s23 =	ssub.s32 $0x2, s6  }
0xa: {  	s6 =	sadd.s32 $0xF400, s0;
	s8 =	sor.u32 $0x1C05, s28;
	s22 =	smul.u32 $0x680, s7  }
0xb: {  	s13 =	sshll.u32 s7, $0x6;
	s24 =	sshrl.u32 s23, $0x1;
	s26 =	sshrl.u32 s9, $0x3  }
0xc: {  	s15 =	sadd.s32 s9, s2;
	s12 =	sadd.s32 s13, s0;
	s25 =	ssub.s32 s23, s24  }
0xd: {  	s7 =	sadd.s32 s4, s26;
	s13 =	sadd.s32 s1, s13;
	s15 =	sshrl.u32 s15, $0x3  }
0xe: {  	s23 =	simm.s32 $0x7D20;
	s24 =	simm.s32 $0xB120;
	s26 =	simm.s32 $0xE520  }
0xf: {  	s1 =	simm.s32 $0x4;
	s10 =	sadd.s32 s22, s0;
	s11 =	sadd.s32 $0xE400, s12  }
0x10: {  	s14 =	smax.u32 s25, $0x1;
	s22 =	simm.s32 $0x68;
	s0 =	simm.s32 $0x3  }
0x11: {  	s9 =	sadd.s32 $0xC00, s10;
	s10 =	sadd.s32 $0xEC00, s12;
	s12 =	sadd.s32 $0xDC00, s12  }
.LBB2_1:
0x12: {  	[spmem:s15], [sflag:s8] =	dma.local [hbm:s7], $0x820  }
0x13: {  	_ =	swait.ge [sflag:s16], $0x820  }
0x14: {  	[sflag:s16] =	ssyncset.done $0x0  }
0x15: {  	[sflag:s16] =	ssyncadd.s32 $0xFFFFF7E0  }
0x16: {  	[bflag:$0x0] =	sbarrier.arrive $0xFFFF  }
0x17: {  	s5 =	rddreg [dreg:$0x4]  }
0x18: {  	[tilespmem:s17], [sflag:$0x5] =	stream.linear.gather [hbm4b:s5+s3], $0x820, $0x38;
	[tilespmem:$0x15560] =	vst v63  }
0x19: {  	_ =	swait.ge [sflag:s16], $0x820  }
0x1a: {  	[sflag:s16] =	ssyncset.done $0x0  }
0x1b: {  	[sflag:s16] =	ssyncadd.s32 $0xFFFFF7E0  }
0x1c: {  	[tilespmem:s3], [sflag:$0x5] =	stream.linear.gather [hbm4b:s9+s3], $0x3400, $0x38;
	[tilespmem:$0x15560] =	vst v63  }
0x1d: {  	_ =	swait.ge [sflag:s16], $0x3400  }
0x1e: {  	[sflag:s16] =	ssyncset.done $0x0  }
0x1f: {  	s28 =	simm.s32 $0x14D20;
	[sflag:s16] =	ssyncadd.s32 $0xFFFFCC00  }
0x20: {  	[tilespmem:s28], [sflag:$0x5] =	stream.linear.gather [hbm4b:s10+s3], $0x200, $0x38;
	[tilespmem:$0x15560] =	vst v63  }
0x21: {  	_ =	swait.ge [sflag:s16], $0x200  }
0x22: {  	[sflag:s16] =	ssyncset.done $0x0  }
0x23: {  	s18 =	simm.s32 $0x14F20;
	[sflag:s16] =	ssyncadd.s32 $0xFFFFFE00  }
0x24: {  	[tilespmem:s18], [sflag:$0x5] =	stream.linear.gather [hbm4b:s11+s3], $0x200, $0x38;
	[tilespmem:$0x15560] =	vst v63  }
0x25: {  	_ =	swait.ge [sflag:s16], $0x200  }
0x26: {  	[sflag:s16] =	ssyncset.done $0x0  }
0x27: {  	s20 =	simm.s32 $0x15120;
	[sflag:s16] =	ssyncadd.s32 $0xFFFFFE00  }
0x28: {  	[tilespmem:s20], [sflag:$0x5] =	stream.linear.gather [hbm4b:s12+s3], $0x200, $0x38;
	[tilespmem:$0x15560] =	vst v63  }
0x29: {  	_ =	swait.ge [sflag:s16], $0x200  }
0x2a: {  	[sflag:s16] =	ssyncset.done $0x0  }
0x2b: {  	s21 =	simm.s32 $0x15320;
	[sflag:s16] =	ssyncadd.s32 $0xFFFFFE00  }
0x2c: {  	[tilespmem:s21], [sflag:$0x5] =	stream.linear.gather [hbm4b:s6+s3], $0x40, $0x38;
	[tilespmem:$0x15560] =	vst v63  }
0x2d: {  	_ =	swait.ge [sflag:s16], $0x40  }
0x2e: {  	[sflag:s16] =	ssyncset.done $0x0  }
0x2f: {  	[sflag:s16] =	ssyncadd.s32 $0xFFFFFFC0  }
0x30: {  	[tilespmem:s23], [sflag:$0x1] =	stream.indirect.gather [spmem:s2], $0x80, s3, s22, $0xb8;
	[tilespmem:$0x15560] =	vst v63  }
0x31: {  	_ = 	snop  }
0x32: {  	[tilespmem:s24], [sflag:$0x2] =	stream.indirect.gather [hbm4b:s4+s22], $0x80, s22, s22, $0xb8;
	[tilespmem:$0x15560] =	vst v63  }
0x33: {  	s25 =	simm.s32 $0xD0  }
0x34: {  	[tilespmem:s26], [sflag:$0x3] =	stream.indirect.gather [spmem:s2], $0x80, s25, s22, $0xb8;
	[tilespmem:$0x15560] =	vst v63  }
0x35: {  	s28 =	simm.s32 $0x138  }
0x36: {  	[tilespmem:s29], [sflag:$0x4] =	stream.indirect.gather [spmem:s2], $0x80, s28, s22, $0xb8;
	[tilespmem:$0x15560] =	vst v63  }
0x37: {  	v0 =	vld [tilespmem:$0x15320]  }
0x38: {  	v61 =	vld [tilespmem:$0x15330]  }
0x39: {  	v62 =	vld [tilespmem:$0x15340]  }
0x3a: {  	v63 =	vld [tilespmem:$0x15350];
	_ =	sdelay $0x1  }
0x3b: {  	[tilespmem:$0x1FFC0] =	vst v0  }
0x3c: {  	[tilespmem:$0x1FFD0] =	vst v61  }
0x3d: {  	[tilespmem:$0x1FFE0] =	vst v62  }
0x3e: {  	s20 =	simm.s32 $0x0;
	[tilespmem:$0x1FFF0] =	vst v63  }
.LBB2_2:
0x3f: {  	_ =	swait.ge [sflag:s30], $0x3400  }
0x40: {  	[sflag:s30] =	ssyncset.done $0x0  }
0x41: {  	[sflag:s30] =	ssyncadd.s32 $0xFFFFCC00  }
0x42: {  	v0 =	vld [tilespmem:$0x7D20]  }
0x43: {  	v1 =	vld [tilespmem:$0x7D30]  }
0x44: {  	v8 =	vld [tilespmem:$0x7D40]  }
0x45: {  	v9 =	vld [tilespmem:$0x7D50]  }
0x46: {  	v6 =	vld [tilespmem:$0x7D60]  }
0x47: {  	v7 =	vld [tilespmem:$0x7D70]  }
0x48: {  	v5 =	vld [tilespmem:$0x7D80]  }
0x49: {  	s18 =	simm.s32 $0xF0;
	v2 =	vld [tilespmem:$0x7D90]  }
0x4a: {  	v3 =	vld [tilespmem:s18+$0x7D20]  }
0x4b: {  	v4 =	vld [tilespmem:s18+$0x7CB0]  }
0x4c: {  	v12 =	vld [tilespmem:s18+$0x7CC0]  }
0x4d: {  	v14 =	vld [tilespmem:s18+$0x7CD0]  }
0x4e: {  	v15 =	vld [tilespmem:s18+$0x7CE0]  }
0x4f: {  	v13 =	vld [tilespmem:s18+$0x7CF0]  }
0x50: {  	v16 =	vld [tilespmem:s18+$0x7D00];
	v10 =	vadd.f32 v3, v2  }
0x51: {  	s25 =	simm.s32 $0x170;
	s21 =	simm.s32 $0x7C0;
	v17 =	vld [tilespmem:s18+$0x7D10];
	v11 =	vadd.f32 v4, v0;
	v12 =	vadd.f32 v12, v1  }
.LBB2_3:
0x52: {  	p0 =	sne.s32 s21, $0x33C0;
	v0 =	vld [tilespmem:s25+$0x7D20];
	v8 =	vadd.f32 v14, v8  }
0x53: {  	v1 =	vld [tilespmem:s25+$0x7CB0];
	v9 =	vadd.f32 v15, v9  }
0x54: {  	v2 =	vld [tilespmem:s25+$0x7CC0];
	v6 =	vadd.f32 v13, v6  }
.Ltmp0:
0x55: {  	v14 =	vld [tilespmem:s25+$0x7CD0];
	v7 =	vadd.f32 v16, v7;
	(pc) =	sbr.rel @p0 .LBB2_3-.Ltmp0, $4  }
0x56: {  	v15 =	vld [tilespmem:s25+$0x7CE0];
	v5 =	vadd.f32 v17, v5  }
0x57: {  	v13 =	vld [tilespmem:s25+$0x7CF0];
	v10 =	vadd.f32 v0, v10  }
0x58: {  	v11 =	vadd.f32 v1, v11;
	v16 =	vld [tilespmem:s25+$0x7D00]  }
0x59: {  	v12 =	vadd.f32 v2, v12;
	v17 =	vld [tilespmem:s25+$0x7D10];
	s25 =	sshra.s32 s21, $0x2;
	s21 =	sadd.s32 $0x200, s21  }
0x5a: {  	v18 =	vld [tilespmem:s25+$0x7D20]  }
0x5b: {  	v19 =	vld [tilespmem:s25+$0x7CB0]  }
0x5c: {  	v20 =	vld [tilespmem:s25+$0x7CC0]  }
0x5d: {  	v21 =	vld [tilespmem:s25+$0x7CD0]  }
0x5e: {  	v22 =	vld [tilespmem:s25+$0x7CE0]  }
0x5f: {  	v23 =	vld [tilespmem:s25+$0x7CF0]  }
0x60: {  	s18 =	smul.u32 $0x680, s20;
	v24 =	vld [tilespmem:s25+$0x7D00]  }
0x61: {  	v25 =	vld [tilespmem:s25+$0x7D10]  }
0x62: {  	v26 =	vld [tilespmem:$0x8A20];
	s21 =	sshra.s32 s18, $0x2  }
0x63: {  	v0 =	vld [tilespmem:s21+$0x0]  }
0x64: {  	v27 =	vld [tilespmem:$0x8A30]  }
0x65: {  	v3 =	vld [tilespmem:$0x8A40]  }
0x66: {  	v4 =	vld [tilespmem:$0x8A50]  }
0x67: {  	v2 =	vld [tilespmem:$0x8A70]  }
0x68: {  	v1 =	vld [tilespmem:s21+$0xA]  }
0x69: {  	v28 =	vld [tilespmem:$0x8A90];
	s5 =	simm.s32 $0x0;
	v8 =	vadd.f32 v14, v8  }
0x6a: {  	v29 =	vld [tilespmem:s5+$0x8B10];
	v6 =	vadd.f32 v13, v6;
	v10 =	vadd.f32 v18, v10  }
0x6b: {  	v5 =	vadd.f32 v17, v5;
	v8 =	vadd.f32 v21, v8;
	v0 =	vld.idx.msk [tilespmem:v0+s17+$0x0], $0xffff  }
0x6c: {  	v30 =	vld [tilespmem:s5+$0x8AA0];
	v6 =	vadd.f32 v23, v6;
	[tilespmem:$0x1FF40] =	vst v10  }
0x6d: {  	v14 =	vld [tilespmem:s5+$0x8AD0];
	v5 =	vadd.f32 v25, v5;
	[tilespmem:$0x1FF70] =	vst v8  }
0x6e: {  	v9 =	vadd.f32 v15, v9;
	v15 =	vld [tilespmem:s5+$0x8AE0];
	[tilespmem:$0x1FF90] =	vst v6  }
0x6f: {  	v7 =	vadd.f32 v16, v7;
	v17 =	vld [tilespmem:s5+$0x8AB0];
	v10 =	vadd.f32 v19, v11;
	[tilespmem:$0x1FFB0] =	vst v5  }
0x70: {  	v8 =	vadd.f32 v22, v9;
	[tilespmem:$0x1FF20] =	vst v0;
	v0 =	vld.idx.msk [tilespmem:v1+s17+$0x0], $0xffff  }
0x71: {  	v13 =	vld [tilespmem:s5+$0x8AC0];
	v6 =	vadd.f32 v24, v7;
	[tilespmem:$0x1FF50] =	vst v10  }
0x72: {  	v16 =	vld [tilespmem:s5+$0x8AF0];
	v10 =	vadd.f32 v20, v12;
	[tilespmem:$0x1FF80] =	vst v8  }
0x73: {  	[tilespmem:$0x1FFA0] =	vst v6;
	v1 =	vld [tilespmem:$0x8A60]  }
0x74: {  	v12 =	vadd.f32 v17, v27;
	v17 =	vld [tilespmem:s5+$0x8B00];
	[tilespmem:$0x1FF60] =	vst v10  }
0x75: {  	s25 =	simm.s32 $0x80;
	s28 =	simm.s32 $0x400;
	v11 =	vadd.f32 v30, v26;
	v10 =	vadd.f32 v29, v28;
	[tilespmem:$0x1FF30] =	vst v0;
	v0 =	vld [tilespmem:$0x8A80]  }
.LBB2_5:
0x76: {  	p0 =	sne.s32 s28, $0x3000;
	v5 =	vld [tilespmem:s25+$0x8B10];
	v3 =	vadd.f32 v13, v3  }
0x77: {  	v6 =	vld [tilespmem:s25+$0x8AA0];
	v4 =	vadd.f32 v14, v4  }
0x78: {  	v7 =	vld [tilespmem:s25+$0x8AB0];
	v1 =	vadd.f32 v15, v1  }
.Ltmp1:
0x79: {  	v13 =	vld [tilespmem:s25+$0x8AC0];
	v2 =	vadd.f32 v16, v2;
	(pc) =	sbr.rel @p0 .LBB2_5-.Ltmp1, $4  }
0x7a: {  	v14 =	vld [tilespmem:s25+$0x8AD0];
	v0 =	vadd.f32 v17, v0  }
0x7b: {  	v15 =	vld [tilespmem:s25+$0x8AE0];
	v10 =	vadd.f32 v5, v10  }
0x7c: {  	v11 =	vadd.f32 v6, v11;
	v16 =	vld [tilespmem:s25+$0x8AF0]  }
0x7d: {  	v12 =	vadd.f32 v7, v12;
	v17 =	vld [tilespmem:s25+$0x8B00];
	s25 =	sshra.s32 s28, $0x2;
	s28 =	sadd.s32 $0x200, s28  }
0x7e: {  	v18 =	vld [tilespmem:s25+$0x8B10]  }
0x7f: {  	v19 =	vld [tilespmem:s25+$0x8AA0]  }
0x80: {  	v5 =	vld [tilespmem:s21+$0x1A]  }
0x81: {  	v6 =	vld [tilespmem:s21+$0x24]  }
0x82: {  	v20 =	vld [tilespmem:s25+$0x8AB0]  }
0x83: {  	v21 =	vld [tilespmem:s25+$0x8AC0]  }
0x84: {  	v22 =	vld [tilespmem:s25+$0x8AD0]  }
0x85: {  	v23 =	vld [tilespmem:s25+$0x8AE0]  }
0x86: {  	v24 =	vld [tilespmem:s25+$0x8AF0]  }
0x87: {  	v25 =	vld [tilespmem:s25+$0x8B00]  }
0x88: {  	v26 =	vld [tilespmem:$0x9720]  }
0x89: {  	v27 =	vld [tilespmem:$0x9730]  }
0x8a: {  	v8 =	vld [tilespmem:$0x9740]  }
0x8b: {  	v9 =	vld [tilespmem:$0x9750]  }
0x8c: {  	v7 =	vld [tilespmem:$0x9770]  }
0x8d: {  	v28 =	vld [tilespmem:$0x9790];
	s18 =	simm.s32 $0x0;
	v3 =	vadd.f32 v13, v3  }
0x8e: {  	v29 =	vld [tilespmem:s18+$0x9810];
	v1 =	vadd.f32 v15, v1;
	v10 =	vadd.f32 v18, v10  }
0x8f: {  	v2 =	vadd.f32 v16, v2;
	v3 =	vadd.f32 v21, v3;
	v5 =	vld.idx.msk [tilespmem:v5+s17+$0x0], $0xffff  }
0x90: {  	v30 =	vld [tilespmem:s18+$0x97A0];
	v1 =	vadd.f32 v23, v1;
	[tilespmem:$0x1FEA0] =	vst v10  }
0x91: {  	v13 =	vld [tilespmem:s18+$0x97C0];
	v0 =	vadd.f32 v17, v0;
	v63 =	vadd.f32 v24, v2;
	[tilespmem:$0x1FED0] =	vst v3  }
0x92: {  	v4 =	vadd.f32 v14, v4;
	v14 =	vld [tilespmem:s18+$0x97D0];
	[tilespmem:$0x1FEF0] =	vst v1  }
0x93: {  	v17 =	vld [tilespmem:s18+$0x97B0];
	v0 =	vadd.f32 v25, v0;
	[tilespmem:$0x1FF00] =	vst v63  }
0x94: {  	v10 =	vadd.f32 v19, v11;
	[tilespmem:$0x1FE80] =	vst v5;
	v5 =	vld.idx.msk [tilespmem:v6+s17+$0x0], $0xffff  }
0x95: {  	v15 =	vld [tilespmem:s18+$0x97E0];
	v3 =	vadd.f32 v22, v4;
	[tilespmem:$0x1FF10] =	vst v0  }
0x96: {  	v16 =	vld [tilespmem:s18+$0x97F0];
	[tilespmem:$0x1FEB0] =	vst v10;
	v10 =	vadd.f32 v20, v12  }
0x97: {  	[tilespmem:$0x1FEE0] =	vst v3;
	v6 =	vld [tilespmem:$0x9760]  }
0x98: {  	v12 =	vadd.f32 v17, v27;
	v17 =	vld [tilespmem:s18+$0x9800];
	[tilespmem:$0x1FEC0] =	vst v10  }
0x99: {  	s25 =	simm.s32 $0x80;
	s28 =	simm.s32 $0x400;
	v11 =	vadd.f32 v30, v26;
	v10 =	vadd.f32 v29, v28;
	[tilespmem:$0x1FE90] =	vst v5;
	v5 =	vld [tilespmem:$0x9780]  }
.LBB2_7:
0x9a: {  	p0 =	sne.s32 s28, $0x3000;
	v0 =	vld [tilespmem:s25+$0x9810];
	v8 =	vadd.f32 v13, v8  }
0x9b: {  	v1 =	vld [tilespmem:s25+$0x97A0];
	v9 =	vadd.f32 v14, v9  }
0x9c: {  	v2 =	vld [tilespmem:s25+$0x97B0];
	v6 =	vadd.f32 v15, v6  }
.Ltmp2:
0x9d: {  	v13 =	vld [tilespmem:s25+$0x97C0];
	v7 =	vadd.f32 v16, v7;
	(pc) =	sbr.rel @p0 .LBB2_7-.Ltmp2, $4  }
0x9e: {  	v14 =	vld [tilespmem:s25+$0x97D0];
	v5 =	vadd.f32 v17, v5  }
0x9f: {  	v15 =	vld [tilespmem:s25+$0x97E0];
	v10 =	vadd.f32 v0, v10  }
0xa0: {  	v11 =	vadd.f32 v1, v11;
	v16 =	vld [tilespmem:s25+$0x97F0]  }
0xa1: {  	v12 =	vadd.f32 v2, v12;
	v17 =	vld [tilespmem:s25+$0x9800];
	s25 =	sshra.s32 s28, $0x2;
	s28 =	sadd.s32 $0x200, s28  }
0xa2: {  	v18 =	vld [tilespmem:s25+$0x9810]  }
0xa3: {  	v19 =	vld [tilespmem:s25+$0x97A0]  }
0xa4: {  	v0 =	vld [tilespmem:s21+$0x34]  }
0xa5: {  	v1 =	vld [tilespmem:s21+$0x3E]  }
0xa6: {  	v20 =	vld [tilespmem:s25+$0x97B0]  }
0xa7: {  	v21 =	vld [tilespmem:s25+$0x97C0]  }
0xa8: {  	v22 =	vld [tilespmem:s25+$0x97D0]  }
0xa9: {  	v23 =	vld [tilespmem:s25+$0x97E0]  }
0xaa: {  	v24 =	vld [tilespmem:s25+$0x97F0]  }
0xab: {  	v25 =	vld [tilespmem:s25+$0x9800]  }
0xac: {  	v26 =	vld [tilespmem:$0xA420]  }
0xad: {  	v27 =	vld [tilespmem:$0xA430]  }
0xae: {  	v3 =	vld [tilespmem:$0xA440]  }
0xaf: {  	v4 =	vld [tilespmem:$0xA450]  }
0xb0: {  	v2 =	vld [tilespmem:$0xA470]  }
0xb1: {  	v28 =	vld [tilespmem:$0xA490];
	s18 =	simm.s32 $0x0;
	v8 =	vadd.f32 v13, v8  }
0xb2: {  	v29 =	vld [tilespmem:s18+$0xA510];
	v6 =	vadd.f32 v15, v6;
	v10 =	vadd.f32 v18, v10  }
0xb3: {  	v5 =	vadd.f32 v17, v5;
	v8 =	vadd.f32 v21, v8;
	v0 =	vld.idx.msk [tilespmem:v0+s17+$0x0], $0xffff  }
0xb4: {  	v30 =	vld [tilespmem:s18+$0xA4A0];
	v6 =	vadd.f32 v23, v6;
	[tilespmem:$0x1FE00] =	vst v10  }
0xb5: {  	v13 =	vld [tilespmem:s18+$0xA4C0];
	v5 =	vadd.f32 v25, v5;
	[tilespmem:$0x1FE30] =	vst v8  }
0xb6: {  	v9 =	vadd.f32 v14, v9;
	v14 =	vld [tilespmem:s18+$0xA4D0];
	[tilespmem:$0x1FE50] =	vst v6  }
0xb7: {  	v7 =	vadd.f32 v16, v7;
	v17 =	vld [tilespmem:s18+$0xA4B0];
	v10 =	vadd.f32 v19, v11;
	[tilespmem:$0x1FE70] =	vst v5  }
0xb8: {  	v8 =	vadd.f32 v22, v9;
	[tilespmem:$0x1FDE0] =	vst v0;
	v0 =	vld.idx.msk [tilespmem:v1+s17+$0x0], $0xffff  }
0xb9: {  	v15 =	vld [tilespmem:s18+$0xA4E0];
	v6 =	vadd.f32 v24, v7;
	[tilespmem:$0x1FE10] =	vst v10  }
0xba: {  	v16 =	vld [tilespmem:s18+$0xA4F0];
	v10 =	vadd.f32 v20, v12;
	[tilespmem:$0x1FE40] =	vst v8  }
0xbb: {  	[tilespmem:$0x1FE60] =	vst v6;
	v1 =	vld [tilespmem:$0xA460]  }
0xbc: {  	v12 =	vadd.f32 v17, v27;
	v17 =	vld [tilespmem:s18+$0xA500];
	[tilespmem:$0x1FE20] =	vst v10  }
0xbd: {  	s28 =	simm.s32 $0x80;
	s25 =	simm.s32 $0x400;
	v11 =	vadd.f32 v30, v26;
	v10 =	vadd.f32 v29, v28;
	[tilespmem:$0x1FDF0] =	vst v0;
	v0 =	vld [tilespmem:$0xA480]  }
.LBB2_9:
0xbe: {  	p0 =	sne.s32 s25, $0x3000;
	v5 =	vld [tilespmem:s28+$0xA510];
	v3 =	vadd.f32 v13, v3  }
0xbf: {  	v6 =	vld [tilespmem:s28+$0xA4A0];
	v4 =	vadd.f32 v14, v4  }
0xc0: {  	v7 =	vld [tilespmem:s28+$0xA4B0];
	v1 =	vadd.f32 v15, v1  }
.Ltmp3:
0xc1: {  	v13 =	vld [tilespmem:s28+$0xA4C0];
	v2 =	vadd.f32 v16, v2;
	(pc) =	sbr.rel @p0 .LBB2_9-.Ltmp3, $4  }
0xc2: {  	v14 =	vld [tilespmem:s28+$0xA4D0];
	v0 =	vadd.f32 v17, v0  }
0xc3: {  	v15 =	vld [tilespmem:s28+$0xA4E0];
	v10 =	vadd.f32 v5, v10  }
0xc4: {  	v11 =	vadd.f32 v6, v11;
	v16 =	vld [tilespmem:s28+$0xA4F0]  }
0xc5: {  	v12 =	vadd.f32 v7, v12;
	v17 =	vld [tilespmem:s28+$0xA500];
	s28 =	sshra.s32 s25, $0x2;
	s25 =	sadd.s32 $0x200, s25  }
0xc6: {  	v5 =	vld [tilespmem:s21+$0x4E];
	_ =	sdelay $0x4  }
0xc7: {  	v6 =	vld [tilespmem:s21+$0x58];
	_ =	sdelay $0x2  }
0xc8: {  	v5 =	vld.idx.msk [tilespmem:v5+s17+$0x0], $0xffff  }
0xc9: {  	v18 =	vld [tilespmem:s28+$0xA510]  }
0xca: {  	v19 =	vld [tilespmem:s28+$0xA4A0]  }
0xcb: {  	v20 =	vld [tilespmem:s28+$0xA4B0];
	s25 =	sshll.u32 s20, $0x2  }
0xcc: {  	v21 =	vld [tilespmem:s28+$0xA4C0];
	s18 =	smin.u32 s25, $0x7B  }
0xcd: {  	s18 =	smul.u32 $0x1A0, s18;
	[tilespmem:$0x1FD40] =	vst v5;
	v5 =	vld.idx.msk [tilespmem:v6+s17+$0x0], $0xffff  }
0xce: {  	v22 =	vld [tilespmem:s28+$0xA4D0]  }
0xcf: {  	v23 =	vld [tilespmem:s28+$0xA4E0];
	s18 =	sshrl.u32 s18, $0x2  }
0xd0: {  	v24 =	vld [tilespmem:s28+$0xA4F0];
	s18 =	sadd.s32 $0x1A0, s18  }
0xd1: {  	v25 =	vld [tilespmem:s28+$0xA500];
	[tilespmem:s23], [sflag:$0x1] =	stream.indirect.gather [spmem:s2], $0x80, s18, s22, $0xb8  }
0xd2: {  	[tilespmem:$0x1FD50] =	vst v5  }
0xd3: {  	_ =	swait.ge [sflag:s31], $0x3400  }
0xd4: {  	[sflag:s31] =	ssyncset.done $0x0  }
0xd5: {  	[sflag:s31] =	ssyncadd.s32 $0xFFFFCC00  }
0xd6: {  	v26 =	vld [tilespmem:$0xB120]  }
0xd7: {  	v27 =	vld [tilespmem:$0xB130]  }
0xd8: {  	v8 =	vld [tilespmem:$0xB140]  }
0xd9: {  	v9 =	vld [tilespmem:$0xB150]  }
0xda: {  	v6 =	vld [tilespmem:$0xB160]  }
0xdb: {  	v3 =	vadd.f32 v13, v3;
	v7 =	vld [tilespmem:$0xB170]  }
0xdc: {  	v1 =	vadd.f32 v15, v1;
	v10 =	vadd.f32 v18, v10;
	v5 =	vld [tilespmem:$0xB180]  }
0xdd: {  	s5 =	simm.s32 $0xF0;
	v2 =	vadd.f32 v16, v2;
	v3 =	vadd.f32 v21, v3;
	v28 =	vld [tilespmem:$0xB190]  }
0xde: {  	v1 =	vadd.f32 v23, v1;
	[tilespmem:$0x1FD60] =	vst v10;
	v29 =	vld [tilespmem:s5+$0xB120]  }
0xdf: {  	v0 =	vadd.f32 v17, v0;
	v63 =	vadd.f32 v24, v2;
	[tilespmem:$0x1FD90] =	vst v3;
	v30 =	vld [tilespmem:s5+$0xB0B0]  }
0xe0: {  	v10 =	vadd.f32 v19, v11;
	[tilespmem:$0x1FDB0] =	vst v1;
	v17 =	vld [tilespmem:s5+$0xB0C0]  }
0xe1: {  	v4 =	vadd.f32 v14, v4;
	v0 =	vadd.f32 v25, v0;
	[tilespmem:$0x1FDC0] =	vst v63;
	v13 =	vld [tilespmem:s5+$0xB0D0]  }
0xe2: {  	[tilespmem:$0x1FD70] =	vst v10;
	v10 =	vadd.f32 v20, v12;
	v14 =	vld [tilespmem:s5+$0xB0E0]  }
0xe3: {  	v3 =	vadd.f32 v22, v4;
	[tilespmem:$0x1FDD0] =	vst v0;
	v15 =	vld [tilespmem:s5+$0xB0F0]  }
0xe4: {  	v16 =	vld [tilespmem:s5+$0xB100];
	[tilespmem:$0x1FD80] =	vst v10;
	v10 =	vadd.f32 v29, v28  }
0xe5: {  	s28 =	simm.s32 $0x170;
	s18 =	simm.s32 $0x7C0;
	[tilespmem:$0x1FDA0] =	vst v3;
	v11 =	vadd.f32 v30, v26;
	v12 =	vadd.f32 v17, v27;
	v17 =	vld [tilespmem:s5+$0xB110]  }
.LBB2_11:
0xe6: {  	p0 =	sne.s32 s18, $0x33C0;
	v0 =	vld [tilespmem:s28+$0xB120];
	v8 =	vadd.f32 v13, v8  }
0xe7: {  	v1 =	vld [tilespmem:s28+$0xB0B0];
	v9 =	vadd.f32 v14, v9  }
0xe8: {  	v2 =	vld [tilespmem:s28+$0xB0C0];
	v6 =	vadd.f32 v15, v6  }
.Ltmp4:
0xe9: {  	v13 =	vld [tilespmem:s28+$0xB0D0];
	v7 =	vadd.f32 v16, v7;
	(pc) =	sbr.rel @p0 .LBB2_11-.Ltmp4, $4  }
0xea: {  	v14 =	vld [tilespmem:s28+$0xB0E0];
	v5 =	vadd.f32 v17, v5  }
0xeb: {  	v15 =	vld [tilespmem:s28+$0xB0F0];
	v10 =	vadd.f32 v0, v10  }
0xec: {  	v11 =	vadd.f32 v1, v11;
	v16 =	vld [tilespmem:s28+$0xB100]  }
0xed: {  	v12 =	vadd.f32 v2, v12;
	v17 =	vld [tilespmem:s28+$0xB110];
	s28 =	sshra.s32 s18, $0x2;
	s18 =	sadd.s32 $0x200, s18  }
0xee: {  	v18 =	vld [tilespmem:s28+$0xB120]  }
0xef: {  	v19 =	vld [tilespmem:s28+$0xB0B0]  }
0xf0: {  	v0 =	vld [tilespmem:s21+$0x68]  }
0xf1: {  	v1 =	vld [tilespmem:s21+$0x72]  }
0xf2: {  	v20 =	vld [tilespmem:s28+$0xB0C0]  }
0xf3: {  	v21 =	vld [tilespmem:s28+$0xB0D0]  }
0xf4: {  	v22 =	vld [tilespmem:s28+$0xB0E0]  }
0xf5: {  	v23 =	vld [tilespmem:s28+$0xB0F0]  }
0xf6: {  	v24 =	vld [tilespmem:s28+$0xB100]  }
0xf7: {  	v25 =	vld [tilespmem:s28+$0xB110]  }
0xf8: {  	v26 =	vld [tilespmem:$0xBE20]  }
0xf9: {  	v27 =	vld [tilespmem:$0xBE30]  }
0xfa: {  	v3 =	vld [tilespmem:$0xBE40]  }
0xfb: {  	v4 =	vld [tilespmem:$0xBE50]  }
0xfc: {  	v2 =	vld [tilespmem:$0xBE70]  }
0xfd: {  	v28 =	vld [tilespmem:$0xBE90];
	s5 =	simm.s32 $0x0;
	v8 =	vadd.f32 v13, v8  }
0xfe: {  	v29 =	vld [tilespmem:s5+$0xBF10];
	v6 =	vadd.f32 v15, v6;
	v10 =	vadd.f32 v18, v10  }
0xff: {  	v5 =	vadd.f32 v17, v5;
	v8 =	vadd.f32 v21, v8;
	v0 =	vld.idx.msk [tilespmem:v0+s17+$0x0], $0xffff  }
0x100: {  	v30 =	vld [tilespmem:s5+$0xBEA0];
	v6 =	vadd.f32 v23, v6;
	[tilespmem:$0x1FCC0] =	vst v10  }
0x101: {  	v13 =	vld [tilespmem:s5+$0xBEC0];
	v5 =	vadd.f32 v25, v5;
	[tilespmem:$0x1FCF0] =	vst v8  }
0x102: {  	v9 =	vadd.f32 v14, v9;
	v14 =	vld [tilespmem:s5+$0xBED0];
	[tilespmem:$0x1FD10] =	vst v6  }
0x103: {  	v7 =	vadd.f32 v16, v7;
	v17 =	vld [tilespmem:s5+$0xBEB0];
	v10 =	vadd.f32 v19, v11;
	[tilespmem:$0x1FD30] =	vst v5  }
0x104: {  	v8 =	vadd.f32 v22, v9;
	[tilespmem:$0x1FCA0] =	vst v0;
	v0 =	vld.idx.msk [tilespmem:v1+s17+$0x0], $0xffff  }
0x105: {  	v15 =	vld [tilespmem:s5+$0xBEE0];
	v6 =	vadd.f32 v24, v7;
	[tilespmem:$0x1FCD0] =	vst v10  }
0x106: {  	v16 =	vld [tilespmem:s5+$0xBEF0];
	v10 =	vadd.f32 v20, v12;
	[tilespmem:$0x1FD00] =	vst v8  }
0x107: {  	[tilespmem:$0x1FD20] =	vst v6;
	v1 =	vld [tilespmem:$0xBE60]  }
0x108: {  	v12 =	vadd.f32 v17, v27;
	v17 =	vld [tilespmem:s5+$0xBF00];
	[tilespmem:$0x1FCE0] =	vst v10  }
0x109: {  	s28 =	simm.s32 $0x80;
	s18 =	simm.s32 $0x400;
	v11 =	vadd.f32 v30, v26;
	v10 =	vadd.f32 v29, v28;
	[tilespmem:$0x1FCB0] =	vst v0;
	v0 =	vld [tilespmem:$0xBE80]  }
.LBB2_13:
0x10a: {  	p0 =	sne.s32 s18, $0x3000;
	v5 =	vld [tilespmem:s28+$0xBF10];
	v3 =	vadd.f32 v13, v3  }
0x10b: {  	v6 =	vld [tilespmem:s28+$0xBEA0];
	v4 =	vadd.f32 v14, v4  }
0x10c: {  	v7 =	vld [tilespmem:s28+$0xBEB0];
	v1 =	vadd.f32 v15, v1  }
.Ltmp5:
0x10d: {  	v13 =	vld [tilespmem:s28+$0xBEC0];
	v2 =	vadd.f32 v16, v2;
	(pc) =	sbr.rel @p0 .LBB2_13-.Ltmp5, $4  }
0x10e: {  	v14 =	vld [tilespmem:s28+$0xBED0];
	v0 =	vadd.f32 v17, v0  }
0x10f: {  	v15 =	vld [tilespmem:s28+$0xBEE0];
	v10 =	vadd.f32 v5, v10  }
0x110: {  	v11 =	vadd.f32 v6, v11;
	v16 =	vld [tilespmem:s28+$0xBEF0]  }
0x111: {  	v12 =	vadd.f32 v7, v12;
	v17 =	vld [tilespmem:s28+$0xBF00];
	s28 =	sshra.s32 s18, $0x2;
	s18 =	sadd.s32 $0x200, s18  }
0x112: {  	v18 =	vld [tilespmem:s28+$0xBF10]  }
0x113: {  	v19 =	vld [tilespmem:s28+$0xBEA0]  }
0x114: {  	v5 =	vld [tilespmem:s21+$0x82]  }
0x115: {  	v6 =	vld [tilespmem:s21+$0x8C]  }
0x116: {  	v20 =	vld [tilespmem:s28+$0xBEB0]  }
0x117: {  	v21 =	vld [tilespmem:s28+$0xBEC0]  }
0x118: {  	v22 =	vld [tilespmem:s28+$0xBED0]  }
0x119: {  	v23 =	vld [tilespmem:s28+$0xBEE0]  }
0x11a: {  	v24 =	vld [tilespmem:s28+$0xBEF0]  }
0x11b: {  	v25 =	vld [tilespmem:s28+$0xBF00]  }
0x11c: {  	v26 =	vld [tilespmem:$0xCB20]  }
0x11d: {  	v27 =	vld [tilespmem:$0xCB30]  }
0x11e: {  	v8 =	vld [tilespmem:$0xCB40]  }
0x11f: {  	v9 =	vld [tilespmem:$0xCB50]  }
0x120: {  	v7 =	vld [tilespmem:$0xCB70]  }
0x121: {  	v28 =	vld [tilespmem:$0xCB90];
	s5 =	simm.s32 $0x0;
	v3 =	vadd.f32 v13, v3  }
0x122: {  	v29 =	vld [tilespmem:s5+$0xCC10];
	v1 =	vadd.f32 v15, v1;
	v10 =	vadd.f32 v18, v10  }
0x123: {  	v2 =	vadd.f32 v16, v2;
	v3 =	vadd.f32 v21, v3;
	v5 =	vld.idx.msk [tilespmem:v5+s17+$0x0], $0xffff  }
0x124: {  	v30 =	vld [tilespmem:s5+$0xCBA0];
	v1 =	vadd.f32 v23, v1;
	[tilespmem:$0x1FC20] =	vst v10  }
0x125: {  	v13 =	vld [tilespmem:s5+$0xCBC0];
	v0 =	vadd.f32 v17, v0;
	v63 =	vadd.f32 v24, v2;
	[tilespmem:$0x1FC50] =	vst v3  }
0x126: {  	v4 =	vadd.f32 v14, v4;
	v14 =	vld [tilespmem:s5+$0xCBD0];
	[tilespmem:$0x1FC70] =	vst v1  }
0x127: {  	v17 =	vld [tilespmem:s5+$0xCBB0];
	v0 =	vadd.f32 v25, v0;
	[tilespmem:$0x1FC80] =	vst v63  }
0x128: {  	v10 =	vadd.f32 v19, v11;
	[tilespmem:$0x1FC00] =	vst v5;
	v5 =	vld.idx.msk [tilespmem:v6+s17+$0x0], $0xffff  }
0x129: {  	v15 =	vld [tilespmem:s5+$0xCBE0];
	v3 =	vadd.f32 v22, v4;
	[tilespmem:$0x1FC90] =	vst v0  }
0x12a: {  	v16 =	vld [tilespmem:s5+$0xCBF0];
	[tilespmem:$0x1FC30] =	vst v10;
	v10 =	vadd.f32 v20, v12  }
0x12b: {  	[tilespmem:$0x1FC60] =	vst v3;
	v6 =	vld [tilespmem:$0xCB60]  }
0x12c: {  	v12 =	vadd.f32 v17, v27;
	v17 =	vld [tilespmem:s5+$0xCC00];
	[tilespmem:$0x1FC40] =	vst v10  }
0x12d: {  	s28 =	simm.s32 $0x80;
	s18 =	simm.s32 $0x400;
	v11 =	vadd.f32 v30, v26;
	v10 =	vadd.f32 v29, v28;
	[tilespmem:$0x1FC10] =	vst v5;
	v5 =	vld [tilespmem:$0xCB80]  }
.LBB2_15:
0x12e: {  	p0 =	sne.s32 s18, $0x3000;
	v0 =	vld [tilespmem:s28+$0xCC10];
	v8 =	vadd.f32 v13, v8  }
0x12f: {  	v1 =	vld [tilespmem:s28+$0xCBA0];
	v9 =	vadd.f32 v14, v9  }
0x130: {  	v2 =	vld [tilespmem:s28+$0xCBB0];
	v6 =	vadd.f32 v15, v6  }
.Ltmp6:
0x131: {  	v13 =	vld [tilespmem:s28+$0xCBC0];
	v7 =	vadd.f32 v16, v7;
	(pc) =	sbr.rel @p0 .LBB2_15-.Ltmp6, $4  }
0x132: {  	v14 =	vld [tilespmem:s28+$0xCBD0];
	v5 =	vadd.f32 v17, v5  }
0x133: {  	v15 =	vld [tilespmem:s28+$0xCBE0];
	v10 =	vadd.f32 v0, v10  }
0x134: {  	v11 =	vadd.f32 v1, v11;
	v16 =	vld [tilespmem:s28+$0xCBF0]  }
0x135: {  	v12 =	vadd.f32 v2, v12;
	v17 =	vld [tilespmem:s28+$0xCC00];
	s28 =	sshra.s32 s18, $0x2;
	s18 =	sadd.s32 $0x200, s18  }
0x136: {  	v18 =	vld [tilespmem:s28+$0xCC10]  }
0x137: {  	v19 =	vld [tilespmem:s28+$0xCBA0]  }
0x138: {  	v0 =	vld [tilespmem:s21+$0x9C]  }
0x139: {  	v1 =	vld [tilespmem:s21+$0xA6]  }
0x13a: {  	v20 =	vld [tilespmem:s28+$0xCBB0]  }
0x13b: {  	v21 =	vld [tilespmem:s28+$0xCBC0]  }
0x13c: {  	v22 =	vld [tilespmem:s28+$0xCBD0]  }
0x13d: {  	v23 =	vld [tilespmem:s28+$0xCBE0]  }
0x13e: {  	v24 =	vld [tilespmem:s28+$0xCBF0]  }
0x13f: {  	v25 =	vld [tilespmem:s28+$0xCC00]  }
0x140: {  	v26 =	vld [tilespmem:$0xD820]  }
0x141: {  	v27 =	vld [tilespmem:$0xD830]  }
0x142: {  	v3 =	vld [tilespmem:$0xD840]  }
0x143: {  	v4 =	vld [tilespmem:$0xD850]  }
0x144: {  	v2 =	vld [tilespmem:$0xD870]  }
0x145: {  	v28 =	vld [tilespmem:$0xD890];
	s5 =	simm.s32 $0x0;
	v8 =	vadd.f32 v13, v8  }
0x146: {  	v29 =	vld [tilespmem:s5+$0xD910];
	v6 =	vadd.f32 v15, v6;
	v10 =	vadd.f32 v18, v10  }
0x147: {  	v5 =	vadd.f32 v17, v5;
	v8 =	vadd.f32 v21, v8;
	v0 =	vld.idx.msk [tilespmem:v0+s17+$0x0], $0xffff  }
0x148: {  	v30 =	vld [tilespmem:s5+$0xD8A0];
	v6 =	vadd.f32 v23, v6;
	[tilespmem:$0x1FB80] =	vst v10  }
0x149: {  	v13 =	vld [tilespmem:s5+$0xD8C0];
	v5 =	vadd.f32 v25, v5;
	[tilespmem:$0x1FBB0] =	vst v8  }
0x14a: {  	v9 =	vadd.f32 v14, v9;
	v14 =	vld [tilespmem:s5+$0xD8D0];
	[tilespmem:$0x1FBD0] =	vst v6  }
0x14b: {  	v7 =	vadd.f32 v16, v7;
	v17 =	vld [tilespmem:s5+$0xD8B0];
	v10 =	vadd.f32 v19, v11;
	[tilespmem:$0x1FBF0] =	vst v5  }
0x14c: {  	v8 =	vadd.f32 v22, v9;
	[tilespmem:$0x1FB60] =	vst v0;
	v0 =	vld.idx.msk [tilespmem:v1+s17+$0x0], $0xffff  }
0x14d: {  	v15 =	vld [tilespmem:s5+$0xD8E0];
	v6 =	vadd.f32 v24, v7;
	[tilespmem:$0x1FB90] =	vst v10  }
0x14e: {  	v16 =	vld [tilespmem:s5+$0xD8F0];
	v10 =	vadd.f32 v20, v12;
	[tilespmem:$0x1FBC0] =	vst v8  }
0x14f: {  	[tilespmem:$0x1FBE0] =	vst v6;
	v1 =	vld [tilespmem:$0xD860]  }
0x150: {  	v12 =	vadd.f32 v17, v27;
	v17 =	vld [tilespmem:s5+$0xD900];
	[tilespmem:$0x1FBA0] =	vst v10  }
0x151: {  	s28 =	simm.s32 $0x80;
	s18 =	simm.s32 $0x400;
	v11 =	vadd.f32 v30, v26;
	v10 =	vadd.f32 v29, v28;
	[tilespmem:$0x1FB70] =	vst v0;
	v0 =	vld [tilespmem:$0xD880]  }
.LBB2_17:
0x152: {  	p0 =	sne.s32 s18, $0x3000;
	v5 =	vld [tilespmem:s28+$0xD910];
	v3 =	vadd.f32 v13, v3  }
0x153: {  	v6 =	vld [tilespmem:s28+$0xD8A0];
	v4 =	vadd.f32 v14, v4  }
0x154: {  	v7 =	vld [tilespmem:s28+$0xD8B0];
	v1 =	vadd.f32 v15, v1  }
.Ltmp7:
0x155: {  	v13 =	vld [tilespmem:s28+$0xD8C0];
	v2 =	vadd.f32 v16, v2;
	(pc) =	sbr.rel @p0 .LBB2_17-.Ltmp7, $4  }
0x156: {  	v14 =	vld [tilespmem:s28+$0xD8D0];
	v0 =	vadd.f32 v17, v0  }
0x157: {  	v15 =	vld [tilespmem:s28+$0xD8E0];
	v10 =	vadd.f32 v5, v10  }
0x158: {  	v11 =	vadd.f32 v6, v11;
	v16 =	vld [tilespmem:s28+$0xD8F0]  }
0x159: {  	v12 =	vadd.f32 v7, v12;
	v17 =	vld [tilespmem:s28+$0xD900];
	s28 =	sshra.s32 s18, $0x2;
	s18 =	sadd.s32 $0x200, s18  }
0x15a: {  	v5 =	vld [tilespmem:s21+$0xB6];
	_ =	sdelay $0x4  }
0x15b: {  	v6 =	vld [tilespmem:s21+$0xC0];
	_ =	sdelay $0x2  }
0x15c: {  	v5 =	vld.idx.msk [tilespmem:v5+s17+$0x0], $0xffff  }
0x15d: {  	v18 =	vld [tilespmem:s28+$0xD910]  }
0x15e: {  	v19 =	vld [tilespmem:s28+$0xD8A0]  }
0x15f: {  	v20 =	vld [tilespmem:s28+$0xD8B0]  }
0x160: {  	v21 =	vld [tilespmem:s28+$0xD8C0];
	s5 =	smin.u32 s25, $0x7A  }
0x161: {  	s5 =	smul.u32 $0x1A0, s5;
	[tilespmem:$0x1FAC0] =	vst v5;
	v5 =	vld.idx.msk [tilespmem:v6+s17+$0x0], $0xffff  }
0x162: {  	v22 =	vld [tilespmem:s28+$0xD8D0]  }
0x163: {  	v23 =	vld [tilespmem:s28+$0xD8E0];
	s5 =	sshrl.u32 s5, $0x2  }
0x164: {  	v24 =	vld [tilespmem:s28+$0xD8F0];
	s5 =	sadd.s32 $0x208, s5  }
0x165: {  	v25 =	vld [tilespmem:s28+$0xD900];
	[tilespmem:s24], [sflag:$0x2] =	stream.indirect.gather [hbm4b:s4+s22], $0x80, s5, s22, $0xb8  }
0x166: {  	[tilespmem:$0x1FAD0] =	vst v5  }
0x167: {  	_ =	swait.ge [sflag:s0], $0x3400  }
0x168: {  	[sflag:s0] =	ssyncset.done $0x0  }
0x169: {  	[sflag:s0] =	ssyncadd.s32 $0xFFFFCC00  }
0x16a: {  	v26 =	vld [tilespmem:$0xE520]  }
0x16b: {  	v27 =	vld [tilespmem:$0xE530]  }
0x16c: {  	v8 =	vld [tilespmem:$0xE540]  }
0x16d: {  	v9 =	vld [tilespmem:$0xE550]  }
0x16e: {  	v6 =	vld [tilespmem:$0xE560]  }
0x16f: {  	v3 =	vadd.f32 v13, v3;
	v7 =	vld [tilespmem:$0xE570]  }
0x170: {  	v1 =	vadd.f32 v15, v1;
	v10 =	vadd.f32 v18, v10;
	v5 =	vld [tilespmem:$0xE580]  }
0x171: {  	v2 =	vadd.f32 v16, v2;
	v3 =	vadd.f32 v21, v3;
	s5 =	simm.s32 $0xF0;
	v28 =	vld [tilespmem:$0xE590]  }
0x172: {  	v1 =	vadd.f32 v23, v1;
	[tilespmem:$0x1FAE0] =	vst v10;
	v29 =	vld [tilespmem:s5+$0xE520]  }
0x173: {  	v0 =	vadd.f32 v17, v0;
	v63 =	vadd.f32 v24, v2;
	[tilespmem:$0x1FB10] =	vst v3;
	v30 =	vld [tilespmem:s5+$0xE4B0]  }
0x174: {  	v10 =	vadd.f32 v19, v11;
	[tilespmem:$0x1FB30] =	vst v1;
	v17 =	vld [tilespmem:s5+$0xE4C0]  }
0x175: {  	v4 =	vadd.f32 v14, v4;
	v0 =	vadd.f32 v25, v0;
	[tilespmem:$0x1FB40] =	vst v63;
	v13 =	vld [tilespmem:s5+$0xE4D0]  }
0x176: {  	[tilespmem:$0x1FAF0] =	vst v10;
	v10 =	vadd.f32 v20, v12;
	v14 =	vld [tilespmem:s5+$0xE4E0]  }
0x177: {  	v3 =	vadd.f32 v22, v4;
	[tilespmem:$0x1FB50] =	vst v0;
	v15 =	vld [tilespmem:s5+$0xE4F0]  }
0x178: {  	v16 =	vld [tilespmem:s5+$0xE500];
	[tilespmem:$0x1FB00] =	vst v10;
	v10 =	vadd.f32 v29, v28  }
0x179: {  	s28 =	simm.s32 $0x170;
	s18 =	simm.s32 $0x7C0;
	[tilespmem:$0x1FB20] =	vst v3;
	v11 =	vadd.f32 v30, v26;
	v12 =	vadd.f32 v17, v27;
	v17 =	vld [tilespmem:s5+$0xE510]  }
.LBB2_19:
0x17a: {  	p0 =	sne.s32 s18, $0x33C0;
	v0 =	vld [tilespmem:s28+$0xE520];
	v8 =	vadd.f32 v13, v8  }
0x17b: {  	v1 =	vld [tilespmem:s28+$0xE4B0];
	v9 =	vadd.f32 v14, v9  }
0x17c: {  	v2 =	vld [tilespmem:s28+$0xE4C0];
	v6 =	vadd.f32 v15, v6  }
.Ltmp8:
0x17d: {  	v13 =	vld [tilespmem:s28+$0xE4D0];
	v7 =	vadd.f32 v16, v7;
	(pc) =	sbr.rel @p0 .LBB2_19-.Ltmp8, $4  }
0x17e: {  	v14 =	vld [tilespmem:s28+$0xE4E0];
	v5 =	vadd.f32 v17, v5  }
0x17f: {  	v15 =	vld [tilespmem:s28+$0xE4F0];
	v10 =	vadd.f32 v0, v10  }
0x180: {  	v11 =	vadd.f32 v1, v11;
	v16 =	vld [tilespmem:s28+$0xE500]  }
0x181: {  	v12 =	vadd.f32 v2, v12;
	v17 =	vld [tilespmem:s28+$0xE510];
	s28 =	sshra.s32 s18, $0x2;
	s18 =	sadd.s32 $0x200, s18  }
0x182: {  	v18 =	vld [tilespmem:s28+$0xE520]  }
0x183: {  	v19 =	vld [tilespmem:s28+$0xE4B0]  }
0x184: {  	v0 =	vld [tilespmem:s21+$0xD0]  }
0x185: {  	v1 =	vld [tilespmem:s21+$0xDA]  }
0x186: {  	v20 =	vld [tilespmem:s28+$0xE4C0]  }
0x187: {  	v21 =	vld [tilespmem:s28+$0xE4D0]  }
0x188: {  	v22 =	vld [tilespmem:s28+$0xE4E0]  }
0x189: {  	v23 =	vld [tilespmem:s28+$0xE4F0]  }
0x18a: {  	v24 =	vld [tilespmem:s28+$0xE500]  }
0x18b: {  	v25 =	vld [tilespmem:s28+$0xE510]  }
0x18c: {  	v26 =	vld [tilespmem:$0xF220]  }
0x18d: {  	v27 =	vld [tilespmem:$0xF230]  }
0x18e: {  	v3 =	vld [tilespmem:$0xF240]  }
0x18f: {  	v4 =	vld [tilespmem:$0xF250]  }
0x190: {  	v2 =	vld [tilespmem:$0xF270]  }
0x191: {  	v28 =	vld [tilespmem:$0xF290];
	s5 =	simm.s32 $0x0;
	v8 =	vadd.f32 v13, v8  }
0x192: {  	v29 =	vld [tilespmem:s5+$0xF310];
	v6 =	vadd.f32 v15, v6;
	v10 =	vadd.f32 v18, v10  }
0x193: {  	v5 =	vadd.f32 v17, v5;
	v8 =	vadd.f32 v21, v8;
	v0 =	vld.idx.msk [tilespmem:v0+s17+$0x0], $0xffff  }
0x194: {  	v30 =	vld [tilespmem:s5+$0xF2A0];
	v6 =	vadd.f32 v23, v6;
	[tilespmem:$0x1FA40] =	vst v10  }
0x195: {  	v13 =	vld [tilespmem:s5+$0xF2C0];
	v5 =	vadd.f32 v25, v5;
	[tilespmem:$0x1FA70] =	vst v8  }
0x196: {  	v9 =	vadd.f32 v14, v9;
	v14 =	vld [tilespmem:s5+$0xF2D0];
	[tilespmem:$0x1FA90] =	vst v6  }
0x197: {  	v7 =	vadd.f32 v16, v7;
	v17 =	vld [tilespmem:s5+$0xF2B0];
	v10 =	vadd.f32 v19, v11;
	[tilespmem:$0x1FAB0] =	vst v5  }
0x198: {  	v8 =	vadd.f32 v22, v9;
	[tilespmem:$0x1FA20] =	vst v0;
	v0 =	vld.idx.msk [tilespmem:v1+s17+$0x0], $0xffff  }
0x199: {  	v15 =	vld [tilespmem:s5+$0xF2E0];
	v6 =	vadd.f32 v24, v7;
	[tilespmem:$0x1FA50] =	vst v10  }
0x19a: {  	v16 =	vld [tilespmem:s5+$0xF2F0];
	v10 =	vadd.f32 v20, v12;
	[tilespmem:$0x1FA80] =	vst v8  }
0x19b: {  	[tilespmem:$0x1FAA0] =	vst v6;
	v1 =	vld [tilespmem:$0xF260]  }
0x19c: {  	v12 =	vadd.f32 v17, v27;
	v17 =	vld [tilespmem:s5+$0xF300];
	[tilespmem:$0x1FA60] =	vst v10  }
0x19d: {  	s28 =	simm.s32 $0x80;
	s18 =	simm.s32 $0x400;
	v11 =	vadd.f32 v30, v26;
	v10 =	vadd.f32 v29, v28;
	[tilespmem:$0x1FA30] =	vst v0;
	v0 =	vld [tilespmem:$0xF280]  }
.LBB2_21:
0x19e: {  	p0 =	sne.s32 s18, $0x3000;
	v5 =	vld [tilespmem:s28+$0xF310];
	v3 =	vadd.f32 v13, v3  }
0x19f: {  	v6 =	vld [tilespmem:s28+$0xF2A0];
	v4 =	vadd.f32 v14, v4  }
0x1a0: {  	v7 =	vld [tilespmem:s28+$0xF2B0];
	v1 =	vadd.f32 v15, v1  }
.Ltmp9:
0x1a1: {  	v13 =	vld [tilespmem:s28+$0xF2C0];
	v2 =	vadd.f32 v16, v2;
	(pc) =	sbr.rel @p0 .LBB2_21-.Ltmp9, $4  }
0x1a2: {  	v14 =	vld [tilespmem:s28+$0xF2D0];
	v0 =	vadd.f32 v17, v0  }
0x1a3: {  	v15 =	vld [tilespmem:s28+$0xF2E0];
	v10 =	vadd.f32 v5, v10  }
0x1a4: {  	v11 =	vadd.f32 v6, v11;
	v16 =	vld [tilespmem:s28+$0xF2F0]  }
0x1a5: {  	v12 =	vadd.f32 v7, v12;
	v17 =	vld [tilespmem:s28+$0xF300];
	s28 =	sshra.s32 s18, $0x2;
	s18 =	sadd.s32 $0x200, s18  }
0x1a6: {  	v18 =	vld [tilespmem:s28+$0xF310]  }
0x1a7: {  	v19 =	vld [tilespmem:s28+$0xF2A0]  }
0x1a8: {  	v5 =	vld [tilespmem:s21+$0xEA]  }
0x1a9: {  	v6 =	vld [tilespmem:s21+$0xF4]  }
0x1aa: {  	v20 =	vld [tilespmem:s28+$0xF2B0]  }
0x1ab: {  	v21 =	vld [tilespmem:s28+$0xF2C0]  }
0x1ac: {  	v22 =	vld [tilespmem:s28+$0xF2D0]  }
0x1ad: {  	v23 =	vld [tilespmem:s28+$0xF2E0]  }
0x1ae: {  	v24 =	vld [tilespmem:s28+$0xF2F0]  }
0x1af: {  	v25 =	vld [tilespmem:s28+$0xF300]  }
0x1b0: {  	v26 =	vld [tilespmem:$0xFF20]  }
0x1b1: {  	v27 =	vld [tilespmem:$0xFF30]  }
0x1b2: {  	v8 =	vld [tilespmem:$0xFF40]  }
0x1b3: {  	v9 =	vld [tilespmem:$0xFF50]  }
0x1b4: {  	v7 =	vld [tilespmem:$0xFF70]  }
0x1b5: {  	v28 =	vld [tilespmem:$0xFF90];
	s5 =	simm.s32 $0x0;
	v3 =	vadd.f32 v13, v3  }
0x1b6: {  	v29 =	vld [tilespmem:s5+$0x10010];
	v1 =	vadd.f32 v15, v1;
	v10 =	vadd.f32 v18, v10  }
0x1b7: {  	v2 =	vadd.f32 v16, v2;
	v3 =	vadd.f32 v21, v3;
	v5 =	vld.idx.msk [tilespmem:v5+s17+$0x0], $0xffff  }
0x1b8: {  	v30 =	vld [tilespmem:s5+$0xFFA0];
	v1 =	vadd.f32 v23, v1;
	[tilespmem:$0x1F9A0] =	vst v10  }
0x1b9: {  	v13 =	vld [tilespmem:s5+$0xFFC0];
	v0 =	vadd.f32 v17, v0;
	v63 =	vadd.f32 v24, v2;
	[tilespmem:$0x1F9D0] =	vst v3  }
0x1ba: {  	v4 =	vadd.f32 v14, v4;
	v14 =	vld [tilespmem:s5+$0xFFD0];
	[tilespmem:$0x1F9F0] =	vst v1  }
0x1bb: {  	v17 =	vld [tilespmem:s5+$0xFFB0];
	v0 =	vadd.f32 v25, v0;
	[tilespmem:$0x1FA00] =	vst v63  }
0x1bc: {  	v10 =	vadd.f32 v19, v11;
	[tilespmem:$0x1F980] =	vst v5;
	v5 =	vld.idx.msk [tilespmem:v6+s17+$0x0], $0xffff  }
0x1bd: {  	v15 =	vld [tilespmem:s5+$0xFFE0];
	v3 =	vadd.f32 v22, v4;
	[tilespmem:$0x1FA10] =	vst v0  }
0x1be: {  	v16 =	vld [tilespmem:s5+$0xFFF0];
	[tilespmem:$0x1F9B0] =	vst v10;
	v10 =	vadd.f32 v20, v12  }
0x1bf: {  	[tilespmem:$0x1F9E0] =	vst v3;
	v6 =	vld [tilespmem:$0xFF60]  }
0x1c0: {  	v12 =	vadd.f32 v17, v27;
	v17 =	vld [tilespmem:s5+$0x10000];
	[tilespmem:$0x1F9C0] =	vst v10  }
0x1c1: {  	s28 =	simm.s32 $0x80;
	s18 =	simm.s32 $0x400;
	v11 =	vadd.f32 v30, v26;
	v10 =	vadd.f32 v29, v28;
	[tilespmem:$0x1F990] =	vst v5;
	v5 =	vld [tilespmem:$0xFF80]  }
.LBB2_23:
0x1c2: {  	p0 =	sne.s32 s18, $0x3000;
	v0 =	vld [tilespmem:s28+$0x10010];
	v8 =	vadd.f32 v13, v8  }
0x1c3: {  	v1 =	vld [tilespmem:s28+$0xFFA0];
	v9 =	vadd.f32 v14, v9  }
0x1c4: {  	v2 =	vld [tilespmem:s28+$0xFFB0];
	v6 =	vadd.f32 v15, v6  }
.Ltmp10:
0x1c5: {  	v13 =	vld [tilespmem:s28+$0xFFC0];
	v7 =	vadd.f32 v16, v7;
	(pc) =	sbr.rel @p0 .LBB2_23-.Ltmp10, $4  }
0x1c6: {  	v14 =	vld [tilespmem:s28+$0xFFD0];
	v5 =	vadd.f32 v17, v5  }
0x1c7: {  	v15 =	vld [tilespmem:s28+$0xFFE0];
	v10 =	vadd.f32 v0, v10  }
0x1c8: {  	v11 =	vadd.f32 v1, v11;
	v16 =	vld [tilespmem:s28+$0xFFF0]  }
0x1c9: {  	v12 =	vadd.f32 v2, v12;
	v17 =	vld [tilespmem:s28+$0x10000];
	s28 =	sshra.s32 s18, $0x2;
	s18 =	sadd.s32 $0x200, s18  }
0x1ca: {  	v18 =	vld [tilespmem:s28+$0x10010]  }
0x1cb: {  	v19 =	vld [tilespmem:s28+$0xFFA0]  }
0x1cc: {  	v0 =	vld [tilespmem:s21+$0x104]  }
0x1cd: {  	v1 =	vld [tilespmem:s21+$0x10E]  }
0x1ce: {  	v20 =	vld [tilespmem:s28+$0xFFB0]  }
0x1cf: {  	v21 =	vld [tilespmem:s28+$0xFFC0]  }
0x1d0: {  	v22 =	vld [tilespmem:s28+$0xFFD0]  }
0x1d1: {  	v23 =	vld [tilespmem:s28+$0xFFE0]  }
0x1d2: {  	v24 =	vld [tilespmem:s28+$0xFFF0]  }
0x1d3: {  	v25 =	vld [tilespmem:s28+$0x10000]  }
0x1d4: {  	v26 =	vld [tilespmem:$0x10C20]  }
0x1d5: {  	v27 =	vld [tilespmem:$0x10C30]  }
0x1d6: {  	v3 =	vld [tilespmem:$0x10C40]  }
0x1d7: {  	v4 =	vld [tilespmem:$0x10C50]  }
0x1d8: {  	v2 =	vld [tilespmem:$0x10C70]  }
0x1d9: {  	v28 =	vld [tilespmem:$0x10C90];
	s5 =	simm.s32 $0x0  }
0x1da: {  	v29 =	vld [tilespmem:s5+$0x10D10]  }
0x1db: {  	v0 =	vld.idx.msk [tilespmem:v0+s17+$0x0], $0xffff  }
0x1dc: {  	v30 =	vld [tilespmem:s5+$0x10CA0]  }
0x1dd: {  	v8 =	vadd.f32 v13, v8;
	v13 =	vld [tilespmem:s5+$0x10CC0];
	v10 =	vadd.f32 v18, v10  }
0x1de: {  	v9 =	vadd.f32 v14, v9;
	v14 =	vld [tilespmem:s5+$0x10CD0];
	v6 =	vadd.f32 v15, v6  }
0x1df: {  	v5 =	vadd.f32 v17, v5;
	[tilespmem:$0x1F940] =	vst v10;
	v10 =	vld [tilespmem:s5+$0x10CB0]  }
0x1e0: {  	v7 =	vadd.f32 v16, v7;
	v6 =	vadd.f32 v23, v6;
	[tilespmem:$0x1F920] =	vst v0;
	v0 =	vld.idx.msk [tilespmem:v1+s17+$0x0], $0xffff  }
0x1e1: {  	v15 =	vld [tilespmem:s5+$0x10CE0];
	v5 =	vadd.f32 v25, v5  }
0x1e2: {  	v16 =	vld [tilespmem:s5+$0x10CF0];
	v50 =	vadd.f32 v19, v11;
	[tilespmem:$0x1F950] =	vst v6;
	v6 =	vadd.f32 v24, v7  }
0x1e3: {  	v51 =	vadd.f32 v20, v12;
	v49 =	vadd.f32 v21, v8;
	[tilespmem:$0x1F970] =	vst v5;
	v1 =	vld [tilespmem:$0x10C60]  }
0x1e4: {  	v17 =	vld [tilespmem:s5+$0x10D00];
	v48 =	vadd.f32 v22, v9;
	v8 =	vadd.f32 v29, v28;
	[tilespmem:$0x1F960] =	vst v6  }
0x1e5: {  	s28 =	simm.s32 $0x80;
	s18 =	simm.s32 $0x400;
	v9 =	vadd.f32 v30, v26;
	v10 =	vadd.f32 v10, v27;
	[tilespmem:$0x1F930] =	vst v0;
	v0 =	vld [tilespmem:$0x10C80]  }
.LBB2_25:
0x1e6: {  	p0 =	sne.s32 s18, $0x3000;
	v5 =	vld [tilespmem:s28+$0x10D10];
	v3 =	vadd.f32 v13, v3  }
0x1e7: {  	v6 =	vld [tilespmem:s28+$0x10CA0];
	v4 =	vadd.f32 v14, v4  }
0x1e8: {  	v7 =	vld [tilespmem:s28+$0x10CB0];
	v1 =	vadd.f32 v15, v1  }
.Ltmp11:
0x1e9: {  	v13 =	vld [tilespmem:s28+$0x10CC0];
	v2 =	vadd.f32 v16, v2;
	(pc) =	sbr.rel @p0 .LBB2_25-.Ltmp11, $4  }
0x1ea: {  	v14 =	vld [tilespmem:s28+$0x10CD0];
	v0 =	vadd.f32 v17, v0  }
0x1eb: {  	v15 =	vld [tilespmem:s28+$0x10CE0];
	v8 =	vadd.f32 v5, v8  }
0x1ec: {  	v9 =	vadd.f32 v6, v9;
	v16 =	vld [tilespmem:s28+$0x10CF0]  }
0x1ed: {  	v10 =	vadd.f32 v7, v10;
	v17 =	vld [tilespmem:s28+$0x10D00];
	s28 =	sshra.s32 s18, $0x2;
	s18 =	sadd.s32 $0x200, s18  }
0x1ee: {  	v5 =	vld [tilespmem:s21+$0x11E];
	_ =	sdelay $0x4  }
0x1ef: {  	v6 =	vld [tilespmem:s21+$0x128];
	_ =	sdelay $0x2  }
0x1f0: {  	v5 =	vld.idx.msk [tilespmem:v5+s17+$0x0], $0xffff  }
0x1f1: {  	v18 =	vld [tilespmem:s28+$0x10D10]  }
0x1f2: {  	v19 =	vld [tilespmem:s28+$0x10CA0]  }
0x1f3: {  	v20 =	vld [tilespmem:s28+$0x10CB0]  }
0x1f4: {  	v21 =	vld [tilespmem:s28+$0x10CC0];
	s5 =	smin.u32 s25, $0x79  }
0x1f5: {  	s5 =	smul.u32 $0x1A0, s5;
	[tilespmem:$0x1F900] =	vst v5;
	v5 =	vld.idx.msk [tilespmem:v6+s17+$0x0], $0xffff  }
0x1f6: {  	v22 =	vld [tilespmem:s28+$0x10CD0]  }
0x1f7: {  	v23 =	vld [tilespmem:s28+$0x10CE0];
	s5 =	sshrl.u32 s5, $0x2  }
0x1f8: {  	v24 =	vld [tilespmem:s28+$0x10CF0];
	s5 =	sadd.s32 $0x270, s5  }
0x1f9: {  	v25 =	vld [tilespmem:s28+$0x10D00];
	[tilespmem:s26], [sflag:$0x3] =	stream.indirect.gather [spmem:s2], $0x80, s5, s22, $0xb8  }
0x1fa: {  	[tilespmem:$0x1F910] =	vst v5  }
0x1fb: {  	_ =	swait.ge [sflag:s1], $0x3400  }
0x1fc: {  	[sflag:s1] =	ssyncset.done $0x0  }
0x1fd: {  	[sflag:s1] =	ssyncadd.s32 $0xFFFFCC00  }
0x1fe: {  	v26 =	vld [tilespmem:$0x11920]  }
0x1ff: {  	v27 =	vld [tilespmem:$0x11930]  }
0x200: {  	v11 =	vld [tilespmem:$0x11940]  }
0x201: {  	v12 =	vld [tilespmem:$0x11950]  }
0x202: {  	v6 =	vld [tilespmem:$0x11960]  }
0x203: {  	v7 =	vld [tilespmem:$0x11970]  }
0x204: {  	v5 =	vld [tilespmem:$0x11980]  }
0x205: {  	s5 =	simm.s32 $0xF0;
	v28 =	vld [tilespmem:$0x11990]  }
0x206: {  	v13 =	vadd.f32 v13, v3;
	v4 =	vadd.f32 v14, v4;
	v14 =	vld [tilespmem:s5+$0x11920]  }
0x207: {  	v1 =	vadd.f32 v15, v1;
	v2 =	vadd.f32 v16, v2;
	v29 =	vld [tilespmem:s5+$0x118B0]  }
0x208: {  	v0 =	vadd.f32 v17, v0;
	v52 =	vadd.f32 v18, v8;
	v8 =	vld [tilespmem:s5+$0x118C0]  }
0x209: {  	v60 =	vadd.f32 v19, v9;
	v61 =	vadd.f32 v20, v10;
	v3 =	vld [tilespmem:s5+$0x118D0]  }
0x20a: {  	v59 =	vadd.f32 v21, v13;
	v58 =	vadd.f32 v22, v4;
	v4 =	vld [tilespmem:s5+$0x118E0]  }
0x20b: {  	v57 =	vadd.f32 v23, v1;
	v56 =	vadd.f32 v24, v2;
	v15 =	vld [tilespmem:s5+$0x118F0]  }
0x20c: {  	v54 =	vadd.f32 v25, v0;
	v16 =	vld [tilespmem:s5+$0x11900];
	v0 =	vadd.f32 v14, v28  }
0x20d: {  	s28 =	simm.s32 $0x170;
	s18 =	simm.s32 $0x7C0;
	v17 =	vld [tilespmem:s5+$0x11910];
	v1 =	vadd.f32 v29, v26;
	v2 =	vadd.f32 v8, v27  }
.LBB2_27:
0x20e: {  	p0 =	sne.s32 s18, $0x33C0;
	v8 =	vld [tilespmem:s28+$0x11920];
	v11 =	vadd.f32 v3, v11  }
0x20f: {  	v9 =	vld [tilespmem:s28+$0x118B0];
	v12 =	vadd.f32 v4, v12  }
0x210: {  	v10 =	vld [tilespmem:s28+$0x118C0];
	v6 =	vadd.f32 v15, v6  }
.Ltmp12:
0x211: {  	v3 =	vld [tilespmem:s28+$0x118D0];
	v7 =	vadd.f32 v16, v7;
	(pc) =	sbr.rel @p0 .LBB2_27-.Ltmp12, $4  }
0x212: {  	v4 =	vld [tilespmem:s28+$0x118E0];
	v5 =	vadd.f32 v17, v5  }
0x213: {  	v15 =	vld [tilespmem:s28+$0x118F0];
	v0 =	vadd.f32 v8, v0  }
0x214: {  	v1 =	vadd.f32 v9, v1;
	v16 =	vld [tilespmem:s28+$0x11900]  }
0x215: {  	v2 =	vadd.f32 v10, v2;
	v17 =	vld [tilespmem:s28+$0x11910];
	s28 =	sshra.s32 s18, $0x2;
	s18 =	sadd.s32 $0x200, s18  }
0x216: {  	v18 =	vld [tilespmem:s28+$0x11920]  }
0x217: {  	v19 =	vld [tilespmem:s28+$0x118B0]  }
0x218: {  	v8 =	vld [tilespmem:s21+$0x138]  }
0x219: {  	v9 =	vld [tilespmem:s21+$0x142]  }
0x21a: {  	v20 =	vld [tilespmem:s28+$0x118C0]  }
0x21b: {  	v21 =	vld [tilespmem:s28+$0x118D0]  }
0x21c: {  	v22 =	vld [tilespmem:s28+$0x118E0]  }
0x21d: {  	v23 =	vld [tilespmem:s28+$0x118F0]  }
0x21e: {  	v24 =	vld [tilespmem:s28+$0x11900]  }
0x21f: {  	v25 =	vld [tilespmem:s28+$0x11910]  }
0x220: {  	v26 =	vld [tilespmem:$0x12620]  }
0x221: {  	v27 =	vld [tilespmem:$0x12630]  }
0x222: {  	v13 =	vld [tilespmem:$0x12640]  }
0x223: {  	v14 =	vld [tilespmem:$0x12650]  }
0x224: {  	v10 =	vld [tilespmem:$0x12670]  }
0x225: {  	v28 =	vld [tilespmem:$0x12690];
	s5 =	simm.s32 $0x0  }
0x226: {  	v3 =	vadd.f32 v3, v11;
	v11 =	vld [tilespmem:s5+$0x12710]  }
0x227: {  	v4 =	vadd.f32 v4, v12;
	v30 =	vld [tilespmem:s5+$0x126B0]  }
0x228: {  	v12 =	vadd.f32 v15, v6;
	v15 =	vadd.f32 v16, v7;
	v16 =	vld [tilespmem:s5+$0x126A0]  }
0x229: {  	v29 =	vadd.f32 v17, v5;
	v17 =	vld [tilespmem:s5+$0x126C0]  }
0x22a: {  	v62 =	vadd.f32 v18, v0;
	v18 =	vld [tilespmem:s5+$0x126D0]  }
0x22b: {  	v7 =	vadd.f32 v20, v2;
	v2 =	vadd.f32 v23, v12;
	v23 =	vld [tilespmem:s5+$0x126E0]  }
0x22c: {  	v0 =	vadd.f32 v24, v15;
	v24 =	vld [tilespmem:s5+$0x126F0]  }
0x22d: {  	v63 =	vadd.f32 v25, v29;
	v25 =	vld [tilespmem:s5+$0x12700]  }
0x22e: {  	v55 =	vld.idx.msk [tilespmem:v9+s17+$0x0], $0xffff  }
0x22f: {  	v6 =	vadd.f32 v19, v1;
	v5 =	vadd.f32 v21, v3;
	v9 =	vld [tilespmem:$0x12660]  }
0x230: {  	v4 =	vadd.f32 v22, v4;
	v11 =	vadd.f32 v11, v28;
	v53 =	vld.idx.msk [tilespmem:v8+s17+$0x0], $0xffff  }
0x231: {  	s28 =	simm.s32 $0x80;
	s18 =	simm.s32 $0x400;
	v15 =	vadd.f32 v30, v27;
	v8 =	vld [tilespmem:$0x12680];
	v12 =	vadd.f32 v16, v26  }
.LBB2_29:
0x232: {  	p0 =	sne.s32 s18, $0x3000;
	v1 =	vld [tilespmem:s28+$0x12710];
	v13 =	vadd.f32 v17, v13  }
0x233: {  	v3 =	vld [tilespmem:s28+$0x126A0];
	v14 =	vadd.f32 v18, v14  }
0x234: {  	v16 =	vld [tilespmem:s28+$0x126B0];
	v9 =	vadd.f32 v23, v9  }
.Ltmp13:
0x235: {  	v17 =	vld [tilespmem:s28+$0x126C0];
	v10 =	vadd.f32 v24, v10;
	(pc) =	sbr.rel @p0 .LBB2_29-.Ltmp13, $4  }
0x236: {  	v18 =	vld [tilespmem:s28+$0x126D0];
	v8 =	vadd.f32 v25, v8  }
0x237: {  	v23 =	vld [tilespmem:s28+$0x126E0];
	v11 =	vadd.f32 v1, v11  }
0x238: {  	v12 =	vadd.f32 v3, v12;
	v24 =	vld [tilespmem:s28+$0x126F0]  }
0x239: {  	v15 =	vadd.f32 v16, v15;
	v25 =	vld [tilespmem:s28+$0x12700];
	s28 =	sshra.s32 s18, $0x2;
	s18 =	sadd.s32 $0x200, s18  }
0x23a: {  	v26 =	vld [tilespmem:s28+$0x12710]  }
0x23b: {  	v27 =	vld [tilespmem:s28+$0x126A0]  }
0x23c: {  	v1 =	vld [tilespmem:s21+$0x152]  }
0x23d: {  	v3 =	vld [tilespmem:s21+$0x15C]  }
0x23e: {  	v28 =	vld [tilespmem:s28+$0x126B0]  }
0x23f: {  	v29 =	vld [tilespmem:s28+$0x126C0]  }
0x240: {  	v30 =	vld [tilespmem:s28+$0x126D0]  }
0x241: {  	v33 =	vld [tilespmem:s28+$0x126E0]  }
0x242: {  	v34 =	vld [tilespmem:s28+$0x126F0]  }
0x243: {  	v35 =	vld [tilespmem:s28+$0x12700]  }
0x244: {  	v36 =	vld [tilespmem:$0x13320]  }
0x245: {  	v37 =	vld [tilespmem:$0x13330]  }
0x246: {  	v21 =	vld [tilespmem:$0x13340]  }
0x247: {  	v22 =	vld [tilespmem:$0x13350]  }
0x248: {  	v19 =	vld [tilespmem:$0x13360]  }
0x249: {  	v20 =	vld [tilespmem:$0x13370]  }
0x24a: {  	v16 =	vld [tilespmem:$0x13380]  }
0x24b: {  	v38 =	vld [tilespmem:$0x13390];
	s5 =	simm.s32 $0x0  }
0x24c: {  	v39 =	vld [tilespmem:s5+$0x13410]  }
0x24d: {  	v13 =	vadd.f32 v17, v13;
	v31 =	vld [tilespmem:s5+$0x133C0]  }
0x24e: {  	v14 =	vadd.f32 v18, v14;
	v32 =	vld [tilespmem:s5+$0x133D0];
	v9 =	vadd.f32 v23, v9  }
0x24f: {  	v10 =	vadd.f32 v24, v10;
	v24 =	vld [tilespmem:s5+$0x133A0];
	v23 =	vadd.f32 v25, v8  }
0x250: {  	v8 =	vadd.f32 v26, v11;
	v26 =	vld [tilespmem:s5+$0x133B0];
	v18 =	vadd.f32 v28, v15  }
0x251: {  	v15 =	vadd.f32 v29, v13;
	v13 =	vadd.f32 v33, v9;
	v33 =	vld [tilespmem:s5+$0x133E0]  }
0x252: {  	v17 =	vadd.f32 v27, v12;
	v12 =	vadd.f32 v34, v10;
	v34 =	vld [tilespmem:s5+$0x133F0]  }
0x253: {  	v11 =	vadd.f32 v35, v23;
	v35 =	vld [tilespmem:s5+$0x13400]  }
0x254: {  	v14 =	vadd.f32 v30, v14;
	v23 =	vadd.f32 v39, v38;
	v1 =	vld.idx.msk [tilespmem:v1+s17+$0x0], $0xffff  }
0x255: {  	s28 =	simm.s32 $0x80;
	s18 =	simm.s32 $0x400;
	v3 =	vld.idx.msk [tilespmem:v3+s17+$0x0], $0xffff;
	v25 =	vadd.f32 v24, v36;
	v26 =	vadd.f32 v26, v37  }
.LBB2_31:
0x256: {  	p0 =	sne.s32 s18, $0x3000;
	v9 =	vld [tilespmem:s28+$0x13410];
	v21 =	vadd.f32 v31, v21  }
0x257: {  	v10 =	vld [tilespmem:s28+$0x133A0];
	v22 =	vadd.f32 v32, v22  }
0x258: {  	v24 =	vld [tilespmem:s28+$0x133B0];
	v19 =	vadd.f32 v33, v19  }
.Ltmp14:
0x259: {  	v31 =	vld [tilespmem:s28+$0x133C0];
	v20 =	vadd.f32 v34, v20;
	(pc) =	sbr.rel @p0 .LBB2_31-.Ltmp14, $4  }
0x25a: {  	v32 =	vld [tilespmem:s28+$0x133D0];
	v16 =	vadd.f32 v35, v16  }
0x25b: {  	v33 =	vld [tilespmem:s28+$0x133E0];
	v23 =	vadd.f32 v9, v23  }
0x25c: {  	v25 =	vadd.f32 v10, v25;
	v34 =	vld [tilespmem:s28+$0x133F0]  }
0x25d: {  	v26 =	vadd.f32 v24, v26;
	v35 =	vld [tilespmem:s28+$0x13400];
	s28 =	sshra.s32 s18, $0x2;
	s18 =	sadd.s32 $0x200, s18  }
0x25e: {  	v36 =	vld [tilespmem:s28+$0x13410]  }
0x25f: {  	v37 =	vld [tilespmem:s28+$0x133A0]  }
0x260: {  	v9 =	vld [tilespmem:s21+$0x16C]  }
0x261: {  	v10 =	vld [tilespmem:s21+$0x176]  }
0x262: {  	v38 =	vld [tilespmem:s28+$0x133B0]  }
0x263: {  	v39 =	vld [tilespmem:s28+$0x133C0]  }
0x264: {  	v40 =	vld [tilespmem:s28+$0x133D0]  }
0x265: {  	v41 =	vld [tilespmem:s28+$0x133E0]  }
0x266: {  	v42 =	vld [tilespmem:s28+$0x133F0]  }
0x267: {  	v43 =	vld [tilespmem:s28+$0x13400]  }
0x268: {  	v44 =	vld [tilespmem:$0x14020]  }
0x269: {  	v45 =	vld [tilespmem:$0x14030]  }
0x26a: {  	v30 =	vld [tilespmem:$0x14040]  }
0x26b: {  	v29 =	vld [tilespmem:$0x14050]  }
0x26c: {  	v27 =	vld [tilespmem:$0x14060]  }
0x26d: {  	v28 =	vld [tilespmem:$0x14070]  }
0x26e: {  	v24 =	vld [tilespmem:$0x14080]  }
0x26f: {  	v46 =	vld [tilespmem:$0x14090];
	s5 =	simm.s32 $0x0  }
0x270: {  	v21 =	vadd.f32 v31, v21;
	v31 =	vld [tilespmem:s5+$0x14110]  }
0x271: {  	v22 =	vadd.f32 v32, v22;
	v32 =	vld [tilespmem:s5+$0x140A0]  }
0x272: {  	v47 =	vld [tilespmem:s5+$0x140B0]  }
0x273: {  	v19 =	vadd.f32 v33, v19;
	v20 =	vadd.f32 v34, v20;
	v34 =	vld [tilespmem:s5+$0x140C0]  }
0x274: {  	v33 =	vadd.f32 v35, v16;
	v35 =	vld [tilespmem:s5+$0x140E0];
	v16 =	vadd.f32 v36, v23  }
0x275: {  	v25 =	vadd.f32 v37, v25;
	v26 =	vadd.f32 v38, v26;
	v36 =	vld [tilespmem:s5+$0x140D0]  }
0x276: {  	v23 =	vadd.f32 v39, v21;
	v22 =	vadd.f32 v40, v22;
	v37 =	vld [tilespmem:s5+$0x140F0]  }
0x277: {  	v21 =	vadd.f32 v41, v19;
	v20 =	vadd.f32 v42, v20;
	v38 =	vld [tilespmem:s5+$0x14100]  }
0x278: {  	v19 =	vadd.f32 v43, v33;
	v33 =	vadd.f32 v31, v46;
	v9 =	vld.idx.msk [tilespmem:v9+s17+$0x0], $0xffff  }
0x279: {  	s28 =	simm.s32 $0x80;
	s18 =	simm.s32 $0x400;
	v32 =	vadd.f32 v32, v44;
	v31 =	vadd.f32 v47, v45;
	v10 =	vld.idx.msk [tilespmem:v10+s17+$0x0], $0xffff  }
.LBB2_33:
0x27a: {  	p0 =	sne.s32 s18, $0x3000;
	v39 =	vld [tilespmem:s28+$0x14110];
	v30 =	vadd.f32 v34, v30  }
0x27b: {  	v40 =	vld [tilespmem:s28+$0x140A0];
	v29 =	vadd.f32 v36, v29  }
0x27c: {  	v41 =	vld [tilespmem:s28+$0x140B0];
	v27 =	vadd.f32 v35, v27  }
.Ltmp15:
0x27d: {  	v34 =	vld [tilespmem:s28+$0x140C0];
	v28 =	vadd.f32 v37, v28;
	(pc) =	sbr.rel @p0 .LBB2_33-.Ltmp15, $4  }
0x27e: {  	v36 =	vld [tilespmem:s28+$0x140D0];
	v24 =	vadd.f32 v38, v24  }
0x27f: {  	v35 =	vld [tilespmem:s28+$0x140E0];
	v33 =	vadd.f32 v39, v33  }
0x280: {  	v32 =	vadd.f32 v40, v32;
	v37 =	vld [tilespmem:s28+$0x140F0]  }
0x281: {  	v31 =	vadd.f32 v41, v31;
	v38 =	vld [tilespmem:s28+$0x14100];
	s28 =	sshra.s32 s18, $0x2;
	s18 =	sadd.s32 $0x200, s18  }
0x282: {  	v39 =	vld [tilespmem:$0x1FF50]  }
0x283: {  	v40 =	vld [tilespmem:$0x1FF60]  }
0x284: {  	v43 =	vld [tilespmem:$0x1FF70]  }
0x285: {  	v44 =	vld [tilespmem:$0x1FF80];
	_ =	sdelay $0x2  }
0x286: {  	v30 =	vadd.f32 v34, v30;
	v34 =	vld [tilespmem:s28+$0x140A0];
	v39 =	vmul.f32 v39, v39;
	v40 =	vmul.f32 v40, v40  }
0x287: {  	v46 =	vld [tilespmem:$0x1FEB0]  }
0x288: {  	v45 =	vmul.f32 v44, v44;
	v44 =	vld [tilespmem:$0x1FEC0];
	v47 =	vadd.f32 v40, v39;
	v39 =	vmul.f32 v43, v43;
	_ =	sdelay $0x1  }
0x289: {  	v29 =	vadd.f32 v36, v29;
	v36 =	vadd.f32 v39, v47;
	_ =	sdelay $0x1  }
0x28a: {  	v32 =	vadd.f32 v34, v32;
	v34 =	vadd.f32 v45, v36;
	v45 =	vld [tilespmem:$0x1FF90]  }
0x28b: {  	v41 =	vld [tilespmem:s28+$0x14110];
	v47 =	vmul.f32 v46, v46;
	v42 =	vmul.f32 v44, v44  }
0x28c: {  	v27 =	vadd.f32 v35, v27;
	v35 =	vld [tilespmem:s28+$0x140C0]  }
0x28d: {  	v47 =	vadd.f32 v42, v47;
	v42 =	vld [tilespmem:$0x1FED0]  }
0x28e: {  	v40 =	vld [tilespmem:s28+$0x140B0]  }
0x28f: {  	v46 =	vmul.f32 v45, v45;
	v45 =	vld [tilespmem:$0x1FFA0]  }
0x290: {  	v43 =	vld [tilespmem:s28+$0x140E0]  }
0x291: {  	v39 =	vld [tilespmem:s28+$0x140D0]  }
0x292: {  	v44 =	vmul.f32 v42, v42;
	v42 =	vld [tilespmem:$0x1FEE0]  }
0x293: {  	v28 =	vadd.f32 v37, v28  }
0x294: {  	v37 =	vadd.f32 v38, v24;
	v34 =	vadd.f32 v46, v34;
	v46 =	vmul.f32 v45, v45;
	v45 =	vld [tilespmem:$0x1FFB0]  }
0x295: {  	v38 =	vld [tilespmem:s28+$0x140F0];
	v24 =	vadd.f32 v41, v33;
	v33 =	vadd.f32 v40, v31  }
0x296: {  	v41 =	vld [tilespmem:$0x1FEF0];
	v31 =	vadd.f32 v35, v30;
	v30 =	vadd.f32 v39, v29  }
0x297: {  	v29 =	vadd.f32 v43, v27;
	v43 =	vld [tilespmem:$0x1FE20];
	v47 =	vadd.f32 v44, v47;
	v44 =	vmul.f32 v42, v42  }
0x298: {  	v42 =	vld [tilespmem:$0x1FE10]  }
0x299: {  	v34 =	vadd.f32 v46, v34;
	v47 =	vadd.f32 v44, v47;
	v44 =	vld [tilespmem:$0x1FF40];
	v46 =	vmul.f32 v45, v45;
	_ =	sdelay $0x1  }
0x29a: {  	v34 =	vadd.f32 v46, v34;
	v46 =	vld [tilespmem:$0x1FF00]  }
0x29b: {  	v40 =	vld [tilespmem:s28+$0x14100]  }
0x29c: {  	v36 =	vmul.f32 v41, v41;
	v27 =	vadd.f32 v38, v28;
	v38 =	vmul.f32 v43, v43;
	v43 =	vld [tilespmem:$0x1FF10]  }
0x29d: {  	v35 =	vmul.f32 v42, v42;
	v42 =	vld [tilespmem:$0x1FE30];
	v45 =	vmul.f32 v44, v44;
	_ =	sdelay $0x1  }
0x29e: {  	v36 =	vadd.f32 v36, v47;
	v34 =	vadd.f32 v45, v34;
	v45 =	vld [tilespmem:$0x1FF30];
	v47 =	vmul.f32 v46, v46  }
0x29f: {  	v44 =	vld [tilespmem:$0x1FE40]  }
0x2a0: {  	v28 =	vadd.f32 v40, v37;
	v36 =	vadd.f32 v47, v36;
	v47 =	vld [tilespmem:$0x1FF20]  }
0x2a1: {  	v35 =	vadd.f32 v38, v35;
	v38 =	vmul.f32 v43, v43;
	v37 =	vmul.f32 v42, v42;
	v42 =	vld [tilespmem:$0x1FE50]  }
0x2a2: {  	vm0 =	vmmov $0x3f;
	v46 =	vld [tilespmem:$0x1FEA0]  }
0x2a3: {  	v36 =	vadd.f32 v38, v36;
	v38 =	vsel vm0, $0x0, v45;
	v45 =	vld [tilespmem:$0x1FE90]  }
0x2a4: {  	v43 =	vld [tilespmem:$0x1FD70];
	v35 =	vadd.f32 v37, v35;
	v37 =	vmul.f32 v44, v44  }
0x2a5: {  	v38 =	vadd.f32 v38, v47;
	v47 =	vld [tilespmem:$0x1FE80]  }
0x2a6: {  	v44 =	vld [tilespmem:$0x1FD80];
	v35 =	vadd.f32 v37, v35;
	v37 =	vmul.f32 v42, v42  }
0x2a7: {  	v39 =	vmul.f32 v46, v46;
	v46 =	vld [tilespmem:$0x1FE60]  }
0x2a8: {  	v35 =	vadd.f32 v37, v35;
	v37 =	vsel vm0, $0x0, v45;
	v45 =	vld [tilespmem:$0x1FD90];
	_ =	sdelay $0x1  }
0x2a9: {  	v37 =	vadd.f32 v37, v47;
	v47 =	vld [tilespmem:$0x1FDA0]  }
0x2aa: {  	v40 =	vmul.f32 v44, v44;
	v36 =	vadd.f32 v39, v36;
	v39 =	vmul.f32 v43, v43  }
0x2ab: {  	v41 =	vmul.f32 v46, v46;
	v46 =	vld [tilespmem:$0x1FE70]  }
0x2ac: {  	v39 =	vadd.f32 v40, v39;
	v40 =	vmul.f32 v45, v45  }
0x2ad: {  	v45 =	vld [tilespmem:$0x1FE00]  }
0x2ae: {  	v39 =	vadd.f32 v40, v39;
	v40 =	vmul.f32 v47, v47;
	v47 =	vld [tilespmem:$0x1FDB0];
	_ =	sdelay $0x1  }
0x2af: {  	v42 =	vld [tilespmem:$0x1FCE0];
	v35 =	vadd.f32 v41, v35;
	v41 =	vmul.f32 v46, v46  }
0x2b0: {  	v43 =	vld [tilespmem:$0x1FDF0];
	v36 =	vmul.f32 $5.000000000e-01, v36  }
0x2b1: {  	v34 =	vmul.f32 $5.000000000e-01, v34;
	v44 =	vadd.f32 v41, v35;
	v35 =	vmul.f32 v45, v45;
	v45 =	vld [tilespmem:$0x1FDE0]  }
0x2b2: {  	v41 =	vadd.f32 v37, v36;
	v46 =	vadd.f32 v40, v39;
	v40 =	vld [tilespmem:$0x1FCD0];
	v37 =	vmul.f32 v47, v47  }
0x2b3: {  	v38 =	vadd.f32 v38, v34;
	v34 =	vadd.f32 v35, v44;
	v44 =	vld [tilespmem:$0x1FDC0]  }
0x2b4: {  	v36 =	vadd.f32 v37, v46;
	v46 =	vld [tilespmem:$0x1FCF0]  }
0x2b5: {  	v47 =	vld [tilespmem:$0x1FDD0];
	v37 =	vsel vm0, $0x0, v43  }
0x2b6: {  	v37 =	vadd.f32 v37, v45;
	v45 =	vld [tilespmem:$0x1FD00]  }
0x2b7: {  	v39 =	vmul.f32 v42, v42;
	v35 =	vmul.f32 v40, v40  }
0x2b8: {  	v40 =	vmul.f32 v44, v44  }
0x2b9: {  	v35 =	vadd.f32 v39, v35;
	v44 =	vld [tilespmem:$0x1FD60];
	v39 =	vmul.f32 v46, v46  }
0x2ba: {  	v36 =	vadd.f32 v40, v36  }
0x2bb: {  	v40 =	vmul.f32 v47, v47;
	v47 =	vld [tilespmem:$0x1FC40];
	v42 =	vmul.f32 v45, v45;
	v35 =	vadd.f32 v39, v35  }
0x2bc: {  	v46 =	vld [tilespmem:$0x1FC30]  }
0x2bd: {  	v35 =	vadd.f32 v42, v35;
	v42 =	vld [tilespmem:$0x1FD10]  }
0x2be: {  	v39 =	vmul.f32 v44, v44;
	v44 =	vld [tilespmem:$0x1FC50]  }
0x2bf: {  	v45 =	vld [tilespmem:$0x1FD50]  }
0x2c0: {  	v34 =	vmul.f32 $5.000000000e-01, v34  }
0x2c1: {  	v36 =	vadd.f32 v40, v36;
	v43 =	vmul.f32 v47, v47;
	v40 =	vmul.f32 v46, v46;
	v46 =	vld [tilespmem:$0x1FD20]  }
0x2c2: {  	v34 =	vadd.f32 v37, v34;
	v47 =	vld [tilespmem:$0x1FD40];
	v37 =	vmul.f32 v42, v42  }
0x2c3: {  	v36 =	vadd.f32 v39, v36;
	v39 =	vadd.f32 v43, v40;
	v40 =	vmul.f32 v44, v44;
	v44 =	vld [tilespmem:$0x1FC60]  }
0x2c4: {  	v35 =	vadd.f32 v37, v35;
	v37 =	vsel vm0, $0x0, v45;
	v45 =	vld [tilespmem:$0x1FD30];
	_ =	sdelay $0x1  }
0x2c5: {  	v42 =	vmul.f32 v46, v46;
	v46 =	vld [tilespmem:$0x1FCC0]  }
0x2c6: {  	v37 =	vadd.f32 v37, v47;
	v47 =	vld [tilespmem:$0x1FC70]  }
0x2c7: {  	v39 =	vadd.f32 v40, v39;
	v40 =	vmul.f32 v44, v44;
	v44 =	vld [tilespmem:$0x1FB90]  }
0x2c8: {  	v35 =	vadd.f32 v42, v35;
	v42 =	vmul.f32 v45, v45;
	v45 =	vld [tilespmem:$0x1FBA0];
	_ =	sdelay $0x2  }
0x2c9: {  	v36 =	vmul.f32 $5.000000000e-01, v36  }
0x2ca: {  	v39 =	vadd.f32 v40, v39;
	v40 =	vmul.f32 v46, v46;
	v43 =	vmul.f32 v47, v47  }
0x2cb: {  	v46 =	vld [tilespmem:$0x1FC80];
	v44 =	vmul.f32 v44, v44;
	v42 =	vadd.f32 v42, v35;
	v45 =	vmul.f32 v45, v45  }
0x2cc: {  	v35 =	vadd.f32 v37, v36;
	v36 =	vadd.f32 v43, v39  }
0x2cd: {  	v39 =	vadd.f32 v40, v42;
	v40 =	vadd.f32 v45, v44;
	v45 =	vld [tilespmem:$0x1FCB0]  }
0x2ce: {  	v44 =	vld [tilespmem:$0x1FCA0];
	_ =	sdelay $0x1  }
0x2cf: {  	v37 =	vmul.f32 v46, v46  }
0x2d0: {  	v46 =	vld [tilespmem:$0x1FC90]  }
0x2d1: {  	v47 =	vld [tilespmem:$0x1FBB0];
	v36 =	vadd.f32 v37, v36;
	v37 =	vsel vm0, $0x0, v45  }
0x2d2: {  	v37 =	vadd.f32 v37, v44;
	v44 =	vld [tilespmem:$0x1FAF0];
	_ =	sdelay $0x2  }
0x2d3: {  	v43 =	vmul.f32 v46, v46  }
0x2d4: {  	v42 =	vmul.f32 v47, v47;
	v47 =	vld [tilespmem:$0x1FBC0]  }
0x2d5: {  	v43 =	vadd.f32 v43, v36;
	v36 =	vmul.f32 v44, v44;
	v44 =	vld [tilespmem:$0x1FB00]  }
0x2d6: {  	v45 =	vld [tilespmem:$0x1FBD0];
	_ =	sdelay $0x2  }
0x2d7: {  	v40 =	vadd.f32 v42, v40;
	v42 =	vmul.f32 v47, v47  }
0x2d8: {  	v46 =	vld [tilespmem:$0x1FC20];
	v44 =	vmul.f32 v44, v44  }
0x2d9: {  	v39 =	vmul.f32 $5.000000000e-01, v39;
	v47 =	vld [tilespmem:$0x1FB10];
	v40 =	vadd.f32 v42, v40;
	v42 =	vmul.f32 v45, v45  }
0x2da: {  	v44 =	vadd.f32 v44, v36  }
0x2db: {  	v36 =	vadd.f32 v37, v39;
	v37 =	vadd.f32 v42, v40;
	v42 =	vld [tilespmem:$0x1FBE0];
	_ =	sdelay $0x2  }
0x2dc: {  	v45 =	vmul.f32 v46, v46;
	v46 =	vmul.f32 v47, v47;
	_ =	sdelay $0x1  }
0x2dd: {  	v39 =	vmul.f32 v42, v42;
	v42 =	vadd.f32 v46, v44;
	v44 =	vld [tilespmem:$0x1FC10]  }
0x2de: {  	v40 =	vadd.f32 v45, v43;
	v45 =	vld [tilespmem:$0x1FC00];
	_ =	sdelay $0x2  }
0x2df: {  	v47 =	vld [tilespmem:$0x1FB20]  }
0x2e0: {  	v37 =	vadd.f32 v39, v37;
	v39 =	vsel vm0, $0x0, v44;
	v44 =	vld [tilespmem:$0x1FBF0]  }
0x2e1: {  	v39 =	vadd.f32 v39, v45;
	v45 =	vld [tilespmem:$0x1FB30]  }
0x2e2: {  	v46 =	vld [tilespmem:$0x1FA50];
	_ =	sdelay $0x1  }
0x2e3: {  	v43 =	vmul.f32 v47, v47  }
0x2e4: {  	v44 =	vmul.f32 v44, v44  }
0x2e5: {  	v42 =	vadd.f32 v43, v42;
	v43 =	vmul.f32 v45, v45;
	v45 =	vld [tilespmem:$0x1FA60]  }
0x2e6: {  	v44 =	vadd.f32 v44, v37;
	v37 =	vmul.f32 v46, v46;
	v46 =	vld [tilespmem:$0x1FB40];
	_ =	sdelay $0x2  }
0x2e7: {  	v47 =	vld [tilespmem:$0x1FB80]  }
0x2e8: {  	v45 =	vmul.f32 v45, v45  }
0x2e9: {  	v40 =	vmul.f32 $5.000000000e-01, v40;
	v42 =	vadd.f32 v43, v42;
	v46 =	vmul.f32 v46, v46  }
0x2ea: {  	v45 =	vadd.f32 v45, v37  }
0x2eb: {  	v37 =	vadd.f32 v39, v40;
	v40 =	vadd.f32 v46, v42;
	v46 =	vld [tilespmem:$0x1FB70]  }
0x2ec: {  	v43 =	vmul.f32 v47, v47;
	v47 =	vld [tilespmem:$0x1FA70];
	_ =	sdelay $0x3  }
0x2ed: {  	v39 =	vadd.f32 v43, v44;
	v43 =	vsel vm0, $0x0, v46;
	v46 =	vld [tilespmem:$0x1FB60]  }
0x2ee: {  	v47 =	vmul.f32 v47, v47  }
0x2ef: {  	v44 =	vld [tilespmem:$0x1FB50]  }
0x2f0: {  	v42 =	vadd.f32 v47, v45;
	v45 =	vld [tilespmem:$0x1FA80]  }
0x2f1: {  	v47 =	vld [tilespmem:$0x1F9C0]  }
0x2f2: {  	v43 =	vadd.f32 v43, v46;
	v46 =	vld [tilespmem:$0x1F9B0];
	_ =	sdelay $0x3  }
0x2f3: {  	v44 =	vmul.f32 v44, v44;
	v45 =	vmul.f32 v45, v45  }
0x2f4: {  	v47 =	vmul.f32 v47, v47;
	v46 =	vmul.f32 v46, v46  }
0x2f5: {  	v40 =	vadd.f32 v44, v40;
	v44 =	vld [tilespmem:$0x1FA90]  }
0x2f6: {  	v42 =	vadd.f32 v45, v42;
	v45 =	vadd.f32 v47, v46;
	v46 =	vld [tilespmem:$0x1F9D0];
	_ =	sdelay $0x3  }
0x2f7: {  	v44 =	vmul.f32 v44, v44  }
0x2f8: {  	v39 =	vmul.f32 $5.000000000e-01, v39;
	v46 =	vmul.f32 v46, v46  }
0x2f9: {  	v42 =	vadd.f32 v44, v42;
	v44 =	vld [tilespmem:$0x1FAE0]  }
0x2fa: {  	v39 =	vadd.f32 v43, v39;
	v43 =	vadd.f32 v46, v45;
	v45 =	vld [tilespmem:$0x1F9E0]  }
0x2fb: {  	v47 =	vld [tilespmem:$0x1FAA0];
	_ =	sdelay $0x2  }
0x2fc: {  	v44 =	vmul.f32 v44, v44  }
0x2fd: {  	v45 =	vmul.f32 v45, v45  }
0x2fe: {  	v40 =	vadd.f32 v44, v40;
	v44 =	vld [tilespmem:$0x1FAB0];
	v47 =	vmul.f32 v47, v47  }
0x2ff: {  	v43 =	vadd.f32 v45, v43;
	v45 =	vld [tilespmem:$0x1FAD0]  }
0x300: {  	v42 =	vadd.f32 v47, v42;
	v47 =	vld [tilespmem:$0x1FAC0];
	_ =	sdelay $0x2  }
0x301: {  	v46 =	vld [tilespmem:$0x1F9F0]  }
0x302: {  	v44 =	vmul.f32 v44, v44;
	v45 =	vsel vm0, $0x0, v45  }
0x303: {  	v50 =	vmul.f32 v50, v50;
	(xrf2) =	vadd.scan.msk.f32 $0xffff, v38;
	v38 =	vadd.f32 v45, v47;
	v47 =	vld [tilespmem:$0x1FA40]  }
0x304: {  	v51 =	vmul.f32 v51, v51;
	v40 =	vmul.f32 $5.000000000e-01, v40;
	v42 =	vadd.f32 v44, v42;
	v44 =	vld [tilespmem:$0x1FA00]  }
0x305: {  	v60 =	vmul.f32 v60, v60  }
0x306: {  	v46 =	vmul.f32 v46, v46;
	v38 =	vadd.f32 v38, v40;
	v40 =	vadd.f32 v51, v50;
	v50 =	vld [tilespmem:$0x1FA30]  }
0x307: {  	v61 =	vmul.f32 v61, v61;
	v51 =	vmul.f32 v49, v49;
	v49 =	vld [tilespmem:$0x1FA20]  }
0x308: {  	v56 =	vmul.f32 v56, v56;
	(xrf2) =	vadd.scan.msk.f32 $0xffff, v41;
	v41 =	vadd.f32 v46, v43;
	v43 =	vmul.f32 v47, v47  }
0x309: {  	v6 =	vmul.f32 v6, v6;
	v44 =	vmul.f32 v44, v44  }
0x30a: {  	v7 =	vmul.f32 v7, v7;
	v5 =	vmul.f32 v5, v5;
	v42 =	vadd.f32 v43, v42  }
0x30b: {  	v41 =	vadd.f32 v44, v41;
	v40 =	vadd.f32 v51, v40;
	v47 =	vld [tilespmem:$0x1FA10];
	v44 =	vsel vm0, $0x0, v50  }
0x30c: {  	v51 =	vmul.f32 v48, v48;
	v48 =	vld [tilespmem:$0x1F950];
	v44 =	vadd.f32 v44, v49;
	v42 =	vmul.f32 $5.000000000e-01, v42  }
0x30d: {  	v17 =	vmul.f32 v17, v17;
	v18 =	vmul.f32 v18, v18;
	v50 =	vld [tilespmem:$0x1F9A0]  }
0x30e: {  	v4 =	vmul.f32 v4, v4;
	v42 =	vadd.f32 v44, v42;
	v44 =	vadd.f32 v61, v60;
	v60 =	vld [tilespmem:$0x1F960]  }
0x30f: {  	v15 =	vmul.f32 v15, v15;
	v2 =	vmul.f32 v2, v2;
	v49 =	vld [tilespmem:$0x1F990]  }
0x310: {  	v14 =	vmul.f32 v14, v14;
	v40 =	vadd.f32 v51, v40;
	v51 =	vld [tilespmem:$0x1F980];
	v43 =	vmul.f32 v47, v47  }
0x311: {  	v0 =	vmul.f32 v0, v0;
	v13 =	vmul.f32 v13, v13  }
0x312: {  	v12 =	vmul.f32 v12, v12;
	v41 =	vadd.f32 v43, v41;
	v43 =	vmul.f32 v50, v50  }
0x313: {  	v50 =	vmul.f32 v59, v59;
	v47 =	vmul.f32 v60, v60;
	v60 =	vld [tilespmem:$0x1F970]  }
0x314: {  	v45 =	vsel vm0, $0x0, v49;
	v41 =	vadd.f32 v43, v41;
	v43 =	vmul.f32 v48, v48  }
0x315: {  	v11 =	vmul.f32 v11, v11;
	v59, _, _ =	vpop (xrf2);
	v45 =	vadd.f32 v45, v51;
	v44 =	vadd.f32 v50, v44;
	v51 =	vld [tilespmem:$0x1F940]  }
0x316: {  	v61, _, _ =	vpop (xrf2);
	v40 =	vadd.f32 v43, v40;
	v43 =	vbroadcast v59, $0xF;
	v59 =	vmul.f32 v58, v58  }
0x317: {  	vm1 =	vmmov $0x1;
	v46 =	vbroadcast v61, $0xF;
	v61 =	vmul.f32 v57, v57  }
0x318: {  	v40 =	vadd.f32 v47, v40;
	v44 =	vadd.f32 v59, v44;
	v47 =	vmul.f32 v60, v60  }
0x319: {  	v8 =	vmul.f32 v8, v8;
	v3 =	vsel vm0, $0x0, v3;
	v6 =	vadd.f32 v7, v6  }
0x31a: {  	v44 =	vadd.f32 v61, v44;
	v40 =	vadd.f32 v47, v40;
	v47 =	vmul.f32 v51, v51  }
0x31b: {  	v1 =	vadd.f32 v3, v1;
	v5 =	vadd.f32 v5, v6;
	v58 =	vmul.f32 v54, v54  }
0x31c: {  	v43 =	vsel vm1, v43, v46;
	v46 =	vld [tilespmem:$0x1F910];
	v44 =	vadd.f32 v56, v44;
	v40 =	vadd.f32 v47, v40  }
0x31d: {  	vm15 =	vmmov $0x3;
	v4 =	vadd.f32 v4, v5;
	v60 =	vadd.f32 v18, v17;
	v47 =	vld [tilespmem:$0x1F900]  }
0x31e: {  	v44 =	vadd.f32 v58, v44;
	v61 =	vmul.f32 $5.000000000e-01, v40;
	v40 =	vmul.f32 v52, v52  }
0x31f: {  	v2 =	vadd.f32 v2, v4;
	v57 =	vld [tilespmem:$0x1F930];
	v41 =	vmul.f32 $5.000000000e-01, v41;
	v6 =	vadd.f32 v15, v60  }
0x320: {  	v27 =	vmul.f32 v27, v27;
	v50 =	vmul.f32 v25, v25;
	v59 =	vld [tilespmem:$0x1F920];
	v5 =	vadd.f32 v40, v44  }
0x321: {  	v41 =	vadd.f32 v45, v41;
	v45 =	vadd.f32 v14, v6;
	v6 =	vsel vm0, $0x0, v46  }
0x322: {  	v51 =	vmul.f32 v26, v26;
	v6 =	vadd.f32 v6, v47;
	v48 =	vmul.f32 $5.000000000e-01, v5  }
0x323: {  	v0 =	vadd.f32 v0, v2;
	v49 =	vmul.f32 v63, v63;
	v54 =	vmul.f32 v23, v23  }
0x324: {  	v7 =	vsel vm0, $0x0, v57;
	v2 =	vadd.f32 v6, v48;
	v6 =	vadd.f32 v51, v50  }
0x325: {  	v57 =	vmul.f32 v33, v33;
	v56 =	vmul.f32 v32, v32;
	v7 =	vadd.f32 v7, v59  }
0x326: {  	v0 =	vadd.f32 v49, v0;
	v58 =	vmul.f32 v22, v22;
	v6 =	vadd.f32 v54, v6  }
0x327: {  	(xrf2) =	vadd.scan.msk.f32 $0xffff, v34;
	v60 =	vmul.f32 v31, v31;
	v7 =	vadd.f32 v7, v61;
	v61 =	vld [tilespmem:s21+$0x190];
	v5 =	vadd.f32 v57, v56  }
0x328: {  	(xrf2) =	vadd.scan.msk.f32 $0xffff, v35;
	v63 =	vld [tilespmem:s21+$0x186];
	v52 =	vmul.f32 v62, v62;
	v62 =	vmul.f32 v21, v21;
	v6 =	vadd.f32 v58, v6  }
0x329: {  	(xrf2) =	vadd.scan.msk.f32 $0xffff, v36;
	v18 =	vmul.f32 v30, v30;
	v4 =	vadd.f32 v13, v45;
	v5 =	vadd.f32 v60, v5  }
0x32a: {  	(xrf2) =	vadd.scan.msk.f32 $0xffff, v37;
	v30 =	vmul.f32 v28, v28;
	v21 =	vmul.f32 v20, v20;
	v6 =	vadd.f32 v62, v6  }
0x32b: {  	(xrf2) =	vadd.scan.msk.f32 $0xffff, v39;
	v22 =	vmul.f32 v29, v29;
	v4 =	vadd.f32 v12, v4;
	v5 =	vadd.f32 v18, v5  }
0x32c: {  	(xrf2) =	vadd.scan.msk.f32 $0xffff, v38;
	v26 =	vmul.f32 v19, v19;
	v0 =	vadd.f32 v52, v0;
	v23 =	vadd.f32 v21, v6  }
0x32d: {  	v59 =	vsel vm0, $0x0, v55;
	v4 =	vadd.f32 v11, v4;
	v5 =	vadd.f32 v22, v5  }
0x32e: {  	(xrf2) =	vadd.scan.msk.f32 $0xffff, v42;
	v29 =	vmul.f32 v16, v16;
	v12 =	vadd.f32 v59, v53;
	v3 =	vadd.f32 v26, v23  }
0x32f: {  	s5 =	smin.u32 s25, $0x78;
	(xrf2) =	vadd.scan.msk.f32 $0xffff, v41;
	v0 =	vmul.f32 $5.000000000e-01, v0;
	v4 =	vadd.f32 v8, v4;
	v31 =	vld.idx.msk [tilespmem:v61+s17+$0x0], $0xffff;
	v5 =	vadd.f32 v27, v5  }
0x330: {  	s5 =	smul.u32 $0x1A0, s5;
	v35 =	vsel vm0, $0x0, v10;
	v36 =	vmul.f32 v24, v24;
	v32 =	vld.idx.msk [tilespmem:v63+s17+$0x0], $0xffff;
	v3 =	vadd.f32 v29, v3  }
0x331: {  	v25, _, _ =	vpop (xrf2);
	(xrf2) =	vadd.scan.msk.f32 $0xffff, v7;
	v0 =	vadd.f32 v12, v0;
	v4 =	vmul.f32 $5.000000000e-01, v4;
	v5 =	vadd.f32 v30, v5  }
0x332: {  	vm4 =	vmmov $0x7;
	s5 =	sshrl.u32 s5, $0x2;
	v33, _, _ =	vpop (xrf2);
	v7 =	vadd.f32 v35, v9;
	(xrf2) =	vadd.scan.msk.f32 $0xffff, v2;
	v3 =	vmul.f32 $5.000000000e-01, v3  }
0x333: {  	vm5 =	vmmov $0xf;
	s5 =	sadd.s32 $0x2D8, s5;
	v38, _, _ =	vpop (xrf2);
	(xrf2) =	vadd.scan.msk.f32 $0xffff, v0;
	v1 =	vadd.f32 v1, v4;
	v37 =	vadd.f32 v36, v5  }
0x334: {  	v41, _, _ =	vpop (xrf2);
	[tilespmem:s29], [sflag:$0x4] =	stream.indirect.gather [spmem:s2], $0x80, s5, s22, $0xb8;
	v6 =	vbroadcast v25, $0xF;
	v39 =	vsel vm0, $0x0, v31;
	v40 =	vadd.f32 v7, v3;
	[tilespmem:$0x15560] =	vst v63  }
0x335: {  	vm6 =	vmmov $0x1f;
	v42, _, _ =	vpop (xrf2);
	v55 =	vld [tilespmem:$0x1FFC0];
	(xrf2) =	vadd.scan.msk.f32 $0xffff, v1;
	v4 =	vadd.f32 v39, v32;
	v0 =	vmul.f32 $5.000000000e-01, v37  }
0x336: {  	vm7 =	vmmov $0x7f;
	s28 =	sshll.u32 s20, $0x4;
	v34 =	vbroadcast v33, $0xF;
	v56 =	vld [tilespmem:$0x1FFD0];
	v6 =	vsel vm15, v43, v6;
	v43, _, _ =	vpop (xrf2);
	(xrf2) =	vadd.scan.msk.f32 $0xffff, v40  }
0x337: {  	vm8 =	vmmov $0xff;
	v46 =	vld [tilespmem:s28+$0x14D20];
	v5 =	vbroadcast v38, $0xF;
	v0 =	vadd.f32 v4, v0  }
0x338: {  	vm9 =	vmmov $0x1ff;
	v49 =	vld [tilespmem:s28+$0x14F20];
	v2 =	vsel vm4, v6, v34;
	v45, _, _ =	vpop (xrf2);
	v3 =	vbroadcast v41, $0xF  }
0x339: {  	vm10 =	vmmov $0x3ff;
	v44 =	vbroadcast v42, $0xF;
	v60 =	vld [tilespmem:$0x1FFE0];
	v2 =	vsel vm5, v2, v5;
	v48, _, _ =	vpop (xrf2);
	(xrf2) =	vadd.scan.msk.f32 $0xffff, v0  }
0x33a: {  	vm11 =	vmmov $0x7ff;
	v51 =	vld [tilespmem:s28+$0x15120];
	v5 =	vbroadcast v43, $0xF;
	v2 =	vsel vm6, v2, v3  }
0x33b: {  	vm12 =	vmmov $0xfff;
	v47 =	vbroadcast v45, $0xF;
	v50, _, _ =	vpop (xrf2);
	v1 =	vsel vm0, v2, v44  }
0x33c: {  	v52, _, _ =	vpop (xrf2);
	v4 =	vmul.f32 v46, v55;
	v3 =	vbroadcast v48, $0xF;
	v1 =	vsel vm7, v1, v5  }
0x33d: {  	v54, _, _ =	vpop (xrf2);
	v0 =	vbroadcast v50, $0xF;
	v5 =	vmul.f32 v49, v56;
	v1 =	vsel vm8, v1, v47  }
0x33e: {  	v63 =	vld [tilespmem:$0x1FFF0];
	v53 =	vbroadcast v52, $0xF;
	v57 =	vbroadcast v54, $0xF;
	v1 =	vsel vm9, v1, v3  }
0x33f: {  	v59, _, _ =	vpop (xrf2);
	v2 =	vmul.f32 v51, v60;
	v58 =	vadd.f32 v5, v4;
	v0 =	vsel vm10, v1, v0  }
0x340: {  	vm13 =	vmmov $0x1fff;
	v4 =	vbroadcast v59, $0xF;
	v0 =	vsel vm11, v0, v53;
	v61, _, _ =	vpop (xrf2)  }
0x341: {  	v2 =	vadd.f32 v2, v58;
	v0 =	vsel vm12, v0, v57;
	v1 =	vbroadcast v61, $0xF  }
0x342: {  	vm14 =	vmmov $0x3fff;
	v0 =	vsel vm13, v0, v4  }
0x343: {  	vm15 =	vmmov $0x7fff;
	v2 =	vadd.f32 v2, v63;
	v62, _, _ =	vpop (xrf2);
	v0 =	vsel vm14, v0, v1  }
0x344: {  	v0 =	vsel vm15, v0, v62  }
0x345: {  	v0 =	vadd.f32 v2, v0;
	_ =	sdelay $0x1  }
0x346: {  	v0 =	vsub.f32 $0.0e+00, v0;
	_ =	sdelay $0x1  }
0x347: {  	v0 =	vmul.f32 $1.442695020e+00, v0;
	_ =	sdelay $0x1  }
0x348: {  	(erf) = vpow2.f32 v0;
	_ =	sdelay $0x8  }
0x349: {  	v0 =	vpop (erf)  }
0x34a: {  	v0 =	vadd.f32 $1.000000000e+00, v0;
	_ =	sdelay $0x1  }
0x34b: {  	(erf) = vrcp.f32 v0;
	_ =	sdelay $0x3  }
0x34c: {  	s20 =	sadd.s32 $0x1, s20  }
0x34d: {  	p0 =	sne.s32 s20, $0x20  }
.Ltmp16:
0x34e: {  	_ = 	snop;
	(pc) =	sbr.rel @p0 .LBB2_2-.Ltmp16, $3  }
0x34f: {  	_ =	sdelay $0x1  }
0x350: {  	v0 =	vpop (erf)  }
0x351: {  	[tilespmem:s28+$0x15360] =	vst v0  }
0x352: {  	_ =	swait.ge [sflag:s30], $0x3400  }
0x353: {  	[sflag:s30] =	ssyncset.done $0x0  }
0x354: {  	[sflag:s30] =	ssyncadd.s32 $0xFFFFCC00  }
0x355: {  	_ =	swait.ge [sflag:s31], $0x3400  }
0x356: {  	[sflag:s31] =	ssyncset.done $0x0  }
0x357: {  	[sflag:s31] =	ssyncadd.s32 $0xFFFFCC00  }
0x358: {  	_ =	swait.ge [sflag:s0], $0x3400  }
0x359: {  	[sflag:s0] =	ssyncset.done $0x0  }
0x35a: {  	[sflag:s0] =	ssyncadd.s32 $0xFFFFCC00  }
0x35b: {  	s19 =	sadd.s32 $0x1, s19;
	_ =	swait.ge [sflag:s1], $0x3400  }
0x35c: {  	p0 =	sne.s32 s19, s14;
	[sflag:s1] =	ssyncset.done $0x0  }
.Ltmp17:
0x35d: {  	s5 =	simm.s32 $0x15360;
	[sflag:s1] =	ssyncadd.s32 $0xFFFFCC00;
	(pc) =	sbr.rel @p0 .LBB2_1-.Ltmp17, $4  }
0x35e: {  	[hbm4b:s13+s3] =	stream.linear.scatter [tilespmem:s5], [sflag:$0x5], $0x200, $0x38;
	[tilespmem:$0x15560] =	vst v63  }
0x35f: {  	_ =	swait.ge [sflag:s16], $0x200  }
0x360: {  	[sflag:s16] =	ssyncset.done $0x0  }
0x361: {  	[sflag:s16] =	ssyncadd.s32 $0xFFFFFE00  }
0x362: {  	_ =	sfence.sel $0x180000  }
0x363: {  	[bflag:$0x0] =	sbarrier.arrive $0xFFFF  }
0x364: {  	_ =	strace $0x90000047  }
0x365: {  	s0 =	stileid.u32;
	[bflag:$0x2] =	sbarrier.arrive $0xFFFF  }
0x366: {  	p0 =	sne.s32 s0, $0x0;
	s0 =	rddreg [dreg:$0x3]  }
0x367: {  	s0 =	sadd.s32 @!p0 $0x100000, s0  }
0x368: {  	[sflag:s0] =	ssyncadd.tile.s32 @!p0 $0x1;
	_ =	shalt  }
.Lfunc_end2:
_tile_overlayer_lowered:
.L_overlay_start_2:
0x369: {  	(tag) =	ssettag $0x2  }
0x36a: {  	s0 =	rddreg [dreg:$0x0];
	s2 =	stileid.u32  }
0x36b: {  	s1 =	rddreg [dreg:$0x1];
	p0 =	sne.s32 s2, $0x0  }
0x36c: {  	s3 =	rddreg [dreg:$0x2];
	[bflag:$0x3] =	sbarrier.arrive $0xFFFF;
	s2 =	simm.s32 @!p0 $0x1C05  }
0x36d: {  	[timem:s3], [sflag:s2] =	dma.local @!p0 [hbm:s0], s1  }
0x36e: {  	s0 =	simm.s32 @!p0 $0x5  }
0x36f: {  	_ =	swait.ge @!p0 [sflag:s0], s1  }
0x370: {  	s1 =	ssub.s32 @!p0 $0x0, s1;
	[sflag:s0] =	ssyncset.done @!p0 $0x0  }
0x371: {  	[sflag:s0] =	ssyncadd.s32 @!p0 s1  }
0x372: {  	[bflag:$0x3] =	sbarrier.arrive $0xFFFF  }
0x373: {  	_ =	shalt  }

</sc_bundles>
